<compile_context>
chip_gen: v7x
topology: tpu7x:2x2x1
jax: 0.10.2.dev20260603
libtpu: 0.0.44.dev20260713+nightly
codegen_flags: <defaults>
</compile_context>

<pallas_src>
import functools

import jax
import jax.numpy as jnp
from jax import lax
from jax.experimental import pallas as pl
from jax.experimental.pallas import tpu as pltpu
from jax.experimental.pallas import tpu_sc as plsc

EMB_DIM = 128
STRIPE = 128
HALVES = 2
SUB = STRIPE // HALVES
NBUF = 10
LA = 8


@functools.cache
def _build(batch: int, seq: int):
    info = plsc.get_sparse_core_info()
    nc, ns = info.num_cores, info.num_subcores
    nw = nc * ns
    assert batch == nw * STRIPE
    n_chunks = seq * HALVES
    assert LA < NBUF and n_chunks % NBUF == 0
    mesh = plsc.VectorSubcoreMesh(core_axis_name="c", subcore_axis_name="s")

    @functools.partial(
        pl.kernel,
        out_type=jax.ShapeDtypeStruct((seq, batch, EMB_DIM), jnp.float32),
        mesh=mesh,
        scratch_types=[
            pltpu.VMEM((seq, STRIPE), jnp.int32),
            pltpu.VMEM((NBUF, SUB, EMB_DIM), jnp.float32),
        ]
        + [pltpu.SemaphoreType.DMA] * (2 * NBUF),
    )
    def embed(idx_hbm, table_hbm, out_hbm, idx_v, rows_v, *sems):
        gs, ws = sems[:NBUF], sems[NBUF:]
        wid = lax.axis_index("s") * nc + lax.axis_index("c")
        col = wid * STRIPE
        pltpu.sync_copy(idx_hbm.at[:, pl.ds(col, STRIPE)], idx_v)

        def gather(c, b):
            s, off = c // HALVES, (c % HALVES) * SUB
            return pltpu.make_async_copy(
                table_hbm.at[idx_v.at[s, pl.ds(off, SUB)]], rows_v.at[b], gs[b])

        def write(c, b):
            s, off = c // HALVES, (c % HALVES) * SUB
            return pltpu.make_async_copy(
                rows_v.at[b], out_hbm.at[s, pl.ds(col + off, SUB)], ws[b])

        for c in range(LA):
            gather(c, c % NBUF).start()

        @pl.loop(0, n_chunks, step=NBUF)
        def _(i):
            for b in range(NBUF):
                c = i + b
                bf = (b + LA) % NBUF
                gather(c, b).wait()
                write(c, b).start()
                f = c + LA

                @pl.when(jnp.logical_and(f >= NBUF, f < n_chunks))
                def _():
                    write(f - NBUF, bf).wait()
                    gather(f, bf).start()

                if b + LA < NBUF:

                    @pl.when(f < NBUF)
                    def _():
                        gather(f, bf).start()

        for b in range(NBUF):
            write(n_chunks - NBUF + b, b).wait()

    return embed


def kernel(token_ids, weight):
    b, s = token_ids.shape
    embed = _build(b, s)
    out_sb = embed(token_ids.T.astype(jnp.int32), weight)
    return out_sb.transpose(1, 0, 2)

# --- scband reference (transcript-rebuilt; emitter-appended) ---
"""Pipeline reference for scband-embedding-18159121727717 (READ-ONLY COPY).

The authoritative reference and input builder live on the scoring server;
editing this copy changes nothing except your own understanding.
"""

import jax, jax.numpy as jnp
import numpy as np

NUM_EMBEDDINGS = 100000
EMBEDDING_DIM = 128

def setup_inputs(seed: int = 0) -> dict:
    key = jax.random.key(seed)
    k_idx, k_w = jax.random.split(key)
    token_ids = jax.random.randint(k_idx, (4096, 50), 0, NUM_EMBEDDINGS, dtype=jnp.int64 if jax.config.jax_enable_x64 else jnp.int32)
    # trunc_normal init: mean=0, std=1, a=-3, b=3 approximated via clipped normal
    weight = jnp.clip(jax.random.normal(k_w, (NUM_EMBEDDINGS, EMBEDDING_DIM), dtype=jnp.float32), -3.0, 3.0)
    return {"token_ids": token_ids, "weight": weight}

def reference(token_ids, weight):
    # Faithful translation of: return self.weight[token_ids]
    return jnp.take(weight, token_ids, axis=0)

if __name__ == "__main__":
    import jax
    _d = setup_inputs()
    print(jax.jit(kernel)(*tuple(_d.values())))

</pallas_src>

<mosaic_0001>
#map = affine_map<(d0, d1) -> (0, 0)>
#map1 = affine_map<(d0, d1) -> (0, 0, 0)>
module attributes {stable_mosaic.version = 14 : i64} {
  func.func @embed(%arg0: i32, %arg1: i32, %arg2: memref<50x4096xi32, #tpu.memory_space<hbm>>, %arg3: memref<100000x128xf32, #tpu.memory_space<hbm>>, %arg4: memref<50x4096x128xf32, #tpu.memory_space<hbm>>, %arg5: memref<50x128xi32, #tpu.memory_space<vmem>>, %arg6: memref<10x64x128xf32, #tpu.memory_space<vmem>>, %arg7: memref<!tpu.dma_semaphore, #tpu.memory_space<semaphore_mem>>, %arg8: memref<!tpu.dma_semaphore, #tpu.memory_space<semaphore_mem>>, %arg9: memref<!tpu.dma_semaphore, #tpu.memory_space<semaphore_mem>>, %arg10: memref<!tpu.dma_semaphore, #tpu.memory_space<semaphore_mem>>, %arg11: memref<!tpu.dma_semaphore, #tpu.memory_space<semaphore_mem>>, %arg12: memref<!tpu.dma_semaphore, #tpu.memory_space<semaphore_mem>>, %arg13: memref<!tpu.dma_semaphore, #tpu.memory_space<semaphore_mem>>, %arg14: memref<!tpu.dma_semaphore, #tpu.memory_space<semaphore_mem>>, %arg15: memref<!tpu.dma_semaphore, #tpu.memory_space<semaphore_mem>>, %arg16: memref<!tpu.dma_semaphore, #tpu.memory_space<semaphore_mem>>, %arg17: memref<!tpu.dma_semaphore, #tpu.memory_space<semaphore_mem>>, %arg18: memref<!tpu.dma_semaphore, #tpu.memory_space<semaphore_mem>>, %arg19: memref<!tpu.dma_semaphore, #tpu.memory_space<semaphore_mem>>, %arg20: memref<!tpu.dma_semaphore, #tpu.memory_space<semaphore_mem>>, %arg21: memref<!tpu.dma_semaphore, #tpu.memory_space<semaphore_mem>>, %arg22: memref<!tpu.dma_semaphore, #tpu.memory_space<semaphore_mem>>, %arg23: memref<!tpu.dma_semaphore, #tpu.memory_space<semaphore_mem>>, %arg24: memref<!tpu.dma_semaphore, #tpu.memory_space<semaphore_mem>>, %arg25: memref<!tpu.dma_semaphore, #tpu.memory_space<semaphore_mem>>, %arg26: memref<!tpu.dma_semaphore, #tpu.memory_space<semaphore_mem>>) attributes {dimension_semantics = [#tpu.dimension_semantics<core_parallel>, #tpu.dimension_semantics<subcore_parallel>], iteration_bounds = array<i64: 2, 16>, scalar_prefetch = 0 : i64, scratch_operands = 22 : i64, tpu.core_type = #tpu.core_type<sc_vector_subcore>, window_params = [{transform_indices = #map}, {transform_indices = #map}, {transform_indices = #map1}]} {
    %mul3A = arith.constant 2 : i32
    %mul3A_0 = arith.muli %arg1, %mul3A : i32
    %add3A = arith.addi %mul3A_0, %arg0 : i32
    %mul3A_1 = arith.constant 128 : i32
    %mul3A_2 = arith.muli %add3A, %mul3A_1 : i32
    "tpu.region"() ({
      %run_scoped3A = tpu.sem_alloc : memref<!tpu.dma_semaphore, #tpu.memory_space<semaphore_mem>>
      %dma_start3A_281 = arith.constant 0 : i32
      %dma_start3A_282 = tpu.memref_slice %arg2[%dma_start3A_281, %mul3A_2] : memref<50x4096xi32, #tpu.memory_space<hbm>> -> memref<50x128xi32, #tpu.memory_space<hbm>>
      %dma_start3A_283 = arith.constant 0 : i32
      %dma_start3A_284 = tpu.memref_slice %arg2[%dma_start3A_283, %mul3A_2] : memref<50x4096xi32, #tpu.memory_space<hbm>> -> memref<50x128xi32, #tpu.memory_space<hbm>>
      tpu.enqueue_dma source(%dma_start3A_284 : memref<50x128xi32, #tpu.memory_space<hbm>>) target(%arg5 : memref<50x128xi32, #tpu.memory_space<vmem>>) target_semaphore(%run_scoped3A : memref<!tpu.dma_semaphore, #tpu.memory_space<semaphore_mem>>)
      %dma_wait3A_285 = arith.constant 0 : i32
      %dma_wait3A_286 = tpu.memref_slice %arg2[%dma_wait3A_285, %mul3A_2] : memref<50x4096xi32, #tpu.memory_space<hbm>> -> memref<50x128xi32, #tpu.memory_space<hbm>>
      %dma_wait3A_287 = arith.constant 0 : i32
      %dma_wait3A_288 = tpu.memref_slice %arg2[%dma_wait3A_287, %mul3A_2] : memref<50x4096xi32, #tpu.memory_space<hbm>> -> memref<50x128xi32, #tpu.memory_space<hbm>>
      tpu.wait_dma2 semaphore(%run_scoped3A : memref<!tpu.dma_semaphore, #tpu.memory_space<semaphore_mem>>) src(%dma_wait3A_288 : memref<50x128xi32, #tpu.memory_space<hbm>>) dst(%arg5 : memref<50x128xi32, #tpu.memory_space<vmem>>)
      tpu.yield
    }) : () -> ()
    %dma_start3A = arith.constant 0 : i32
    %dma_start3A_3 = arith.constant 0 : i32
    %dma_start3A_4 = arith.constant 0 : i32
    %dma_start3A_5 = arith.constant 0 : i32
    %dma_start3A_6 = tpu.memref_slice %arg6[%dma_start3A_3, %dma_start3A_4, %dma_start3A_5] : memref<10x64x128xf32, #tpu.memory_space<vmem>> -> memref<1x64x128xf32, #tpu.memory_space<vmem>>
    %dma_start3A_7 = tpu.memref_squeeze %dma_start3A_6 : memref<1x64x128xf32, #tpu.memory_space<vmem>> -> memref<64x128xf32, #tpu.memory_space<vmem>>
    %dma_start3A_8 = arith.constant 0 : i32
    %dma_start3A_9 = tpu.memref_slice %arg5[%dma_start3A, %dma_start3A_8] : memref<50x128xi32, #tpu.memory_space<vmem>> -> memref<1x64xi32, #tpu.memory_space<vmem>>
    %dma_start3A_10 = tpu.memref_squeeze %dma_start3A_9 : memref<1x64xi32, #tpu.memory_space<vmem>> -> memref<64xi32, #tpu.memory_space<vmem>>
    %dma_start3A_11 = arith.constant 0 : i32
    %dma_start3A_12 = arith.constant 0 : i32
    %dma_start3A_13 = tpu.memref_slice %arg3[%dma_start3A_11, %dma_start3A_12] : memref<100000x128xf32, #tpu.memory_space<hbm>> -> memref<100000x128xf32, #tpu.memory_space<hbm>>
    tpu.enqueue_indirect_dma source(%dma_start3A_13 : memref<100000x128xf32, #tpu.memory_space<hbm>>) target(%dma_start3A_7 : memref<64x128xf32, #tpu.memory_space<vmem>>) offsets(%dma_start3A_10 : memref<64xi32, #tpu.memory_space<vmem>>) semaphore(%arg7 : memref<!tpu.dma_semaphore, #tpu.memory_space<semaphore_mem>>)
    %dma_start3A_14 = arith.constant 0 : i32
    %dma_start3A_15 = arith.constant 1 : i32
    %dma_start3A_16 = arith.constant 0 : i32
    %dma_start3A_17 = arith.constant 0 : i32
    %dma_start3A_18 = tpu.memref_slice %arg6[%dma_start3A_15, %dma_start3A_16, %dma_start3A_17] : memref<10x64x128xf32, #tpu.memory_space<vmem>> -> memref<1x64x128xf32, #tpu.memory_space<vmem>>
    %dma_start3A_19 = tpu.memref_squeeze %dma_start3A_18 : memref<1x64x128xf32, #tpu.memory_space<vmem>> -> memref<64x128xf32, #tpu.memory_space<vmem>>
    %dma_start3A_20 = arith.constant 64 : i32
    %dma_start3A_21 = tpu.memref_slice %arg5[%dma_start3A_14, %dma_start3A_20] : memref<50x128xi32, #tpu.memory_space<vmem>> -> memref<1x64xi32, #tpu.memory_space<vmem>>
    %dma_start3A_22 = tpu.memref_squeeze %dma_start3A_21 : memref<1x64xi32, #tpu.memory_space<vmem>> -> memref<64xi32, #tpu.memory_space<vmem>>
    %dma_start3A_23 = arith.constant 0 : i32
    %dma_start3A_24 = arith.constant 0 : i32
    %dma_start3A_25 = tpu.memref_slice %arg3[%dma_start3A_23, %dma_start3A_24] : memref<100000x128xf32, #tpu.memory_space<hbm>> -> memref<100000x128xf32, #tpu.memory_space<hbm>>
    tpu.enqueue_indirect_dma source(%dma_start3A_25 : memref<100000x128xf32, #tpu.memory_space<hbm>>) target(%dma_start3A_19 : memref<64x128xf32, #tpu.memory_space<vmem>>) offsets(%dma_start3A_22 : memref<64xi32, #tpu.memory_space<vmem>>) semaphore(%arg8 : memref<!tpu.dma_semaphore, #tpu.memory_space<semaphore_mem>>)
    %dma_start3A_26 = arith.constant 1 : i32
    %dma_start3A_27 = arith.constant 2 : i32
    %dma_start3A_28 = arith.constant 0 : i32
    %dma_start3A_29 = arith.constant 0 : i32
    %dma_start3A_30 = tpu.memref_slice %arg6[%dma_start3A_27, %dma_start3A_28, %dma_start3A_29] : memref<10x64x128xf32, #tpu.memory_space<vmem>> -> memref<1x64x128xf32, #tpu.memory_space<vmem>>
    %dma_start3A_31 = tpu.memref_squeeze %dma_start3A_30 : memref<1x64x128xf32, #tpu.memory_space<vmem>> -> memref<64x128xf32, #tpu.memory_space<vmem>>
    %dma_start3A_32 = arith.constant 0 : i32
    %dma_start3A_33 = tpu.memref_slice %arg5[%dma_start3A_26, %dma_start3A_32] : memref<50x128xi32, #tpu.memory_space<vmem>> -> memref<1x64xi32, #tpu.memory_space<vmem>>
    %dma_start3A_34 = tpu.memref_squeeze %dma_start3A_33 : memref<1x64xi32, #tpu.memory_space<vmem>> -> memref<64xi32, #tpu.memory_space<vmem>>
    %dma_start3A_35 = arith.constant 0 : i32
    %dma_start3A_36 = arith.constant 0 : i32
    %dma_start3A_37 = tpu.memref_slice %arg3[%dma_start3A_35, %dma_start3A_36] : memref<100000x128xf32, #tpu.memory_space<hbm>> -> memref<100000x128xf32, #tpu.memory_space<hbm>>
    tpu.enqueue_indirect_dma source(%dma_start3A_37 : memref<100000x128xf32, #tpu.memory_space<hbm>>) target(%dma_start3A_31 : memref<64x128xf32, #tpu.memory_space<vmem>>) offsets(%dma_start3A_34 : memref<64xi32, #tpu.memory_space<vmem>>) semaphore(%arg9 : memref<!tpu.dma_semaphore, #tpu.memory_space<semaphore_mem>>)
    %dma_start3A_38 = arith.constant 1 : i32
    %dma_start3A_39 = arith.constant 3 : i32
    %dma_start3A_40 = arith.constant 0 : i32
    %dma_start3A_41 = arith.constant 0 : i32
    %dma_start3A_42 = tpu.memref_slice %arg6[%dma_start3A_39, %dma_start3A_40, %dma_start3A_41] : memref<10x64x128xf32, #tpu.memory_space<vmem>> -> memref<1x64x128xf32, #tpu.memory_space<vmem>>
    %dma_start3A_43 = tpu.memref_squeeze %dma_start3A_42 : memref<1x64x128xf32, #tpu.memory_space<vmem>> -> memref<64x128xf32, #tpu.memory_space<vmem>>
    %dma_start3A_44 = arith.constant 64 : i32
    %dma_start3A_45 = tpu.memref_slice %arg5[%dma_start3A_38, %dma_start3A_44] : memref<50x128xi32, #tpu.memory_space<vmem>> -> memref<1x64xi32, #tpu.memory_space<vmem>>
    %dma_start3A_46 = tpu.memref_squeeze %dma_start3A_45 : memref<1x64xi32, #tpu.memory_space<vmem>> -> memref<64xi32, #tpu.memory_space<vmem>>
    %dma_start3A_47 = arith.constant 0 : i32
    %dma_start3A_48 = arith.constant 0 : i32
    %dma_start3A_49 = tpu.memref_slice %arg3[%dma_start3A_47, %dma_start3A_48] : memref<100000x128xf32, #tpu.memory_space<hbm>> -> memref<100000x128xf32, #tpu.memory_space<hbm>>
    tpu.enqueue_indirect_dma source(%dma_start3A_49 : memref<100000x128xf32, #tpu.memory_space<hbm>>) target(%dma_start3A_43 : memref<64x128xf32, #tpu.memory_space<vmem>>) offsets(%dma_start3A_46 : memref<64xi32, #tpu.memory_space<vmem>>) semaphore(%arg10 : memref<!tpu.dma_semaphore, #tpu.memory_space<semaphore_mem>>)
    %dma_start3A_50 = arith.constant 2 : i32
    %dma_start3A_51 = arith.constant 4 : i32
    %dma_start3A_52 = arith.constant 0 : i32
    %dma_start3A_53 = arith.constant 0 : i32
    %dma_start3A_54 = tpu.memref_slice %arg6[%dma_start3A_51, %dma_start3A_52, %dma_start3A_53] : memref<10x64x128xf32, #tpu.memory_space<vmem>> -> memref<1x64x128xf32, #tpu.memory_space<vmem>>
    %dma_start3A_55 = tpu.memref_squeeze %dma_start3A_54 : memref<1x64x128xf32, #tpu.memory_space<vmem>> -> memref<64x128xf32, #tpu.memory_space<vmem>>
    %dma_start3A_56 = arith.constant 0 : i32
    %dma_start3A_57 = tpu.memref_slice %arg5[%dma_start3A_50, %dma_start3A_56] : memref<50x128xi32, #tpu.memory_space<vmem>> -> memref<1x64xi32, #tpu.memory_space<vmem>>
    %dma_start3A_58 = tpu.memref_squeeze %dma_start3A_57 : memref<1x64xi32, #tpu.memory_space<vmem>> -> memref<64xi32, #tpu.memory_space<vmem>>
    %dma_start3A_59 = arith.constant 0 : i32
    %dma_start3A_60 = arith.constant 0 : i32
    %dma_start3A_61 = tpu.memref_slice %arg3[%dma_start3A_59, %dma_start3A_60] : memref<100000x128xf32, #tpu.memory_space<hbm>> -> memref<100000x128xf32, #tpu.memory_space<hbm>>
    tpu.enqueue_indirect_dma source(%dma_start3A_61 : memref<100000x128xf32, #tpu.memory_space<hbm>>) target(%dma_start3A_55 : memref<64x128xf32, #tpu.memory_space<vmem>>) offsets(%dma_start3A_58 : memref<64xi32, #tpu.memory_space<vmem>>) semaphore(%arg11 : memref<!tpu.dma_semaphore, #tpu.memory_space<semaphore_mem>>)
    %dma_start3A_62 = arith.constant 2 : i32
    %dma_start3A_63 = arith.constant 5 : i32
    %dma_start3A_64 = arith.constant 0 : i32
    %dma_start3A_65 = arith.constant 0 : i32
    %dma_start3A_66 = tpu.memref_slice %arg6[%dma_start3A_63, %dma_start3A_64, %dma_start3A_65] : memref<10x64x128xf32, #tpu.memory_space<vmem>> -> memref<1x64x128xf32, #tpu.memory_space<vmem>>
    %dma_start3A_67 = tpu.memref_squeeze %dma_start3A_66 : memref<1x64x128xf32, #tpu.memory_space<vmem>> -> memref<64x128xf32, #tpu.memory_space<vmem>>
    %dma_start3A_68 = arith.constant 64 : i32
    %dma_start3A_69 = tpu.memref_slice %arg5[%dma_start3A_62, %dma_start3A_68] : memref<50x128xi32, #tpu.memory_space<vmem>> -> memref<1x64xi32, #tpu.memory_space<vmem>>
    %dma_start3A_70 = tpu.memref_squeeze %dma_start3A_69 : memref<1x64xi32, #tpu.memory_space<vmem>> -> memref<64xi32, #tpu.memory_space<vmem>>
    %dma_start3A_71 = arith.constant 0 : i32
    %dma_start3A_72 = arith.constant 0 : i32
    %dma_start3A_73 = tpu.memref_slice %arg3[%dma_start3A_71, %dma_start3A_72] : memref<100000x128xf32, #tpu.memory_space<hbm>> -> memref<100000x128xf32, #tpu.memory_space<hbm>>
    tpu.enqueue_indirect_dma source(%dma_start3A_73 : memref<100000x128xf32, #tpu.memory_space<hbm>>) target(%dma_start3A_67 : memref<64x128xf32, #tpu.memory_space<vmem>>) offsets(%dma_start3A_70 : memref<64xi32, #tpu.memory_space<vmem>>) semaphore(%arg12 : memref<!tpu.dma_semaphore, #tpu.memory_space<semaphore_mem>>)
    %dma_start3A_74 = arith.constant 3 : i32
    %dma_start3A_75 = arith.constant 6 : i32
    %dma_start3A_76 = arith.constant 0 : i32
    %dma_start3A_77 = arith.constant 0 : i32
    %dma_start3A_78 = tpu.memref_slice %arg6[%dma_start3A_75, %dma_start3A_76, %dma_start3A_77] : memref<10x64x128xf32, #tpu.memory_space<vmem>> -> memref<1x64x128xf32, #tpu.memory_space<vmem>>
    %dma_start3A_79 = tpu.memref_squeeze %dma_start3A_78 : memref<1x64x128xf32, #tpu.memory_space<vmem>> -> memref<64x128xf32, #tpu.memory_space<vmem>>
    %dma_start3A_80 = arith.constant 0 : i32
    %dma_start3A_81 = tpu.memref_slice %arg5[%dma_start3A_74, %dma_start3A_80] : memref<50x128xi32, #tpu.memory_space<vmem>> -> memref<1x64xi32, #tpu.memory_space<vmem>>
    %dma_start3A_82 = tpu.memref_squeeze %dma_start3A_81 : memref<1x64xi32, #tpu.memory_space<vmem>> -> memref<64xi32, #tpu.memory_space<vmem>>
    %dma_start3A_83 = arith.constant 0 : i32
    %dma_start3A_84 = arith.constant 0 : i32
    %dma_start3A_85 = tpu.memref_slice %arg3[%dma_start3A_83, %dma_start3A_84] : memref<100000x128xf32, #tpu.memory_space<hbm>> -> memref<100000x128xf32, #tpu.memory_space<hbm>>
    tpu.enqueue_indirect_dma source(%dma_start3A_85 : memref<100000x128xf32, #tpu.memory_space<hbm>>) target(%dma_start3A_79 : memref<64x128xf32, #tpu.memory_space<vmem>>) offsets(%dma_start3A_82 : memref<64xi32, #tpu.memory_space<vmem>>) semaphore(%arg13 : memref<!tpu.dma_semaphore, #tpu.memory_space<semaphore_mem>>)
    %dma_start3A_86 = arith.constant 3 : i32
    %dma_start3A_87 = arith.constant 7 : i32
    %dma_start3A_88 = arith.constant 0 : i32
    %dma_start3A_89 = arith.constant 0 : i32
    %dma_start3A_90 = tpu.memref_slice %arg6[%dma_start3A_87, %dma_start3A_88, %dma_start3A_89] : memref<10x64x128xf32, #tpu.memory_space<vmem>> -> memref<1x64x128xf32, #tpu.memory_space<vmem>>
    %dma_start3A_91 = tpu.memref_squeeze %dma_start3A_90 : memref<1x64x128xf32, #tpu.memory_space<vmem>> -> memref<64x128xf32, #tpu.memory_space<vmem>>
    %dma_start3A_92 = arith.constant 64 : i32
    %dma_start3A_93 = tpu.memref_slice %arg5[%dma_start3A_86, %dma_start3A_92] : memref<50x128xi32, #tpu.memory_space<vmem>> -> memref<1x64xi32, #tpu.memory_space<vmem>>
    %dma_start3A_94 = tpu.memref_squeeze %dma_start3A_93 : memref<1x64xi32, #tpu.memory_space<vmem>> -> memref<64xi32, #tpu.memory_space<vmem>>
    %dma_start3A_95 = arith.constant 0 : i32
    %dma_start3A_96 = arith.constant 0 : i32
    %dma_start3A_97 = tpu.memref_slice %arg3[%dma_start3A_95, %dma_start3A_96] : memref<100000x128xf32, #tpu.memory_space<hbm>> -> memref<100000x128xf32, #tpu.memory_space<hbm>>
    tpu.enqueue_indirect_dma source(%dma_start3A_97 : memref<100000x128xf32, #tpu.memory_space<hbm>>) target(%dma_start3A_91 : memref<64x128xf32, #tpu.memory_space<vmem>>) offsets(%dma_start3A_94 : memref<64xi32, #tpu.memory_space<vmem>>) semaphore(%arg14 : memref<!tpu.dma_semaphore, #tpu.memory_space<semaphore_mem>>)
    %scan3A = arith.constant 0 : i32
    %scan3A_98 = arith.constant 10 : i32
    %scan3A_99 = arith.addi %scan3A, %scan3A_98 : i32
    %scan3A_100 = arith.constant 1 : i32
    scf.for %scan3A_281 = %scan3A to %scan3A_99 step %scan3A_100  : i32 {
      %mul3A_282 = arith.constant 10 : i32
      %mul3A_283 = arith.muli %scan3A_281, %mul3A_282 : i32
      %add3A_284 = arith.constant 0 : i32
      %add3A_285 = arith.addi %add3A_284, %mul3A_283 : i32
      %add3A_286 = arith.constant 0 : i32
      %add3A_287 = arith.addi %add3A_285, %add3A_286 : i32
      %jit3A = arith.constant 2 : i32
      %div3A = arith.divsi %add3A_287, %jit3A : i32
      %sign3A = arith.constant 0 : i32
      %sign3A_288 = arith.cmpi sgt, %add3A_287, %sign3A : i32
      %sign3A_289 = arith.extui %sign3A_288 : i1 to i32
      %sign3A_290 = arith.constant 0 : i32
      %sign3A_291 = arith.cmpi slt, %add3A_287, %sign3A_290 : i32
      %sign3A_292 = arith.extui %sign3A_291 : i1 to i32
      %sign3A_293 = arith.subi %sign3A_289, %sign3A_292 : i32
      %sign3A_294 = arith.constant 0 : i32
      %sign3A_295 = arith.cmpi sgt, %jit3A, %sign3A_294 : i32
      %sign3A_296 = arith.extui %sign3A_295 : i1 to i32
      %sign3A_297 = arith.constant 0 : i32
      %sign3A_298 = arith.cmpi slt, %jit3A, %sign3A_297 : i32
      %sign3A_299 = arith.extui %sign3A_298 : i1 to i32
      %sign3A_300 = arith.subi %sign3A_296, %sign3A_299 : i32
      %ne3A = arith.cmpi ne, %sign3A_293, %sign3A_300 : i32
      %rem3A = arith.remsi %add3A_287, %jit3A : i32
      %ne3A_301 = arith.constant 0 : i32
      %ne3A_302 = arith.cmpi ne, %rem3A, %ne3A_301 : i32
      %and3A = arith.andi %ne3A, %ne3A_302 : i1
      %sub3A = arith.constant 1 : i32
      %sub3A_303 = arith.subi %div3A, %sub3A : i32
      %select_n3A = arith.select %and3A, %sub3A_303, %div3A : i32
      %jit3A_304 = arith.constant 2 : i32
      %eq3A = arith.constant 0 : i32
      %eq3A_305 = arith.cmpi eq, %jit3A_304, %eq3A : i32
      %jit3A_306 = arith.constant 1 : i32
      %select_n3A_307 = arith.select %eq3A_305, %jit3A_306, %jit3A_304 : i32
      %rem3A_308 = arith.remsi %add3A_287, %select_n3A_307 : i32
      %ne3A_309 = arith.constant 0 : i32
      %ne3A_310 = arith.cmpi ne, %rem3A_308, %ne3A_309 : i32
      %lt3A = arith.constant 0 : i32
      %lt3A_311 = arith.cmpi slt, %rem3A_308, %lt3A : i32
      %lt3A_312 = arith.constant 0 : i32
      %lt3A_313 = arith.cmpi slt, %select_n3A_307, %lt3A_312 : i32
      %ne3A_314 = arith.xori %lt3A_311, %lt3A_313 : i1
      %and3A_315 = arith.andi %ne3A_314, %ne3A_310 : i1
      %add3A_316 = arith.addi %rem3A_308, %select_n3A_307 : i32
      %select_n3A_317 = arith.select %and3A_315, %add3A_316, %rem3A_308 : i32
      %mul3A_318 = arith.constant 64 : i32
      %mul3A_319 = arith.muli %select_n3A_317, %mul3A_318 : i32
      %dma_wait3A_320 = arith.constant 0 : i32
      %dma_wait3A_321 = arith.constant 0 : i32
      %dma_wait3A_322 = arith.constant 0 : i32
      %dma_wait3A_323 = tpu.memref_slice %arg6[%dma_wait3A_320, %dma_wait3A_321, %dma_wait3A_322] : memref<10x64x128xf32, #tpu.memory_space<vmem>> -> memref<1x64x128xf32, #tpu.memory_space<vmem>>
      %dma_wait3A_324 = tpu.memref_squeeze %dma_wait3A_323 : memref<1x64x128xf32, #tpu.memory_space<vmem>> -> memref<64x128xf32, #tpu.memory_space<vmem>>
      %dma_wait3A_325 = tpu.memref_slice %arg5[%select_n3A, %mul3A_319] : memref<50x128xi32, #tpu.memory_space<vmem>> -> memref<1x64xi32, #tpu.memory_space<vmem>>
      %dma_wait3A_326 = tpu.memref_squeeze %dma_wait3A_325 : memref<1x64xi32, #tpu.memory_space<vmem>> -> memref<64xi32, #tpu.memory_space<vmem>>
      %dma_wait3A_327 = arith.constant 0 : i32
      %dma_wait3A_328 = arith.constant 0 : i32
      %dma_wait3A_329 = tpu.memref_slice %arg3[%dma_wait3A_327, %dma_wait3A_328] : memref<100000x128xf32, #tpu.memory_space<hbm>> -> memref<100000x128xf32, #tpu.memory_space<hbm>>
      tpu.wait_indirect_dma semaphore(%arg7 : memref<!tpu.dma_semaphore, #tpu.memory_space<semaphore_mem>>) src(%dma_wait3A_329 : memref<100000x128xf32, #tpu.memory_space<hbm>>) dst(%dma_wait3A_324 : memref<64x128xf32, #tpu.memory_space<vmem>>)
      %jit3A_330 = arith.constant 2 : i32
      %div3A_331 = arith.divsi %add3A_287, %jit3A_330 : i32
      %sign3A_332 = arith.constant 0 : i32
      %sign3A_333 = arith.cmpi sgt, %add3A_287, %sign3A_332 : i32
      %sign3A_334 = arith.extui %sign3A_333 : i1 to i32
      %sign3A_335 = arith.constant 0 : i32
      %sign3A_336 = arith.cmpi slt, %add3A_287, %sign3A_335 : i32
      %sign3A_337 = arith.extui %sign3A_336 : i1 to i32
      %sign3A_338 = arith.subi %sign3A_334, %sign3A_337 : i32
      %sign3A_339 = arith.constant 0 : i32
      %sign3A_340 = arith.cmpi sgt, %jit3A_330, %sign3A_339 : i32
      %sign3A_341 = arith.extui %sign3A_340 : i1 to i32
      %sign3A_342 = arith.constant 0 : i32
      %sign3A_343 = arith.cmpi slt, %jit3A_330, %sign3A_342 : i32
      %sign3A_344 = arith.extui %sign3A_343 : i1 to i32
      %sign3A_345 = arith.subi %sign3A_341, %sign3A_344 : i32
      %ne3A_346 = arith.cmpi ne, %sign3A_338, %sign3A_345 : i32
      %rem3A_347 = arith.remsi %add3A_287, %jit3A_330 : i32
      %ne3A_348 = arith.constant 0 : i32
      %ne3A_349 = arith.cmpi ne, %rem3A_347, %ne3A_348 : i32
      %and3A_350 = arith.andi %ne3A_346, %ne3A_349 : i1
      %sub3A_351 = arith.constant 1 : i32
      %sub3A_352 = arith.subi %div3A_331, %sub3A_351 : i32
      %select_n3A_353 = arith.select %and3A_350, %sub3A_352, %div3A_331 : i32
      %jit3A_354 = arith.constant 2 : i32
      %eq3A_355 = arith.constant 0 : i32
      %eq3A_356 = arith.cmpi eq, %jit3A_354, %eq3A_355 : i32
      %jit3A_357 = arith.constant 1 : i32
      %select_n3A_358 = arith.select %eq3A_356, %jit3A_357, %jit3A_354 : i32
      %rem3A_359 = arith.remsi %add3A_287, %select_n3A_358 : i32
      %ne3A_360 = arith.constant 0 : i32
      %ne3A_361 = arith.cmpi ne, %rem3A_359, %ne3A_360 : i32
      %lt3A_362 = arith.constant 0 : i32
      %lt3A_363 = arith.cmpi slt, %rem3A_359, %lt3A_362 : i32
      %lt3A_364 = arith.constant 0 : i32
      %lt3A_365 = arith.cmpi slt, %select_n3A_358, %lt3A_364 : i32
      %ne3A_366 = arith.xori %lt3A_363, %lt3A_365 : i1
      %and3A_367 = arith.andi %ne3A_366, %ne3A_361 : i1
      %add3A_368 = arith.addi %rem3A_359, %select_n3A_358 : i32
      %select_n3A_369 = arith.select %and3A_367, %add3A_368, %rem3A_359 : i32
      %mul3A_370 = arith.constant 64 : i32
      %mul3A_371 = arith.muli %select_n3A_369, %mul3A_370 : i32
      %add3A_372 = arith.addi %mul3A_2, %mul3A_371 : i32
      %dma_start3A_373 = arith.constant 0 : i32
      %dma_start3A_374 = arith.constant 0 : i32
      %dma_start3A_375 = arith.constant 0 : i32
      %dma_start3A_376 = tpu.memref_slice %arg6[%dma_start3A_373, %dma_start3A_374, %dma_start3A_375] : memref<10x64x128xf32, #tpu.memory_space<vmem>> -> memref<1x64x128xf32, #tpu.memory_space<vmem>>
      %dma_start3A_377 = tpu.memref_squeeze %dma_start3A_376 : memref<1x64x128xf32, #tpu.memory_space<vmem>> -> memref<64x128xf32, #tpu.memory_space<vmem>>
      %dma_start3A_378 = arith.constant 0 : i32
      %dma_start3A_379 = tpu.memref_slice %arg4[%select_n3A_353, %add3A_372, %dma_start3A_378] : memref<50x4096x128xf32, #tpu.memory_space<hbm>> -> memref<1x64x128xf32, #tpu.memory_space<hbm>>
      %dma_start3A_380 = tpu.memref_squeeze %dma_start3A_379 : memref<1x64x128xf32, #tpu.memory_space<hbm>> -> memref<64x128xf32, #tpu.memory_space<hbm>>
      %dma_start3A_381 = arith.constant 0 : i32
      %dma_start3A_382 = tpu.memref_slice %arg4[%select_n3A_353, %add3A_372, %dma_start3A_381] : memref<50x4096x128xf32, #tpu.memory_space<hbm>> -> memref<1x64x128xf32, #tpu.memory_space<hbm>>
      %dma_start3A_383 = tpu.memref_squeeze %dma_start3A_382 : memref<1x64x128xf32, #tpu.memory_space<hbm>> -> memref<64x128xf32, #tpu.memory_space<hbm>>
      %dma_start3A_384 = arith.constant 0 : i32
      %dma_start3A_385 = arith.constant 0 : i32
      %dma_start3A_386 = tpu.memref_slice %arg6[%dma_start3A_373, %dma_start3A_384, %dma_start3A_385] : memref<10x64x128xf32, #tpu.memory_space<vmem>> -> memref<1x64x128xf32, #tpu.memory_space<vmem>>
      %dma_start3A_387 = tpu.memref_squeeze %dma_start3A_386 : memref<1x64x128xf32, #tpu.memory_space<vmem>> -> memref<64x128xf32, #tpu.memory_space<vmem>>
      tpu.enqueue_dma source(%dma_start3A_387 : memref<64x128xf32, #tpu.memory_space<vmem>>) target(%dma_start3A_383 : memref<64x128xf32, #tpu.memory_space<hbm>>) target_semaphore(%arg17 : memref<!tpu.dma_semaphore, #tpu.memory_space<semaphore_mem>>)
      %add3A_388 = arith.constant 8 : i32
      %add3A_389 = arith.addi %add3A_287, %add3A_388 : i32
      %ge3A = arith.constant 10 : i32
      %ge3A_390 = arith.cmpi sge, %add3A_389, %ge3A : i32
      %lt3A_391 = arith.constant 100 : i32
      %lt3A_392 = arith.cmpi slt, %add3A_389, %lt3A_391 : i32
      %and3A_393 = arith.andi %ge3A_390, %lt3A_392 : i1
      %convert_element_type3A = arith.extui %and3A_393 : i1 to i32
      %cond3A = arith.constant 0 : i32
      %cond3A_394 = arith.cmpi ne, %convert_element_type3A, %cond3A : i32
      scf.if %cond3A_394 {
        %sub3A_1503 = arith.constant 10 : i32
        %sub3A_1504 = arith.subi %add3A_389, %sub3A_1503 : i32
        %jit3A_1505 = arith.constant 2 : i32
        %div3A_1506 = arith.divsi %sub3A_1504, %jit3A_1505 : i32
        %sign3A_1507 = arith.constant 0 : i32
        %sign3A_1508 = arith.cmpi sgt, %sub3A_1504, %sign3A_1507 : i32
        %sign3A_1509 = arith.extui %sign3A_1508 : i1 to i32
        %sign3A_1510 = arith.constant 0 : i32
        %sign3A_1511 = arith.cmpi slt, %sub3A_1504, %sign3A_1510 : i32
        %sign3A_1512 = arith.extui %sign3A_1511 : i1 to i32
        %sign3A_1513 = arith.subi %sign3A_1509, %sign3A_1512 : i32
        %sign3A_1514 = arith.constant 0 : i32
        %sign3A_1515 = arith.cmpi sgt, %jit3A_1505, %sign3A_1514 : i32
        %sign3A_1516 = arith.extui %sign3A_1515 : i1 to i32
        %sign3A_1517 = arith.constant 0 : i32
        %sign3A_1518 = arith.cmpi slt, %jit3A_1505, %sign3A_1517 : i32
        %sign3A_1519 = arith.extui %sign3A_1518 : i1 to i32
        %sign3A_1520 = arith.subi %sign3A_1516, %sign3A_1519 : i32
        %ne3A_1521 = arith.cmpi ne, %sign3A_1513, %sign3A_1520 : i32
        %rem3A_1522 = arith.remsi %sub3A_1504, %jit3A_1505 : i32
        %ne3A_1523 = arith.constant 0 : i32
        %ne3A_1524 = arith.cmpi ne, %rem3A_1522, %ne3A_1523 : i32
        %and3A_1525 = arith.andi %ne3A_1521, %ne3A_1524 : i1
        %sub3A_1526 = arith.constant 1 : i32
        %sub3A_1527 = arith.subi %div3A_1506, %sub3A_1526 : i32
        %select_n3A_1528 = arith.select %and3A_1525, %sub3A_1527, %div3A_1506 : i32
        %jit3A_1529 = arith.constant 2 : i32
        %eq3A_1530 = arith.constant 0 : i32
        %eq3A_1531 = arith.cmpi eq, %jit3A_1529, %eq3A_1530 : i32
        %jit3A_1532 = arith.constant 1 : i32
        %select_n3A_1533 = arith.select %eq3A_1531, %jit3A_1532, %jit3A_1529 : i32
        %rem3A_1534 = arith.remsi %sub3A_1504, %select_n3A_1533 : i32
        %ne3A_1535 = arith.constant 0 : i32
        %ne3A_1536 = arith.cmpi ne, %rem3A_1534, %ne3A_1535 : i32
        %lt3A_1537 = arith.constant 0 : i32
        %lt3A_1538 = arith.cmpi slt, %rem3A_1534, %lt3A_1537 : i32
        %lt3A_1539 = arith.constant 0 : i32
        %lt3A_1540 = arith.cmpi slt, %select_n3A_1533, %lt3A_1539 : i32
        %ne3A_1541 = arith.xori %lt3A_1538, %lt3A_1540 : i1
        %and3A_1542 = arith.andi %ne3A_1541, %ne3A_1536 : i1
        %add3A_1543 = arith.addi %rem3A_1534, %select_n3A_1533 : i32
        %select_n3A_1544 = arith.select %and3A_1542, %add3A_1543, %rem3A_1534 : i32
        %mul3A_1545 = arith.constant 64 : i32
        %mul3A_1546 = arith.muli %select_n3A_1544, %mul3A_1545 : i32
        %add3A_1547 = arith.addi %mul3A_2, %mul3A_1546 : i32
        %dma_wait3A_1548 = arith.constant 8 : i32
        %dma_wait3A_1549 = arith.constant 0 : i32
        %dma_wait3A_1550 = arith.constant 0 : i32
        %dma_wait3A_1551 = tpu.memref_slice %arg6[%dma_wait3A_1548, %dma_wait3A_1549, %dma_wait3A_1550] : memref<10x64x128xf32, #tpu.memory_space<vmem>> -> memref<1x64x128xf32, #tpu.memory_space<vmem>>
        %dma_wait3A_1552 = tpu.memref_squeeze %dma_wait3A_1551 : memref<1x64x128xf32, #tpu.memory_space<vmem>> -> memref<64x128xf32, #tpu.memory_space<vmem>>
        %dma_wait3A_1553 = arith.constant 0 : i32
        %dma_wait3A_1554 = tpu.memref_slice %arg4[%select_n3A_1528, %add3A_1547, %dma_wait3A_1553] : memref<50x4096x128xf32, #tpu.memory_space<hbm>> -> memref<1x64x128xf32, #tpu.memory_space<hbm>>
        %dma_wait3A_1555 = tpu.memref_squeeze %dma_wait3A_1554 : memref<1x64x128xf32, #tpu.memory_space<hbm>> -> memref<64x128xf32, #tpu.memory_space<hbm>>
        %dma_wait3A_1556 = arith.constant 0 : i32
        %dma_wait3A_1557 = tpu.memref_slice %arg4[%select_n3A_1528, %add3A_1547, %dma_wait3A_1556] : memref<50x4096x128xf32, #tpu.memory_space<hbm>> -> memref<1x64x128xf32, #tpu.memory_space<hbm>>
        %dma_wait3A_1558 = tpu.memref_squeeze %dma_wait3A_1557 : memref<1x64x128xf32, #tpu.memory_space<hbm>> -> memref<64x128xf32, #tpu.memory_space<hbm>>
        %dma_wait3A_1559 = arith.constant 0 : i32
        %dma_wait3A_1560 = arith.constant 0 : i32
        %dma_wait3A_1561 = tpu.memref_slice %arg6[%dma_wait3A_1548, %dma_wait3A_1559, %dma_wait3A_1560] : memref<10x64x128xf32, #tpu.memory_space<vmem>> -> memref<1x64x128xf32, #tpu.memory_space<vmem>>
        %dma_wait3A_1562 = tpu.memref_squeeze %dma_wait3A_1561 : memref<1x64x128xf32, #tpu.memory_space<vmem>> -> memref<64x128xf32, #tpu.memory_space<vmem>>
        tpu.wait_dma2 semaphore(%arg25 : memref<!tpu.dma_semaphore, #tpu.memory_space<semaphore_mem>>) src(%dma_wait3A_1562 : memref<64x128xf32, #tpu.memory_space<vmem>>) dst(%dma_wait3A_1558 : memref<64x128xf32, #tpu.memory_space<hbm>>)
        %jit3A_1563 = arith.constant 2 : i32
        %div3A_1564 = arith.divsi %add3A_389, %jit3A_1563 : i32
        %sign3A_1565 = arith.constant 0 : i32
        %sign3A_1566 = arith.cmpi sgt, %add3A_389, %sign3A_1565 : i32
        %sign3A_1567 = arith.extui %sign3A_1566 : i1 to i32
        %sign3A_1568 = arith.constant 0 : i32
        %sign3A_1569 = arith.cmpi slt, %add3A_389, %sign3A_1568 : i32
        %sign3A_1570 = arith.extui %sign3A_1569 : i1 to i32
        %sign3A_1571 = arith.subi %sign3A_1567, %sign3A_1570 : i32
        %sign3A_1572 = arith.constant 0 : i32
        %sign3A_1573 = arith.cmpi sgt, %jit3A_1563, %sign3A_1572 : i32
        %sign3A_1574 = arith.extui %sign3A_1573 : i1 to i32
        %sign3A_1575 = arith.constant 0 : i32
        %sign3A_1576 = arith.cmpi slt, %jit3A_1563, %sign3A_1575 : i32
        %sign3A_1577 = arith.extui %sign3A_1576 : i1 to i32
        %sign3A_1578 = arith.subi %sign3A_1574, %sign3A_1577 : i32
        %ne3A_1579 = arith.cmpi ne, %sign3A_1571, %sign3A_1578 : i32
        %rem3A_1580 = arith.remsi %add3A_389, %jit3A_1563 : i32
        %ne3A_1581 = arith.constant 0 : i32
        %ne3A_1582 = arith.cmpi ne, %rem3A_1580, %ne3A_1581 : i32
        %and3A_1583 = arith.andi %ne3A_1579, %ne3A_1582 : i1
        %sub3A_1584 = arith.constant 1 : i32
        %sub3A_1585 = arith.subi %div3A_1564, %sub3A_1584 : i32
        %select_n3A_1586 = arith.select %and3A_1583, %sub3A_1585, %div3A_1564 : i32
        %jit3A_1587 = arith.constant 2 : i32
        %eq3A_1588 = arith.constant 0 : i32
        %eq3A_1589 = arith.cmpi eq, %jit3A_1587, %eq3A_1588 : i32
        %jit3A_1590 = arith.constant 1 : i32
        %select_n3A_1591 = arith.select %eq3A_1589, %jit3A_1590, %jit3A_1587 : i32
        %rem3A_1592 = arith.remsi %add3A_389, %select_n3A_1591 : i32
        %ne3A_1593 = arith.constant 0 : i32
        %ne3A_1594 = arith.cmpi ne, %rem3A_1592, %ne3A_1593 : i32
        %lt3A_1595 = arith.constant 0 : i32
        %lt3A_1596 = arith.cmpi slt, %rem3A_1592, %lt3A_1595 : i32
        %lt3A_1597 = arith.constant 0 : i32
        %lt3A_1598 = arith.cmpi slt, %select_n3A_1591, %lt3A_1597 : i32
        %ne3A_1599 = arith.xori %lt3A_1596, %lt3A_1598 : i1
        %and3A_1600 = arith.andi %ne3A_1599, %ne3A_1594 : i1
        %add3A_1601 = arith.addi %rem3A_1592, %select_n3A_1591 : i32
        %select_n3A_1602 = arith.select %and3A_1600, %add3A_1601, %rem3A_1592 : i32
        %mul3A_1603 = arith.constant 64 : i32
        %mul3A_1604 = arith.muli %select_n3A_1602, %mul3A_1603 : i32
        %dma_start3A_1605 = arith.constant 8 : i32
        %dma_start3A_1606 = arith.constant 0 : i32
        %dma_start3A_1607 = arith.constant 0 : i32
        %dma_start3A_1608 = tpu.memref_slice %arg6[%dma_start3A_1605, %dma_start3A_1606, %dma_start3A_1607] : memref<10x64x128xf32, #tpu.memory_space<vmem>> -> memref<1x64x128xf32, #tpu.memory_space<vmem>>
        %dma_start3A_1609 = tpu.memref_squeeze %dma_start3A_1608 : memref<1x64x128xf32, #tpu.memory_space<vmem>> -> memref<64x128xf32, #tpu.memory_space<vmem>>
        %dma_start3A_1610 = tpu.memref_slice %arg5[%select_n3A_1586, %mul3A_1604] : memref<50x128xi32, #tpu.memory_space<vmem>> -> memref<1x64xi32, #tpu.memory_space<vmem>>
        %dma_start3A_1611 = tpu.memref_squeeze %dma_start3A_1610 : memref<1x64xi32, #tpu.memory_space<vmem>> -> memref<64xi32, #tpu.memory_space<vmem>>
        %dma_start3A_1612 = arith.constant 0 : i32
        %dma_start3A_1613 = arith.constant 0 : i32
        %dma_start3A_1614 = tpu.memref_slice %arg3[%dma_start3A_1612, %dma_start3A_1613] : memref<100000x128xf32, #tpu.memory_space<hbm>> -> memref<100000x128xf32, #tpu.memory_space<hbm>>
        tpu.enqueue_indirect_dma source(%dma_start3A_1614 : memref<100000x128xf32, #tpu.memory_space<hbm>>) target(%dma_start3A_1609 : memref<64x128xf32, #tpu.memory_space<vmem>>) offsets(%dma_start3A_1611 : memref<64xi32, #tpu.memory_space<vmem>>) semaphore(%arg15 : memref<!tpu.dma_semaphore, #tpu.memory_space<semaphore_mem>>)
      } else {
      }
      %lt3A_395 = arith.constant 10 : i32
      %lt3A_396 = arith.cmpi slt, %add3A_389, %lt3A_395 : i32
      %convert_element_type3A_397 = arith.extui %lt3A_396 : i1 to i32
      %cond3A_398 = arith.constant 0 : i32
      %cond3A_399 = arith.cmpi ne, %convert_element_type3A_397, %cond3A_398 : i32
      scf.if %cond3A_399 {
        %jit3A_1503 = arith.constant 2 : i32
        %div3A_1504 = arith.divsi %add3A_389, %jit3A_1503 : i32
        %sign3A_1505 = arith.constant 0 : i32
        %sign3A_1506 = arith.cmpi sgt, %add3A_389, %sign3A_1505 : i32
        %sign3A_1507 = arith.extui %sign3A_1506 : i1 to i32
        %sign3A_1508 = arith.constant 0 : i32
        %sign3A_1509 = arith.cmpi slt, %add3A_389, %sign3A_1508 : i32
        %sign3A_1510 = arith.extui %sign3A_1509 : i1 to i32
        %sign3A_1511 = arith.subi %sign3A_1507, %sign3A_1510 : i32
        %sign3A_1512 = arith.constant 0 : i32
        %sign3A_1513 = arith.cmpi sgt, %jit3A_1503, %sign3A_1512 : i32
        %sign3A_1514 = arith.extui %sign3A_1513 : i1 to i32
        %sign3A_1515 = arith.constant 0 : i32
        %sign3A_1516 = arith.cmpi slt, %jit3A_1503, %sign3A_1515 : i32
        %sign3A_1517 = arith.extui %sign3A_1516 : i1 to i32
        %sign3A_1518 = arith.subi %sign3A_1514, %sign3A_1517 : i32
        %ne3A_1519 = arith.cmpi ne, %sign3A_1511, %sign3A_1518 : i32
        %rem3A_1520 = arith.remsi %add3A_389, %jit3A_1503 : i32
        %ne3A_1521 = arith.constant 0 : i32
        %ne3A_1522 = arith.cmpi ne, %rem3A_1520, %ne3A_1521 : i32
        %and3A_1523 = arith.andi %ne3A_1519, %ne3A_1522 : i1
        %sub3A_1524 = arith.constant 1 : i32
        %sub3A_1525 = arith.subi %div3A_1504, %sub3A_1524 : i32
        %select_n3A_1526 = arith.select %and3A_1523, %sub3A_1525, %div3A_1504 : i32
        %jit3A_1527 = arith.constant 2 : i32
        %eq3A_1528 = arith.constant 0 : i32
        %eq3A_1529 = arith.cmpi eq, %jit3A_1527, %eq3A_1528 : i32
        %jit3A_1530 = arith.constant 1 : i32
        %select_n3A_1531 = arith.select %eq3A_1529, %jit3A_1530, %jit3A_1527 : i32
        %rem3A_1532 = arith.remsi %add3A_389, %select_n3A_1531 : i32
        %ne3A_1533 = arith.constant 0 : i32
        %ne3A_1534 = arith.cmpi ne, %rem3A_1532, %ne3A_1533 : i32
        %lt3A_1535 = arith.constant 0 : i32
        %lt3A_1536 = arith.cmpi slt, %rem3A_1532, %lt3A_1535 : i32
        %lt3A_1537 = arith.constant 0 : i32
        %lt3A_1538 = arith.cmpi slt, %select_n3A_1531, %lt3A_1537 : i32
        %ne3A_1539 = arith.xori %lt3A_1536, %lt3A_1538 : i1
        %and3A_1540 = arith.andi %ne3A_1539, %ne3A_1534 : i1
        %add3A_1541 = arith.addi %rem3A_1532, %select_n3A_1531 : i32
        %select_n3A_1542 = arith.select %and3A_1540, %add3A_1541, %rem3A_1532 : i32
        %mul3A_1543 = arith.constant 64 : i32
        %mul3A_1544 = arith.muli %select_n3A_1542, %mul3A_1543 : i32
        %dma_start3A_1545 = arith.constant 8 : i32
        %dma_start3A_1546 = arith.constant 0 : i32
        %dma_start3A_1547 = arith.constant 0 : i32
        %dma_start3A_1548 = tpu.memref_slice %arg6[%dma_start3A_1545, %dma_start3A_1546, %dma_start3A_1547] : memref<10x64x128xf32, #tpu.memory_space<vmem>> -> memref<1x64x128xf32, #tpu.memory_space<vmem>>
        %dma_start3A_1549 = tpu.memref_squeeze %dma_start3A_1548 : memref<1x64x128xf32, #tpu.memory_space<vmem>> -> memref<64x128xf32, #tpu.memory_space<vmem>>
        %dma_start3A_1550 = tpu.memref_slice %arg5[%select_n3A_1526, %mul3A_1544] : memref<50x128xi32, #tpu.memory_space<vmem>> -> memref<1x64xi32, #tpu.memory_space<vmem>>
        %dma_start3A_1551 = tpu.memref_squeeze %dma_start3A_1550 : memref<1x64xi32, #tpu.memory_space<vmem>> -> memref<64xi32, #tpu.memory_space<vmem>>
        %dma_start3A_1552 = arith.constant 0 : i32
        %dma_start3A_1553 = arith.constant 0 : i32
        %dma_start3A_1554 = tpu.memref_slice %arg3[%dma_start3A_1552, %dma_start3A_1553] : memref<100000x128xf32, #tpu.memory_space<hbm>> -> memref<100000x128xf32, #tpu.memory_space<hbm>>
        tpu.enqueue_indirect_dma source(%dma_start3A_1554 : memref<100000x128xf32, #tpu.memory_space<hbm>>) target(%dma_start3A_1549 : memref<64x128xf32, #tpu.memory_space<vmem>>) offsets(%dma_start3A_1551 : memref<64xi32, #tpu.memory_space<vmem>>) semaphore(%arg15 : memref<!tpu.dma_semaphore, #tpu.memory_space<semaphore_mem>>)
      } else {
      }
      %add3A_400 = arith.constant 1 : i32
      %add3A_401 = arith.addi %add3A_285, %add3A_400 : i32
      %jit3A_402 = arith.constant 2 : i32
      %div3A_403 = arith.divsi %add3A_401, %jit3A_402 : i32
      %sign3A_404 = arith.constant 0 : i32
      %sign3A_405 = arith.cmpi sgt, %add3A_401, %sign3A_404 : i32
      %sign3A_406 = arith.extui %sign3A_405 : i1 to i32
      %sign3A_407 = arith.constant 0 : i32
      %sign3A_408 = arith.cmpi slt, %add3A_401, %sign3A_407 : i32
      %sign3A_409 = arith.extui %sign3A_408 : i1 to i32
      %sign3A_410 = arith.subi %sign3A_406, %sign3A_409 : i32
      %sign3A_411 = arith.constant 0 : i32
      %sign3A_412 = arith.cmpi sgt, %jit3A_402, %sign3A_411 : i32
      %sign3A_413 = arith.extui %sign3A_412 : i1 to i32
      %sign3A_414 = arith.constant 0 : i32
      %sign3A_415 = arith.cmpi slt, %jit3A_402, %sign3A_414 : i32
      %sign3A_416 = arith.extui %sign3A_415 : i1 to i32
      %sign3A_417 = arith.subi %sign3A_413, %sign3A_416 : i32
      %ne3A_418 = arith.cmpi ne, %sign3A_410, %sign3A_417 : i32
      %rem3A_419 = arith.remsi %add3A_401, %jit3A_402 : i32
      %ne3A_420 = arith.constant 0 : i32
      %ne3A_421 = arith.cmpi ne, %rem3A_419, %ne3A_420 : i32
      %and3A_422 = arith.andi %ne3A_418, %ne3A_421 : i1
      %sub3A_423 = arith.constant 1 : i32
      %sub3A_424 = arith.subi %div3A_403, %sub3A_423 : i32
      %select_n3A_425 = arith.select %and3A_422, %sub3A_424, %div3A_403 : i32
      %jit3A_426 = arith.constant 2 : i32
      %eq3A_427 = arith.constant 0 : i32
      %eq3A_428 = arith.cmpi eq, %jit3A_426, %eq3A_427 : i32
      %jit3A_429 = arith.constant 1 : i32
      %select_n3A_430 = arith.select %eq3A_428, %jit3A_429, %jit3A_426 : i32
      %rem3A_431 = arith.remsi %add3A_401, %select_n3A_430 : i32
      %ne3A_432 = arith.constant 0 : i32
      %ne3A_433 = arith.cmpi ne, %rem3A_431, %ne3A_432 : i32
      %lt3A_434 = arith.constant 0 : i32
      %lt3A_435 = arith.cmpi slt, %rem3A_431, %lt3A_434 : i32
      %lt3A_436 = arith.constant 0 : i32
      %lt3A_437 = arith.cmpi slt, %select_n3A_430, %lt3A_436 : i32
      %ne3A_438 = arith.xori %lt3A_435, %lt3A_437 : i1
      %and3A_439 = arith.andi %ne3A_438, %ne3A_433 : i1
      %add3A_440 = arith.addi %rem3A_431, %select_n3A_430 : i32
      %select_n3A_441 = arith.select %and3A_439, %add3A_440, %rem3A_431 : i32
      %mul3A_442 = arith.constant 64 : i32
      %mul3A_443 = arith.muli %select_n3A_441, %mul3A_442 : i32
      %dma_wait3A_444 = arith.constant 1 : i32
      %dma_wait3A_445 = arith.constant 0 : i32
      %dma_wait3A_446 = arith.constant 0 : i32
      %dma_wait3A_447 = tpu.memref_slice %arg6[%dma_wait3A_444, %dma_wait3A_445, %dma_wait3A_446] : memref<10x64x128xf32, #tpu.memory_space<vmem>> -> memref<1x64x128xf32, #tpu.memory_space<vmem>>
      %dma_wait3A_448 = tpu.memref_squeeze %dma_wait3A_447 : memref<1x64x128xf32, #tpu.memory_space<vmem>> -> memref<64x128xf32, #tpu.memory_space<vmem>>
      %dma_wait3A_449 = tpu.memref_slice %arg5[%select_n3A_425, %mul3A_443] : memref<50x128xi32, #tpu.memory_space<vmem>> -> memref<1x64xi32, #tpu.memory_space<vmem>>
      %dma_wait3A_450 = tpu.memref_squeeze %dma_wait3A_449 : memref<1x64xi32, #tpu.memory_space<vmem>> -> memref<64xi32, #tpu.memory_space<vmem>>
      %dma_wait3A_451 = arith.constant 0 : i32
      %dma_wait3A_452 = arith.constant 0 : i32
      %dma_wait3A_453 = tpu.memref_slice %arg3[%dma_wait3A_451, %dma_wait3A_452] : memref<100000x128xf32, #tpu.memory_space<hbm>> -> memref<100000x128xf32, #tpu.memory_space<hbm>>
      tpu.wait_indirect_dma semaphore(%arg8 : memref<!tpu.dma_semaphore, #tpu.memory_space<semaphore_mem>>) src(%dma_wait3A_453 : memref<100000x128xf32, #tpu.memory_space<hbm>>) dst(%dma_wait3A_448 : memref<64x128xf32, #tpu.memory_space<vmem>>)
      %jit3A_454 = arith.constant 2 : i32
      %div3A_455 = arith.divsi %add3A_401, %jit3A_454 : i32
      %sign3A_456 = arith.constant 0 : i32
      %sign3A_457 = arith.cmpi sgt, %add3A_401, %sign3A_456 : i32
      %sign3A_458 = arith.extui %sign3A_457 : i1 to i32
      %sign3A_459 = arith.constant 0 : i32
      %sign3A_460 = arith.cmpi slt, %add3A_401, %sign3A_459 : i32
      %sign3A_461 = arith.extui %sign3A_460 : i1 to i32
      %sign3A_462 = arith.subi %sign3A_458, %sign3A_461 : i32
      %sign3A_463 = arith.constant 0 : i32
      %sign3A_464 = arith.cmpi sgt, %jit3A_454, %sign3A_463 : i32
      %sign3A_465 = arith.extui %sign3A_464 : i1 to i32
      %sign3A_466 = arith.constant 0 : i32
      %sign3A_467 = arith.cmpi slt, %jit3A_454, %sign3A_466 : i32
      %sign3A_468 = arith.extui %sign3A_467 : i1 to i32
      %sign3A_469 = arith.subi %sign3A_465, %sign3A_468 : i32
      %ne3A_470 = arith.cmpi ne, %sign3A_462, %sign3A_469 : i32
      %rem3A_471 = arith.remsi %add3A_401, %jit3A_454 : i32
      %ne3A_472 = arith.constant 0 : i32
      %ne3A_473 = arith.cmpi ne, %rem3A_471, %ne3A_472 : i32
      %and3A_474 = arith.andi %ne3A_470, %ne3A_473 : i1
      %sub3A_475 = arith.constant 1 : i32
      %sub3A_476 = arith.subi %div3A_455, %sub3A_475 : i32
      %select_n3A_477 = arith.select %and3A_474, %sub3A_476, %div3A_455 : i32
      %jit3A_478 = arith.constant 2 : i32
      %eq3A_479 = arith.constant 0 : i32
      %eq3A_480 = arith.cmpi eq, %jit3A_478, %eq3A_479 : i32
      %jit3A_481 = arith.constant 1 : i32
      %select_n3A_482 = arith.select %eq3A_480, %jit3A_481, %jit3A_478 : i32
      %rem3A_483 = arith.remsi %add3A_401, %select_n3A_482 : i32
      %ne3A_484 = arith.constant 0 : i32
      %ne3A_485 = arith.cmpi ne, %rem3A_483, %ne3A_484 : i32
      %lt3A_486 = arith.constant 0 : i32
      %lt3A_487 = arith.cmpi slt, %rem3A_483, %lt3A_486 : i32
      %lt3A_488 = arith.constant 0 : i32
      %lt3A_489 = arith.cmpi slt, %select_n3A_482, %lt3A_488 : i32
      %ne3A_490 = arith.xori %lt3A_487, %lt3A_489 : i1
      %and3A_491 = arith.andi %ne3A_490, %ne3A_485 : i1
      %add3A_492 = arith.addi %rem3A_483, %select_n3A_482 : i32
      %select_n3A_493 = arith.select %and3A_491, %add3A_492, %rem3A_483 : i32
      %mul3A_494 = arith.constant 64 : i32
      %mul3A_495 = arith.muli %select_n3A_493, %mul3A_494 : i32
      %add3A_496 = arith.addi %mul3A_2, %mul3A_495 : i32
      %dma_start3A_497 = arith.constant 1 : i32
      %dma_start3A_498 = arith.constant 0 : i32
      %dma_start3A_499 = arith.constant 0 : i32
      %dma_start3A_500 = tpu.memref_slice %arg6[%dma_start3A_497, %dma_start3A_498, %dma_start3A_499] : memref<10x64x128xf32, #tpu.memory_space<vmem>> -> memref<1x64x128xf32, #tpu.memory_space<vmem>>
      %dma_start3A_501 = tpu.memref_squeeze %dma_start3A_500 : memref<1x64x128xf32, #tpu.memory_space<vmem>> -> memref<64x128xf32, #tpu.memory_space<vmem>>
      %dma_start3A_502 = arith.constant 0 : i32
      %dma_start3A_503 = tpu.memref_slice %arg4[%select_n3A_477, %add3A_496, %dma_start3A_502] : memref<50x4096x128xf32, #tpu.memory_space<hbm>> -> memref<1x64x128xf32, #tpu.memory_space<hbm>>
      %dma_start3A_504 = tpu.memref_squeeze %dma_start3A_503 : memref<1x64x128xf32, #tpu.memory_space<hbm>> -> memref<64x128xf32, #tpu.memory_space<hbm>>
      %dma_start3A_505 = arith.constant 0 : i32
      %dma_start3A_506 = tpu.memref_slice %arg4[%select_n3A_477, %add3A_496, %dma_start3A_505] : memref<50x4096x128xf32, #tpu.memory_space<hbm>> -> memref<1x64x128xf32, #tpu.memory_space<hbm>>
      %dma_start3A_507 = tpu.memref_squeeze %dma_start3A_506 : memref<1x64x128xf32, #tpu.memory_space<hbm>> -> memref<64x128xf32, #tpu.memory_space<hbm>>
      %dma_start3A_508 = arith.constant 0 : i32
      %dma_start3A_509 = arith.constant 0 : i32
      %dma_start3A_510 = tpu.memref_slice %arg6[%dma_start3A_497, %dma_start3A_508, %dma_start3A_509] : memref<10x64x128xf32, #tpu.memory_space<vmem>> -> memref<1x64x128xf32, #tpu.memory_space<vmem>>
      %dma_start3A_511 = tpu.memref_squeeze %dma_start3A_510 : memref<1x64x128xf32, #tpu.memory_space<vmem>> -> memref<64x128xf32, #tpu.memory_space<vmem>>
      tpu.enqueue_dma source(%dma_start3A_511 : memref<64x128xf32, #tpu.memory_space<vmem>>) target(%dma_start3A_507 : memref<64x128xf32, #tpu.memory_space<hbm>>) target_semaphore(%arg18 : memref<!tpu.dma_semaphore, #tpu.memory_space<semaphore_mem>>)
      %add3A_512 = arith.constant 8 : i32
      %add3A_513 = arith.addi %add3A_401, %add3A_512 : i32
      %ge3A_514 = arith.constant 10 : i32
      %ge3A_515 = arith.cmpi sge, %add3A_513, %ge3A_514 : i32
      %lt3A_516 = arith.constant 100 : i32
      %lt3A_517 = arith.cmpi slt, %add3A_513, %lt3A_516 : i32
      %and3A_518 = arith.andi %ge3A_515, %lt3A_517 : i1
      %convert_element_type3A_519 = arith.extui %and3A_518 : i1 to i32
      %cond3A_520 = arith.constant 0 : i32
      %cond3A_521 = arith.cmpi ne, %convert_element_type3A_519, %cond3A_520 : i32
      scf.if %cond3A_521 {
        %sub3A_1503 = arith.constant 10 : i32
        %sub3A_1504 = arith.subi %add3A_513, %sub3A_1503 : i32
        %jit3A_1505 = arith.constant 2 : i32
        %div3A_1506 = arith.divsi %sub3A_1504, %jit3A_1505 : i32
        %sign3A_1507 = arith.constant 0 : i32
        %sign3A_1508 = arith.cmpi sgt, %sub3A_1504, %sign3A_1507 : i32
        %sign3A_1509 = arith.extui %sign3A_1508 : i1 to i32
        %sign3A_1510 = arith.constant 0 : i32
        %sign3A_1511 = arith.cmpi slt, %sub3A_1504, %sign3A_1510 : i32
        %sign3A_1512 = arith.extui %sign3A_1511 : i1 to i32
        %sign3A_1513 = arith.subi %sign3A_1509, %sign3A_1512 : i32
        %sign3A_1514 = arith.constant 0 : i32
        %sign3A_1515 = arith.cmpi sgt, %jit3A_1505, %sign3A_1514 : i32
        %sign3A_1516 = arith.extui %sign3A_1515 : i1 to i32
        %sign3A_1517 = arith.constant 0 : i32
        %sign3A_1518 = arith.cmpi slt, %jit3A_1505, %sign3A_1517 : i32
        %sign3A_1519 = arith.extui %sign3A_1518 : i1 to i32
        %sign3A_1520 = arith.subi %sign3A_1516, %sign3A_1519 : i32
        %ne3A_1521 = arith.cmpi ne, %sign3A_1513, %sign3A_1520 : i32
        %rem3A_1522 = arith.remsi %sub3A_1504, %jit3A_1505 : i32
        %ne3A_1523 = arith.constant 0 : i32
        %ne3A_1524 = arith.cmpi ne, %rem3A_1522, %ne3A_1523 : i32
        %and3A_1525 = arith.andi %ne3A_1521, %ne3A_1524 : i1
        %sub3A_1526 = arith.constant 1 : i32
        %sub3A_1527 = arith.subi %div3A_1506, %sub3A_1526 : i32
        %select_n3A_1528 = arith.select %and3A_1525, %sub3A_1527, %div3A_1506 : i32
        %jit3A_1529 = arith.constant 2 : i32
        %eq3A_1530 = arith.constant 0 : i32
        %eq3A_1531 = arith.cmpi eq, %jit3A_1529, %eq3A_1530 : i32
        %jit3A_1532 = arith.constant 1 : i32
        %select_n3A_1533 = arith.select %eq3A_1531, %jit3A_1532, %jit3A_1529 : i32
        %rem3A_1534 = arith.remsi %sub3A_1504, %select_n3A_1533 : i32
        %ne3A_1535 = arith.constant 0 : i32
        %ne3A_1536 = arith.cmpi ne, %rem3A_1534, %ne3A_1535 : i32
        %lt3A_1537 = arith.constant 0 : i32
        %lt3A_1538 = arith.cmpi slt, %rem3A_1534, %lt3A_1537 : i32
        %lt3A_1539 = arith.constant 0 : i32
        %lt3A_1540 = arith.cmpi slt, %select_n3A_1533, %lt3A_1539 : i32
        %ne3A_1541 = arith.xori %lt3A_1538, %lt3A_1540 : i1
        %and3A_1542 = arith.andi %ne3A_1541, %ne3A_1536 : i1
        %add3A_1543 = arith.addi %rem3A_1534, %select_n3A_1533 : i32
        %select_n3A_1544 = arith.select %and3A_1542, %add3A_1543, %rem3A_1534 : i32
        %mul3A_1545 = arith.constant 64 : i32
        %mul3A_1546 = arith.muli %select_n3A_1544, %mul3A_1545 : i32
        %add3A_1547 = arith.addi %mul3A_2, %mul3A_1546 : i32
        %dma_wait3A_1548 = arith.constant 9 : i32
        %dma_wait3A_1549 = arith.constant 0 : i32
        %dma_wait3A_1550 = arith.constant 0 : i32
        %dma_wait3A_1551 = tpu.memref_slice %arg6[%dma_wait3A_1548, %dma_wait3A_1549, %dma_wait3A_1550] : memref<10x64x128xf32, #tpu.memory_space<vmem>> -> memref<1x64x128xf32, #tpu.memory_space<vmem>>
        %dma_wait3A_1552 = tpu.memref_squeeze %dma_wait3A_1551 : memref<1x64x128xf32, #tpu.memory_space<vmem>> -> memref<64x128xf32, #tpu.memory_space<vmem>>
        %dma_wait3A_1553 = arith.constant 0 : i32
        %dma_wait3A_1554 = tpu.memref_slice %arg4[%select_n3A_1528, %add3A_1547, %dma_wait3A_1553] : memref<50x4096x128xf32, #tpu.memory_space<hbm>> -> memref<1x64x128xf32, #tpu.memory_space<hbm>>
        %dma_wait3A_1555 = tpu.memref_squeeze %dma_wait3A_1554 : memref<1x64x128xf32, #tpu.memory_space<hbm>> -> memref<64x128xf32, #tpu.memory_space<hbm>>
        %dma_wait3A_1556 = arith.constant 0 : i32
        %dma_wait3A_1557 = tpu.memref_slice %arg4[%select_n3A_1528, %add3A_1547, %dma_wait3A_1556] : memref<50x4096x128xf32, #tpu.memory_space<hbm>> -> memref<1x64x128xf32, #tpu.memory_space<hbm>>
        %dma_wait3A_1558 = tpu.memref_squeeze %dma_wait3A_1557 : memref<1x64x128xf32, #tpu.memory_space<hbm>> -> memref<64x128xf32, #tpu.memory_space<hbm>>
        %dma_wait3A_1559 = arith.constant 0 : i32
        %dma_wait3A_1560 = arith.constant 0 : i32
        %dma_wait3A_1561 = tpu.memref_slice %arg6[%dma_wait3A_1548, %dma_wait3A_1559, %dma_wait3A_1560] : memref<10x64x128xf32, #tpu.memory_space<vmem>> -> memref<1x64x128xf32, #tpu.memory_space<vmem>>
        %dma_wait3A_1562 = tpu.memref_squeeze %dma_wait3A_1561 : memref<1x64x128xf32, #tpu.memory_space<vmem>> -> memref<64x128xf32, #tpu.memory_space<vmem>>
        tpu.wait_dma2 semaphore(%arg26 : memref<!tpu.dma_semaphore, #tpu.memory_space<semaphore_mem>>) src(%dma_wait3A_1562 : memref<64x128xf32, #tpu.memory_space<vmem>>) dst(%dma_wait3A_1558 : memref<64x128xf32, #tpu.memory_space<hbm>>)
        %jit3A_1563 = arith.constant 2 : i32
        %div3A_1564 = arith.divsi %add3A_513, %jit3A_1563 : i32
        %sign3A_1565 = arith.constant 0 : i32
        %sign3A_1566 = arith.cmpi sgt, %add3A_513, %sign3A_1565 : i32
        %sign3A_1567 = arith.extui %sign3A_1566 : i1 to i32
        %sign3A_1568 = arith.constant 0 : i32
        %sign3A_1569 = arith.cmpi slt, %add3A_513, %sign3A_1568 : i32
        %sign3A_1570 = arith.extui %sign3A_1569 : i1 to i32
        %sign3A_1571 = arith.subi %sign3A_1567, %sign3A_1570 : i32
        %sign3A_1572 = arith.constant 0 : i32
        %sign3A_1573 = arith.cmpi sgt, %jit3A_1563, %sign3A_1572 : i32
        %sign3A_1574 = arith.extui %sign3A_1573 : i1 to i32
        %sign3A_1575 = arith.constant 0 : i32
        %sign3A_1576 = arith.cmpi slt, %jit3A_1563, %sign3A_1575 : i32
        %sign3A_1577 = arith.extui %sign3A_1576 : i1 to i32
        %sign3A_1578 = arith.subi %sign3A_1574, %sign3A_1577 : i32
        %ne3A_1579 = arith.cmpi ne, %sign3A_1571, %sign3A_1578 : i32
        %rem3A_1580 = arith.remsi %add3A_513, %jit3A_1563 : i32
        %ne3A_1581 = arith.constant 0 : i32
        %ne3A_1582 = arith.cmpi ne, %rem3A_1580, %ne3A_1581 : i32
        %and3A_1583 = arith.andi %ne3A_1579, %ne3A_1582 : i1
        %sub3A_1584 = arith.constant 1 : i32
        %sub3A_1585 = arith.subi %div3A_1564, %sub3A_1584 : i32
        %select_n3A_1586 = arith.select %and3A_1583, %sub3A_1585, %div3A_1564 : i32
        %jit3A_1587 = arith.constant 2 : i32
        %eq3A_1588 = arith.constant 0 : i32
        %eq3A_1589 = arith.cmpi eq, %jit3A_1587, %eq3A_1588 : i32
        %jit3A_1590 = arith.constant 1 : i32
        %select_n3A_1591 = arith.select %eq3A_1589, %jit3A_1590, %jit3A_1587 : i32
        %rem3A_1592 = arith.remsi %add3A_513, %select_n3A_1591 : i32
        %ne3A_1593 = arith.constant 0 : i32
        %ne3A_1594 = arith.cmpi ne, %rem3A_1592, %ne3A_1593 : i32
        %lt3A_1595 = arith.constant 0 : i32
        %lt3A_1596 = arith.cmpi slt, %rem3A_1592, %lt3A_1595 : i32
        %lt3A_1597 = arith.constant 0 : i32
        %lt3A_1598 = arith.cmpi slt, %select_n3A_1591, %lt3A_1597 : i32
        %ne3A_1599 = arith.xori %lt3A_1596, %lt3A_1598 : i1
        %and3A_1600 = arith.andi %ne3A_1599, %ne3A_1594 : i1
        %add3A_1601 = arith.addi %rem3A_1592, %select_n3A_1591 : i32
        %select_n3A_1602 = arith.select %and3A_1600, %add3A_1601, %rem3A_1592 : i32
        %mul3A_1603 = arith.constant 64 : i32
        %mul3A_1604 = arith.muli %select_n3A_1602, %mul3A_1603 : i32
        %dma_start3A_1605 = arith.constant 9 : i32
        %dma_start3A_1606 = arith.constant 0 : i32
        %dma_start3A_1607 = arith.constant 0 : i32
        %dma_start3A_1608 = tpu.memref_slice %arg6[%dma_start3A_1605, %dma_start3A_1606, %dma_start3A_1607] : memref<10x64x128xf32, #tpu.memory_space<vmem>> -> memref<1x64x128xf32, #tpu.memory_space<vmem>>
        %dma_start3A_1609 = tpu.memref_squeeze %dma_start3A_1608 : memref<1x64x128xf32, #tpu.memory_space<vmem>> -> memref<64x128xf32, #tpu.memory_space<vmem>>
        %dma_start3A_1610 = tpu.memref_slice %arg5[%select_n3A_1586, %mul3A_1604] : memref<50x128xi32, #tpu.memory_space<vmem>> -> memref<1x64xi32, #tpu.memory_space<vmem>>
        %dma_start3A_1611 = tpu.memref_squeeze %dma_start3A_1610 : memref<1x64xi32, #tpu.memory_space<vmem>> -> memref<64xi32, #tpu.memory_space<vmem>>
        %dma_start3A_1612 = arith.constant 0 : i32
        %dma_start3A_1613 = arith.constant 0 : i32
        %dma_start3A_1614 = tpu.memref_slice %arg3[%dma_start3A_1612, %dma_start3A_1613] : memref<100000x128xf32, #tpu.memory_space<hbm>> -> memref<100000x128xf32, #tpu.memory_space<hbm>>
        tpu.enqueue_indirect_dma source(%dma_start3A_1614 : memref<100000x128xf32, #tpu.memory_space<hbm>>) target(%dma_start3A_1609 : memref<64x128xf32, #tpu.memory_space<vmem>>) offsets(%dma_start3A_1611 : memref<64xi32, #tpu.memory_space<vmem>>) semaphore(%arg16 : memref<!tpu.dma_semaphore, #tpu.memory_space<semaphore_mem>>)
      } else {
      }
      %lt3A_522 = arith.constant 10 : i32
      %lt3A_523 = arith.cmpi slt, %add3A_513, %lt3A_522 : i32
      %convert_element_type3A_524 = arith.extui %lt3A_523 : i1 to i32
      %cond3A_525 = arith.constant 0 : i32
      %cond3A_526 = arith.cmpi ne, %convert_element_type3A_524, %cond3A_525 : i32
      scf.if %cond3A_526 {
        %jit3A_1503 = arith.constant 2 : i32
        %div3A_1504 = arith.divsi %add3A_513, %jit3A_1503 : i32
        %sign3A_1505 = arith.constant 0 : i32
        %sign3A_1506 = arith.cmpi sgt, %add3A_513, %sign3A_1505 : i32
        %sign3A_1507 = arith.extui %sign3A_1506 : i1 to i32
        %sign3A_1508 = arith.constant 0 : i32
        %sign3A_1509 = arith.cmpi slt, %add3A_513, %sign3A_1508 : i32
        %sign3A_1510 = arith.extui %sign3A_1509 : i1 to i32
        %sign3A_1511 = arith.subi %sign3A_1507, %sign3A_1510 : i32
        %sign3A_1512 = arith.constant 0 : i32
        %sign3A_1513 = arith.cmpi sgt, %jit3A_1503, %sign3A_1512 : i32
        %sign3A_1514 = arith.extui %sign3A_1513 : i1 to i32
        %sign3A_1515 = arith.constant 0 : i32
        %sign3A_1516 = arith.cmpi slt, %jit3A_1503, %sign3A_1515 : i32
        %sign3A_1517 = arith.extui %sign3A_1516 : i1 to i32
        %sign3A_1518 = arith.subi %sign3A_1514, %sign3A_1517 : i32
        %ne3A_1519 = arith.cmpi ne, %sign3A_1511, %sign3A_1518 : i32
        %rem3A_1520 = arith.remsi %add3A_513, %jit3A_1503 : i32
        %ne3A_1521 = arith.constant 0 : i32
        %ne3A_1522 = arith.cmpi ne, %rem3A_1520, %ne3A_1521 : i32
        %and3A_1523 = arith.andi %ne3A_1519, %ne3A_1522 : i1
        %sub3A_1524 = arith.constant 1 : i32
        %sub3A_1525 = arith.subi %div3A_1504, %sub3A_1524 : i32
        %select_n3A_1526 = arith.select %and3A_1523, %sub3A_1525, %div3A_1504 : i32
        %jit3A_1527 = arith.constant 2 : i32
        %eq3A_1528 = arith.constant 0 : i32
        %eq3A_1529 = arith.cmpi eq, %jit3A_1527, %eq3A_1528 : i32
        %jit3A_1530 = arith.constant 1 : i32
        %select_n3A_1531 = arith.select %eq3A_1529, %jit3A_1530, %jit3A_1527 : i32
        %rem3A_1532 = arith.remsi %add3A_513, %select_n3A_1531 : i32
        %ne3A_1533 = arith.constant 0 : i32
        %ne3A_1534 = arith.cmpi ne, %rem3A_1532, %ne3A_1533 : i32
        %lt3A_1535 = arith.constant 0 : i32
        %lt3A_1536 = arith.cmpi slt, %rem3A_1532, %lt3A_1535 : i32
        %lt3A_1537 = arith.constant 0 : i32
        %lt3A_1538 = arith.cmpi slt, %select_n3A_1531, %lt3A_1537 : i32
        %ne3A_1539 = arith.xori %lt3A_1536, %lt3A_1538 : i1
        %and3A_1540 = arith.andi %ne3A_1539, %ne3A_1534 : i1
        %add3A_1541 = arith.addi %rem3A_1532, %select_n3A_1531 : i32
        %select_n3A_1542 = arith.select %and3A_1540, %add3A_1541, %rem3A_1532 : i32
        %mul3A_1543 = arith.constant 64 : i32
        %mul3A_1544 = arith.muli %select_n3A_1542, %mul3A_1543 : i32
        %dma_start3A_1545 = arith.constant 9 : i32
        %dma_start3A_1546 = arith.constant 0 : i32
        %dma_start3A_1547 = arith.constant 0 : i32
        %dma_start3A_1548 = tpu.memref_slice %arg6[%dma_start3A_1545, %dma_start3A_1546, %dma_start3A_1547] : memref<10x64x128xf32, #tpu.memory_space<vmem>> -> memref<1x64x128xf32, #tpu.memory_space<vmem>>
        %dma_start3A_1549 = tpu.memref_squeeze %dma_start3A_1548 : memref<1x64x128xf32, #tpu.memory_space<vmem>> -> memref<64x128xf32, #tpu.memory_space<vmem>>
        %dma_start3A_1550 = tpu.memref_slice %arg5[%select_n3A_1526, %mul3A_1544] : memref<50x128xi32, #tpu.memory_space<vmem>> -> memref<1x64xi32, #tpu.memory_space<vmem>>
        %dma_start3A_1551 = tpu.memref_squeeze %dma_start3A_1550 : memref<1x64xi32, #tpu.memory_space<vmem>> -> memref<64xi32, #tpu.memory_space<vmem>>
        %dma_start3A_1552 = arith.constant 0 : i32
        %dma_start3A_1553 = arith.constant 0 : i32
        %dma_start3A_1554 = tpu.memref_slice %arg3[%dma_start3A_1552, %dma_start3A_1553] : memref<100000x128xf32, #tpu.memory_space<hbm>> -> memref<100000x128xf32, #tpu.memory_space<hbm>>
        tpu.enqueue_indirect_dma source(%dma_start3A_1554 : memref<100000x128xf32, #tpu.memory_space<hbm>>) target(%dma_start3A_1549 : memref<64x128xf32, #tpu.memory_space<vmem>>) offsets(%dma_start3A_1551 : memref<64xi32, #tpu.memory_space<vmem>>) semaphore(%arg16 : memref<!tpu.dma_semaphore, #tpu.memory_space<semaphore_mem>>)
      } else {
      }
      %add3A_527 = arith.constant 2 : i32
      %add3A_528 = arith.addi %add3A_285, %add3A_527 : i32
      %jit3A_529 = arith.constant 2 : i32
      %div3A_530 = arith.divsi %add3A_528, %jit3A_529 : i32
      %sign3A_531 = arith.constant 0 : i32
      %sign3A_532 = arith.cmpi sgt, %add3A_528, %sign3A_531 : i32
      %sign3A_533 = arith.extui %sign3A_532 : i1 to i32
      %sign3A_534 = arith.constant 0 : i32
      %sign3A_535 = arith.cmpi slt, %add3A_528, %sign3A_534 : i32
      %sign3A_536 = arith.extui %sign3A_535 : i1 to i32
      %sign3A_537 = arith.subi %sign3A_533, %sign3A_536 : i32
      %sign3A_538 = arith.constant 0 : i32
      %sign3A_539 = arith.cmpi sgt, %jit3A_529, %sign3A_538 : i32
      %sign3A_540 = arith.extui %sign3A_539 : i1 to i32
      %sign3A_541 = arith.constant 0 : i32
      %sign3A_542 = arith.cmpi slt, %jit3A_529, %sign3A_541 : i32
      %sign3A_543 = arith.extui %sign3A_542 : i1 to i32
      %sign3A_544 = arith.subi %sign3A_540, %sign3A_543 : i32
      %ne3A_545 = arith.cmpi ne, %sign3A_537, %sign3A_544 : i32
      %rem3A_546 = arith.remsi %add3A_528, %jit3A_529 : i32
      %ne3A_547 = arith.constant 0 : i32
      %ne3A_548 = arith.cmpi ne, %rem3A_546, %ne3A_547 : i32
      %and3A_549 = arith.andi %ne3A_545, %ne3A_548 : i1
      %sub3A_550 = arith.constant 1 : i32
      %sub3A_551 = arith.subi %div3A_530, %sub3A_550 : i32
      %select_n3A_552 = arith.select %and3A_549, %sub3A_551, %div3A_530 : i32
      %jit3A_553 = arith.constant 2 : i32
      %eq3A_554 = arith.constant 0 : i32
      %eq3A_555 = arith.cmpi eq, %jit3A_553, %eq3A_554 : i32
      %jit3A_556 = arith.constant 1 : i32
      %select_n3A_557 = arith.select %eq3A_555, %jit3A_556, %jit3A_553 : i32
      %rem3A_558 = arith.remsi %add3A_528, %select_n3A_557 : i32
      %ne3A_559 = arith.constant 0 : i32
      %ne3A_560 = arith.cmpi ne, %rem3A_558, %ne3A_559 : i32
      %lt3A_561 = arith.constant 0 : i32
      %lt3A_562 = arith.cmpi slt, %rem3A_558, %lt3A_561 : i32
      %lt3A_563 = arith.constant 0 : i32
      %lt3A_564 = arith.cmpi slt, %select_n3A_557, %lt3A_563 : i32
      %ne3A_565 = arith.xori %lt3A_562, %lt3A_564 : i1
      %and3A_566 = arith.andi %ne3A_565, %ne3A_560 : i1
      %add3A_567 = arith.addi %rem3A_558, %select_n3A_557 : i32
      %select_n3A_568 = arith.select %and3A_566, %add3A_567, %rem3A_558 : i32
      %mul3A_569 = arith.constant 64 : i32
      %mul3A_570 = arith.muli %select_n3A_568, %mul3A_569 : i32
      %dma_wait3A_571 = arith.constant 2 : i32
      %dma_wait3A_572 = arith.constant 0 : i32
      %dma_wait3A_573 = arith.constant 0 : i32
      %dma_wait3A_574 = tpu.memref_slice %arg6[%dma_wait3A_571, %dma_wait3A_572, %dma_wait3A_573] : memref<10x64x128xf32, #tpu.memory_space<vmem>> -> memref<1x64x128xf32, #tpu.memory_space<vmem>>
      %dma_wait3A_575 = tpu.memref_squeeze %dma_wait3A_574 : memref<1x64x128xf32, #tpu.memory_space<vmem>> -> memref<64x128xf32, #tpu.memory_space<vmem>>
      %dma_wait3A_576 = tpu.memref_slice %arg5[%select_n3A_552, %mul3A_570] : memref<50x128xi32, #tpu.memory_space<vmem>> -> memref<1x64xi32, #tpu.memory_space<vmem>>
      %dma_wait3A_577 = tpu.memref_squeeze %dma_wait3A_576 : memref<1x64xi32, #tpu.memory_space<vmem>> -> memref<64xi32, #tpu.memory_space<vmem>>
      %dma_wait3A_578 = arith.constant 0 : i32
      %dma_wait3A_579 = arith.constant 0 : i32
      %dma_wait3A_580 = tpu.memref_slice %arg3[%dma_wait3A_578, %dma_wait3A_579] : memref<100000x128xf32, #tpu.memory_space<hbm>> -> memref<100000x128xf32, #tpu.memory_space<hbm>>
      tpu.wait_indirect_dma semaphore(%arg9 : memref<!tpu.dma_semaphore, #tpu.memory_space<semaphore_mem>>) src(%dma_wait3A_580 : memref<100000x128xf32, #tpu.memory_space<hbm>>) dst(%dma_wait3A_575 : memref<64x128xf32, #tpu.memory_space<vmem>>)
      %jit3A_581 = arith.constant 2 : i32
      %div3A_582 = arith.divsi %add3A_528, %jit3A_581 : i32
      %sign3A_583 = arith.constant 0 : i32
      %sign3A_584 = arith.cmpi sgt, %add3A_528, %sign3A_583 : i32
      %sign3A_585 = arith.extui %sign3A_584 : i1 to i32
      %sign3A_586 = arith.constant 0 : i32
      %sign3A_587 = arith.cmpi slt, %add3A_528, %sign3A_586 : i32
      %sign3A_588 = arith.extui %sign3A_587 : i1 to i32
      %sign3A_589 = arith.subi %sign3A_585, %sign3A_588 : i32
      %sign3A_590 = arith.constant 0 : i32
      %sign3A_591 = arith.cmpi sgt, %jit3A_581, %sign3A_590 : i32
      %sign3A_592 = arith.extui %sign3A_591 : i1 to i32
      %sign3A_593 = arith.constant 0 : i32
      %sign3A_594 = arith.cmpi slt, %jit3A_581, %sign3A_593 : i32
      %sign3A_595 = arith.extui %sign3A_594 : i1 to i32
      %sign3A_596 = arith.subi %sign3A_592, %sign3A_595 : i32
      %ne3A_597 = arith.cmpi ne, %sign3A_589, %sign3A_596 : i32
      %rem3A_598 = arith.remsi %add3A_528, %jit3A_581 : i32
      %ne3A_599 = arith.constant 0 : i32
      %ne3A_600 = arith.cmpi ne, %rem3A_598, %ne3A_599 : i32
      %and3A_601 = arith.andi %ne3A_597, %ne3A_600 : i1
      %sub3A_602 = arith.constant 1 : i32
      %sub3A_603 = arith.subi %div3A_582, %sub3A_602 : i32
      %select_n3A_604 = arith.select %and3A_601, %sub3A_603, %div3A_582 : i32
      %jit3A_605 = arith.constant 2 : i32
      %eq3A_606 = arith.constant 0 : i32
      %eq3A_607 = arith.cmpi eq, %jit3A_605, %eq3A_606 : i32
      %jit3A_608 = arith.constant 1 : i32
      %select_n3A_609 = arith.select %eq3A_607, %jit3A_608, %jit3A_605 : i32
      %rem3A_610 = arith.remsi %add3A_528, %select_n3A_609 : i32
      %ne3A_611 = arith.constant 0 : i32
      %ne3A_612 = arith.cmpi ne, %rem3A_610, %ne3A_611 : i32
      %lt3A_613 = arith.constant 0 : i32
      %lt3A_614 = arith.cmpi slt, %rem3A_610, %lt3A_613 : i32
      %lt3A_615 = arith.constant 0 : i32
      %lt3A_616 = arith.cmpi slt, %select_n3A_609, %lt3A_615 : i32
      %ne3A_617 = arith.xori %lt3A_614, %lt3A_616 : i1
      %and3A_618 = arith.andi %ne3A_617, %ne3A_612 : i1
      %add3A_619 = arith.addi %rem3A_610, %select_n3A_609 : i32
      %select_n3A_620 = arith.select %and3A_618, %add3A_619, %rem3A_610 : i32
      %mul3A_621 = arith.constant 64 : i32
      %mul3A_622 = arith.muli %select_n3A_620, %mul3A_621 : i32
      %add3A_623 = arith.addi %mul3A_2, %mul3A_622 : i32
      %dma_start3A_624 = arith.constant 2 : i32
      %dma_start3A_625 = arith.constant 0 : i32
      %dma_start3A_626 = arith.constant 0 : i32
      %dma_start3A_627 = tpu.memref_slice %arg6[%dma_start3A_624, %dma_start3A_625, %dma_start3A_626] : memref<10x64x128xf32, #tpu.memory_space<vmem>> -> memref<1x64x128xf32, #tpu.memory_space<vmem>>
      %dma_start3A_628 = tpu.memref_squeeze %dma_start3A_627 : memref<1x64x128xf32, #tpu.memory_space<vmem>> -> memref<64x128xf32, #tpu.memory_space<vmem>>
      %dma_start3A_629 = arith.constant 0 : i32
      %dma_start3A_630 = tpu.memref_slice %arg4[%select_n3A_604, %add3A_623, %dma_start3A_629] : memref<50x4096x128xf32, #tpu.memory_space<hbm>> -> memref<1x64x128xf32, #tpu.memory_space<hbm>>
      %dma_start3A_631 = tpu.memref_squeeze %dma_start3A_630 : memref<1x64x128xf32, #tpu.memory_space<hbm>> -> memref<64x128xf32, #tpu.memory_space<hbm>>
      %dma_start3A_632 = arith.constant 0 : i32
      %dma_start3A_633 = tpu.memref_slice %arg4[%select_n3A_604, %add3A_623, %dma_start3A_632] : memref<50x4096x128xf32, #tpu.memory_space<hbm>> -> memref<1x64x128xf32, #tpu.memory_space<hbm>>
      %dma_start3A_634 = tpu.memref_squeeze %dma_start3A_633 : memref<1x64x128xf32, #tpu.memory_space<hbm>> -> memref<64x128xf32, #tpu.memory_space<hbm>>
      %dma_start3A_635 = arith.constant 0 : i32
      %dma_start3A_636 = arith.constant 0 : i32
      %dma_start3A_637 = tpu.memref_slice %arg6[%dma_start3A_624, %dma_start3A_635, %dma_start3A_636] : memref<10x64x128xf32, #tpu.memory_space<vmem>> -> memref<1x64x128xf32, #tpu.memory_space<vmem>>
      %dma_start3A_638 = tpu.memref_squeeze %dma_start3A_637 : memref<1x64x128xf32, #tpu.memory_space<vmem>> -> memref<64x128xf32, #tpu.memory_space<vmem>>
      tpu.enqueue_dma source(%dma_start3A_638 : memref<64x128xf32, #tpu.memory_space<vmem>>) target(%dma_start3A_634 : memref<64x128xf32, #tpu.memory_space<hbm>>) target_semaphore(%arg19 : memref<!tpu.dma_semaphore, #tpu.memory_space<semaphore_mem>>)
      %add3A_639 = arith.constant 8 : i32
      %add3A_640 = arith.addi %add3A_528, %add3A_639 : i32
      %ge3A_641 = arith.constant 10 : i32
      %ge3A_642 = arith.cmpi sge, %add3A_640, %ge3A_641 : i32
      %lt3A_643 = arith.constant 100 : i32
      %lt3A_644 = arith.cmpi slt, %add3A_640, %lt3A_643 : i32
      %and3A_645 = arith.andi %ge3A_642, %lt3A_644 : i1
      %convert_element_type3A_646 = arith.extui %and3A_645 : i1 to i32
      %cond3A_647 = arith.constant 0 : i32
      %cond3A_648 = arith.cmpi ne, %convert_element_type3A_646, %cond3A_647 : i32
      scf.if %cond3A_648 {
        %sub3A_1503 = arith.constant 10 : i32
        %sub3A_1504 = arith.subi %add3A_640, %sub3A_1503 : i32
        %jit3A_1505 = arith.constant 2 : i32
        %div3A_1506 = arith.divsi %sub3A_1504, %jit3A_1505 : i32
        %sign3A_1507 = arith.constant 0 : i32
        %sign3A_1508 = arith.cmpi sgt, %sub3A_1504, %sign3A_1507 : i32
        %sign3A_1509 = arith.extui %sign3A_1508 : i1 to i32
        %sign3A_1510 = arith.constant 0 : i32
        %sign3A_1511 = arith.cmpi slt, %sub3A_1504, %sign3A_1510 : i32
        %sign3A_1512 = arith.extui %sign3A_1511 : i1 to i32
        %sign3A_1513 = arith.subi %sign3A_1509, %sign3A_1512 : i32
        %sign3A_1514 = arith.constant 0 : i32
        %sign3A_1515 = arith.cmpi sgt, %jit3A_1505, %sign3A_1514 : i32
        %sign3A_1516 = arith.extui %sign3A_1515 : i1 to i32
        %sign3A_1517 = arith.constant 0 : i32
        %sign3A_1518 = arith.cmpi slt, %jit3A_1505, %sign3A_1517 : i32
        %sign3A_1519 = arith.extui %sign3A_1518 : i1 to i32
        %sign3A_1520 = arith.subi %sign3A_1516, %sign3A_1519 : i32
        %ne3A_1521 = arith.cmpi ne, %sign3A_1513, %sign3A_1520 : i32
        %rem3A_1522 = arith.remsi %sub3A_1504, %jit3A_1505 : i32
        %ne3A_1523 = arith.constant 0 : i32
        %ne3A_1524 = arith.cmpi ne, %rem3A_1522, %ne3A_1523 : i32
        %and3A_1525 = arith.andi %ne3A_1521, %ne3A_1524 : i1
        %sub3A_1526 = arith.constant 1 : i32
        %sub3A_1527 = arith.subi %div3A_1506, %sub3A_1526 : i32
        %select_n3A_1528 = arith.select %and3A_1525, %sub3A_1527, %div3A_1506 : i32
        %jit3A_1529 = arith.constant 2 : i32
        %eq3A_1530 = arith.constant 0 : i32
        %eq3A_1531 = arith.cmpi eq, %jit3A_1529, %eq3A_1530 : i32
        %jit3A_1532 = arith.constant 1 : i32
        %select_n3A_1533 = arith.select %eq3A_1531, %jit3A_1532, %jit3A_1529 : i32
        %rem3A_1534 = arith.remsi %sub3A_1504, %select_n3A_1533 : i32
        %ne3A_1535 = arith.constant 0 : i32
        %ne3A_1536 = arith.cmpi ne, %rem3A_1534, %ne3A_1535 : i32
        %lt3A_1537 = arith.constant 0 : i32
        %lt3A_1538 = arith.cmpi slt, %rem3A_1534, %lt3A_1537 : i32
        %lt3A_1539 = arith.constant 0 : i32
        %lt3A_1540 = arith.cmpi slt, %select_n3A_1533, %lt3A_1539 : i32
        %ne3A_1541 = arith.xori %lt3A_1538, %lt3A_1540 : i1
        %and3A_1542 = arith.andi %ne3A_1541, %ne3A_1536 : i1
        %add3A_1543 = arith.addi %rem3A_1534, %select_n3A_1533 : i32
        %select_n3A_1544 = arith.select %and3A_1542, %add3A_1543, %rem3A_1534 : i32
        %mul3A_1545 = arith.constant 64 : i32
        %mul3A_1546 = arith.muli %select_n3A_1544, %mul3A_1545 : i32
        %add3A_1547 = arith.addi %mul3A_2, %mul3A_1546 : i32
        %dma_wait3A_1548 = arith.constant 0 : i32
        %dma_wait3A_1549 = arith.constant 0 : i32
        %dma_wait3A_1550 = arith.constant 0 : i32
        %dma_wait3A_1551 = tpu.memref_slice %arg6[%dma_wait3A_1548, %dma_wait3A_1549, %dma_wait3A_1550] : memref<10x64x128xf32, #tpu.memory_space<vmem>> -> memref<1x64x128xf32, #tpu.memory_space<vmem>>
        %dma_wait3A_1552 = tpu.memref_squeeze %dma_wait3A_1551 : memref<1x64x128xf32, #tpu.memory_space<vmem>> -> memref<64x128xf32, #tpu.memory_space<vmem>>
        %dma_wait3A_1553 = arith.constant 0 : i32
        %dma_wait3A_1554 = tpu.memref_slice %arg4[%select_n3A_1528, %add3A_1547, %dma_wait3A_1553] : memref<50x4096x128xf32, #tpu.memory_space<hbm>> -> memref<1x64x128xf32, #tpu.memory_space<hbm>>
        %dma_wait3A_1555 = tpu.memref_squeeze %dma_wait3A_1554 : memref<1x64x128xf32, #tpu.memory_space<hbm>> -> memref<64x128xf32, #tpu.memory_space<hbm>>
        %dma_wait3A_1556 = arith.constant 0 : i32
        %dma_wait3A_1557 = tpu.memref_slice %arg4[%select_n3A_1528, %add3A_1547, %dma_wait3A_1556] : memref<50x4096x128xf32, #tpu.memory_space<hbm>> -> memref<1x64x128xf32, #tpu.memory_space<hbm>>
        %dma_wait3A_1558 = tpu.memref_squeeze %dma_wait3A_1557 : memref<1x64x128xf32, #tpu.memory_space<hbm>> -> memref<64x128xf32, #tpu.memory_space<hbm>>
        %dma_wait3A_1559 = arith.constant 0 : i32
        %dma_wait3A_1560 = arith.constant 0 : i32
        %dma_wait3A_1561 = tpu.memref_slice %arg6[%dma_wait3A_1548, %dma_wait3A_1559, %dma_wait3A_1560] : memref<10x64x128xf32, #tpu.memory_space<vmem>> -> memref<1x64x128xf32, #tpu.memory_space<vmem>>
        %dma_wait3A_1562 = tpu.memref_squeeze %dma_wait3A_1561 : memref<1x64x128xf32, #tpu.memory_space<vmem>> -> memref<64x128xf32, #tpu.memory_space<vmem>>
        tpu.wait_dma2 semaphore(%arg17 : memref<!tpu.dma_semaphore, #tpu.memory_space<semaphore_mem>>) src(%dma_wait3A_1562 : memref<64x128xf32, #tpu.memory_space<vmem>>) dst(%dma_wait3A_1558 : memref<64x128xf32, #tpu.memory_space<hbm>>)
        %jit3A_1563 = arith.constant 2 : i32
        %div3A_1564 = arith.divsi %add3A_640, %jit3A_1563 : i32
        %sign3A_1565 = arith.constant 0 : i32
        %sign3A_1566 = arith.cmpi sgt, %add3A_640, %sign3A_1565 : i32
        %sign3A_1567 = arith.extui %sign3A_1566 : i1 to i32
        %sign3A_1568 = arith.constant 0 : i32
        %sign3A_1569 = arith.cmpi slt, %add3A_640, %sign3A_1568 : i32
        %sign3A_1570 = arith.extui %sign3A_1569 : i1 to i32
        %sign3A_1571 = arith.subi %sign3A_1567, %sign3A_1570 : i32
        %sign3A_1572 = arith.constant 0 : i32
        %sign3A_1573 = arith.cmpi sgt, %jit3A_1563, %sign3A_1572 : i32
        %sign3A_1574 = arith.extui %sign3A_1573 : i1 to i32
        %sign3A_1575 = arith.constant 0 : i32
        %sign3A_1576 = arith.cmpi slt, %jit3A_1563, %sign3A_1575 : i32
        %sign3A_1577 = arith.extui %sign3A_1576 : i1 to i32
        %sign3A_1578 = arith.subi %sign3A_1574, %sign3A_1577 : i32
        %ne3A_1579 = arith.cmpi ne, %sign3A_1571, %sign3A_1578 : i32
        %rem3A_1580 = arith.remsi %add3A_640, %jit3A_1563 : i32
        %ne3A_1581 = arith.constant 0 : i32
        %ne3A_1582 = arith.cmpi ne, %rem3A_1580, %ne3A_1581 : i32
        %and3A_1583 = arith.andi %ne3A_1579, %ne3A_1582 : i1
        %sub3A_1584 = arith.constant 1 : i32
        %sub3A_1585 = arith.subi %div3A_1564, %sub3A_1584 : i32
        %select_n3A_1586 = arith.select %and3A_1583, %sub3A_1585, %div3A_1564 : i32
        %jit3A_1587 = arith.constant 2 : i32
        %eq3A_1588 = arith.constant 0 : i32
        %eq3A_1589 = arith.cmpi eq, %jit3A_1587, %eq3A_1588 : i32
        %jit3A_1590 = arith.constant 1 : i32
        %select_n3A_1591 = arith.select %eq3A_1589, %jit3A_1590, %jit3A_1587 : i32
        %rem3A_1592 = arith.remsi %add3A_640, %select_n3A_1591 : i32
        %ne3A_1593 = arith.constant 0 : i32
        %ne3A_1594 = arith.cmpi ne, %rem3A_1592, %ne3A_1593 : i32
        %lt3A_1595 = arith.constant 0 : i32
        %lt3A_1596 = arith.cmpi slt, %rem3A_1592, %lt3A_1595 : i32
        %lt3A_1597 = arith.constant 0 : i32
        %lt3A_1598 = arith.cmpi slt, %select_n3A_1591, %lt3A_1597 : i32
        %ne3A_1599 = arith.xori %lt3A_1596, %lt3A_1598 : i1
        %and3A_1600 = arith.andi %ne3A_1599, %ne3A_1594 : i1
        %add3A_1601 = arith.addi %rem3A_1592, %select_n3A_1591 : i32
        %select_n3A_1602 = arith.select %and3A_1600, %add3A_1601, %rem3A_1592 : i32
        %mul3A_1603 = arith.constant 64 : i32
        %mul3A_1604 = arith.muli %select_n3A_1602, %mul3A_1603 : i32
        %dma_start3A_1605 = arith.constant 0 : i32
        %dma_start3A_1606 = arith.constant 0 : i32
        %dma_start3A_1607 = arith.constant 0 : i32
        %dma_start3A_1608 = tpu.memref_slice %arg6[%dma_start3A_1605, %dma_start3A_1606, %dma_start3A_1607] : memref<10x64x128xf32, #tpu.memory_space<vmem>> -> memref<1x64x128xf32, #tpu.memory_space<vmem>>
        %dma_start3A_1609 = tpu.memref_squeeze %dma_start3A_1608 : memref<1x64x128xf32, #tpu.memory_space<vmem>> -> memref<64x128xf32, #tpu.memory_space<vmem>>
        %dma_start3A_1610 = tpu.memref_slice %arg5[%select_n3A_1586, %mul3A_1604] : memref<50x128xi32, #tpu.memory_space<vmem>> -> memref<1x64xi32, #tpu.memory_space<vmem>>
        %dma_start3A_1611 = tpu.memref_squeeze %dma_start3A_1610 : memref<1x64xi32, #tpu.memory_space<vmem>> -> memref<64xi32, #tpu.memory_space<vmem>>
        %dma_start3A_1612 = arith.constant 0 : i32
        %dma_start3A_1613 = arith.constant 0 : i32
        %dma_start3A_1614 = tpu.memref_slice %arg3[%dma_start3A_1612, %dma_start3A_1613] : memref<100000x128xf32, #tpu.memory_space<hbm>> -> memref<100000x128xf32, #tpu.memory_space<hbm>>
        tpu.enqueue_indirect_dma source(%dma_start3A_1614 : memref<100000x128xf32, #tpu.memory_space<hbm>>) target(%dma_start3A_1609 : memref<64x128xf32, #tpu.memory_space<vmem>>) offsets(%dma_start3A_1611 : memref<64xi32, #tpu.memory_space<vmem>>) semaphore(%arg7 : memref<!tpu.dma_semaphore, #tpu.memory_space<semaphore_mem>>)
      } else {
      }
      %add3A_649 = arith.constant 3 : i32
      %add3A_650 = arith.addi %add3A_285, %add3A_649 : i32
      %jit3A_651 = arith.constant 2 : i32
      %div3A_652 = arith.divsi %add3A_650, %jit3A_651 : i32
      %sign3A_653 = arith.constant 0 : i32
      %sign3A_654 = arith.cmpi sgt, %add3A_650, %sign3A_653 : i32
      %sign3A_655 = arith.extui %sign3A_654 : i1 to i32
      %sign3A_656 = arith.constant 0 : i32
      %sign3A_657 = arith.cmpi slt, %add3A_650, %sign3A_656 : i32
      %sign3A_658 = arith.extui %sign3A_657 : i1 to i32
      %sign3A_659 = arith.subi %sign3A_655, %sign3A_658 : i32
      %sign3A_660 = arith.constant 0 : i32
      %sign3A_661 = arith.cmpi sgt, %jit3A_651, %sign3A_660 : i32
      %sign3A_662 = arith.extui %sign3A_661 : i1 to i32
      %sign3A_663 = arith.constant 0 : i32
      %sign3A_664 = arith.cmpi slt, %jit3A_651, %sign3A_663 : i32
      %sign3A_665 = arith.extui %sign3A_664 : i1 to i32
      %sign3A_666 = arith.subi %sign3A_662, %sign3A_665 : i32
      %ne3A_667 = arith.cmpi ne, %sign3A_659, %sign3A_666 : i32
      %rem3A_668 = arith.remsi %add3A_650, %jit3A_651 : i32
      %ne3A_669 = arith.constant 0 : i32
      %ne3A_670 = arith.cmpi ne, %rem3A_668, %ne3A_669 : i32
      %and3A_671 = arith.andi %ne3A_667, %ne3A_670 : i1
      %sub3A_672 = arith.constant 1 : i32
      %sub3A_673 = arith.subi %div3A_652, %sub3A_672 : i32
      %select_n3A_674 = arith.select %and3A_671, %sub3A_673, %div3A_652 : i32
      %jit3A_675 = arith.constant 2 : i32
      %eq3A_676 = arith.constant 0 : i32
      %eq3A_677 = arith.cmpi eq, %jit3A_675, %eq3A_676 : i32
      %jit3A_678 = arith.constant 1 : i32
      %select_n3A_679 = arith.select %eq3A_677, %jit3A_678, %jit3A_675 : i32
      %rem3A_680 = arith.remsi %add3A_650, %select_n3A_679 : i32
      %ne3A_681 = arith.constant 0 : i32
      %ne3A_682 = arith.cmpi ne, %rem3A_680, %ne3A_681 : i32
      %lt3A_683 = arith.constant 0 : i32
      %lt3A_684 = arith.cmpi slt, %rem3A_680, %lt3A_683 : i32
      %lt3A_685 = arith.constant 0 : i32
      %lt3A_686 = arith.cmpi slt, %select_n3A_679, %lt3A_685 : i32
      %ne3A_687 = arith.xori %lt3A_684, %lt3A_686 : i1
      %and3A_688 = arith.andi %ne3A_687, %ne3A_682 : i1
      %add3A_689 = arith.addi %rem3A_680, %select_n3A_679 : i32
      %select_n3A_690 = arith.select %and3A_688, %add3A_689, %rem3A_680 : i32
      %mul3A_691 = arith.constant 64 : i32
      %mul3A_692 = arith.muli %select_n3A_690, %mul3A_691 : i32
      %dma_wait3A_693 = arith.constant 3 : i32
      %dma_wait3A_694 = arith.constant 0 : i32
      %dma_wait3A_695 = arith.constant 0 : i32
      %dma_wait3A_696 = tpu.memref_slice %arg6[%dma_wait3A_693, %dma_wait3A_694, %dma_wait3A_695] : memref<10x64x128xf32, #tpu.memory_space<vmem>> -> memref<1x64x128xf32, #tpu.memory_space<vmem>>
      %dma_wait3A_697 = tpu.memref_squeeze %dma_wait3A_696 : memref<1x64x128xf32, #tpu.memory_space<vmem>> -> memref<64x128xf32, #tpu.memory_space<vmem>>
      %dma_wait3A_698 = tpu.memref_slice %arg5[%select_n3A_674, %mul3A_692] : memref<50x128xi32, #tpu.memory_space<vmem>> -> memref<1x64xi32, #tpu.memory_space<vmem>>
      %dma_wait3A_699 = tpu.memref_squeeze %dma_wait3A_698 : memref<1x64xi32, #tpu.memory_space<vmem>> -> memref<64xi32, #tpu.memory_space<vmem>>
      %dma_wait3A_700 = arith.constant 0 : i32
      %dma_wait3A_701 = arith.constant 0 : i32
      %dma_wait3A_702 = tpu.memref_slice %arg3[%dma_wait3A_700, %dma_wait3A_701] : memref<100000x128xf32, #tpu.memory_space<hbm>> -> memref<100000x128xf32, #tpu.memory_space<hbm>>
      tpu.wait_indirect_dma semaphore(%arg10 : memref<!tpu.dma_semaphore, #tpu.memory_space<semaphore_mem>>) src(%dma_wait3A_702 : memref<100000x128xf32, #tpu.memory_space<hbm>>) dst(%dma_wait3A_697 : memref<64x128xf32, #tpu.memory_space<vmem>>)
      %jit3A_703 = arith.constant 2 : i32
      %div3A_704 = arith.divsi %add3A_650, %jit3A_703 : i32
      %sign3A_705 = arith.constant 0 : i32
      %sign3A_706 = arith.cmpi sgt, %add3A_650, %sign3A_705 : i32
      %sign3A_707 = arith.extui %sign3A_706 : i1 to i32
      %sign3A_708 = arith.constant 0 : i32
      %sign3A_709 = arith.cmpi slt, %add3A_650, %sign3A_708 : i32
      %sign3A_710 = arith.extui %sign3A_709 : i1 to i32
      %sign3A_711 = arith.subi %sign3A_707, %sign3A_710 : i32
      %sign3A_712 = arith.constant 0 : i32
      %sign3A_713 = arith.cmpi sgt, %jit3A_703, %sign3A_712 : i32
      %sign3A_714 = arith.extui %sign3A_713 : i1 to i32
      %sign3A_715 = arith.constant 0 : i32
      %sign3A_716 = arith.cmpi slt, %jit3A_703, %sign3A_715 : i32
      %sign3A_717 = arith.extui %sign3A_716 : i1 to i32
      %sign3A_718 = arith.subi %sign3A_714, %sign3A_717 : i32
      %ne3A_719 = arith.cmpi ne, %sign3A_711, %sign3A_718 : i32
      %rem3A_720 = arith.remsi %add3A_650, %jit3A_703 : i32
      %ne3A_721 = arith.constant 0 : i32
      %ne3A_722 = arith.cmpi ne, %rem3A_720, %ne3A_721 : i32
      %and3A_723 = arith.andi %ne3A_719, %ne3A_722 : i1
      %sub3A_724 = arith.constant 1 : i32
      %sub3A_725 = arith.subi %div3A_704, %sub3A_724 : i32
      %select_n3A_726 = arith.select %and3A_723, %sub3A_725, %div3A_704 : i32
      %jit3A_727 = arith.constant 2 : i32
      %eq3A_728 = arith.constant 0 : i32
      %eq3A_729 = arith.cmpi eq, %jit3A_727, %eq3A_728 : i32
      %jit3A_730 = arith.constant 1 : i32
      %select_n3A_731 = arith.select %eq3A_729, %jit3A_730, %jit3A_727 : i32
      %rem3A_732 = arith.remsi %add3A_650, %select_n3A_731 : i32
      %ne3A_733 = arith.constant 0 : i32
      %ne3A_734 = arith.cmpi ne, %rem3A_732, %ne3A_733 : i32
      %lt3A_735 = arith.constant 0 : i32
      %lt3A_736 = arith.cmpi slt, %rem3A_732, %lt3A_735 : i32
      %lt3A_737 = arith.constant 0 : i32
      %lt3A_738 = arith.cmpi slt, %select_n3A_731, %lt3A_737 : i32
      %ne3A_739 = arith.xori %lt3A_736, %lt3A_738 : i1
      %and3A_740 = arith.andi %ne3A_739, %ne3A_734 : i1
      %add3A_741 = arith.addi %rem3A_732, %select_n3A_731 : i32
      %select_n3A_742 = arith.select %and3A_740, %add3A_741, %rem3A_732 : i32
      %mul3A_743 = arith.constant 64 : i32
      %mul3A_744 = arith.muli %select_n3A_742, %mul3A_743 : i32
      %add3A_745 = arith.addi %mul3A_2, %mul3A_744 : i32
      %dma_start3A_746 = arith.constant 3 : i32
      %dma_start3A_747 = arith.constant 0 : i32
      %dma_start3A_748 = arith.constant 0 : i32
      %dma_start3A_749 = tpu.memref_slice %arg6[%dma_start3A_746, %dma_start3A_747, %dma_start3A_748] : memref<10x64x128xf32, #tpu.memory_space<vmem>> -> memref<1x64x128xf32, #tpu.memory_space<vmem>>
      %dma_start3A_750 = tpu.memref_squeeze %dma_start3A_749 : memref<1x64x128xf32, #tpu.memory_space<vmem>> -> memref<64x128xf32, #tpu.memory_space<vmem>>
      %dma_start3A_751 = arith.constant 0 : i32
      %dma_start3A_752 = tpu.memref_slice %arg4[%select_n3A_726, %add3A_745, %dma_start3A_751] : memref<50x4096x128xf32, #tpu.memory_space<hbm>> -> memref<1x64x128xf32, #tpu.memory_space<hbm>>
      %dma_start3A_753 = tpu.memref_squeeze %dma_start3A_752 : memref<1x64x128xf32, #tpu.memory_space<hbm>> -> memref<64x128xf32, #tpu.memory_space<hbm>>
      %dma_start3A_754 = arith.constant 0 : i32
      %dma_start3A_755 = tpu.memref_slice %arg4[%select_n3A_726, %add3A_745, %dma_start3A_754] : memref<50x4096x128xf32, #tpu.memory_space<hbm>> -> memref<1x64x128xf32, #tpu.memory_space<hbm>>
      %dma_start3A_756 = tpu.memref_squeeze %dma_start3A_755 : memref<1x64x128xf32, #tpu.memory_space<hbm>> -> memref<64x128xf32, #tpu.memory_space<hbm>>
      %dma_start3A_757 = arith.constant 0 : i32
      %dma_start3A_758 = arith.constant 0 : i32
      %dma_start3A_759 = tpu.memref_slice %arg6[%dma_start3A_746, %dma_start3A_757, %dma_start3A_758] : memref<10x64x128xf32, #tpu.memory_space<vmem>> -> memref<1x64x128xf32, #tpu.memory_space<vmem>>
      %dma_start3A_760 = tpu.memref_squeeze %dma_start3A_759 : memref<1x64x128xf32, #tpu.memory_space<vmem>> -> memref<64x128xf32, #tpu.memory_space<vmem>>
      tpu.enqueue_dma source(%dma_start3A_760 : memref<64x128xf32, #tpu.memory_space<vmem>>) target(%dma_start3A_756 : memref<64x128xf32, #tpu.memory_space<hbm>>) target_semaphore(%arg20 : memref<!tpu.dma_semaphore, #tpu.memory_space<semaphore_mem>>)
      %add3A_761 = arith.constant 8 : i32
      %add3A_762 = arith.addi %add3A_650, %add3A_761 : i32
      %ge3A_763 = arith.constant 10 : i32
      %ge3A_764 = arith.cmpi sge, %add3A_762, %ge3A_763 : i32
      %lt3A_765 = arith.constant 100 : i32
      %lt3A_766 = arith.cmpi slt, %add3A_762, %lt3A_765 : i32
      %and3A_767 = arith.andi %ge3A_764, %lt3A_766 : i1
      %convert_element_type3A_768 = arith.extui %and3A_767 : i1 to i32
      %cond3A_769 = arith.constant 0 : i32
      %cond3A_770 = arith.cmpi ne, %convert_element_type3A_768, %cond3A_769 : i32
      scf.if %cond3A_770 {
        %sub3A_1503 = arith.constant 10 : i32
        %sub3A_1504 = arith.subi %add3A_762, %sub3A_1503 : i32
        %jit3A_1505 = arith.constant 2 : i32
        %div3A_1506 = arith.divsi %sub3A_1504, %jit3A_1505 : i32
        %sign3A_1507 = arith.constant 0 : i32
        %sign3A_1508 = arith.cmpi sgt, %sub3A_1504, %sign3A_1507 : i32
        %sign3A_1509 = arith.extui %sign3A_1508 : i1 to i32
        %sign3A_1510 = arith.constant 0 : i32
        %sign3A_1511 = arith.cmpi slt, %sub3A_1504, %sign3A_1510 : i32
        %sign3A_1512 = arith.extui %sign3A_1511 : i1 to i32
        %sign3A_1513 = arith.subi %sign3A_1509, %sign3A_1512 : i32
        %sign3A_1514 = arith.constant 0 : i32
        %sign3A_1515 = arith.cmpi sgt, %jit3A_1505, %sign3A_1514 : i32
        %sign3A_1516 = arith.extui %sign3A_1515 : i1 to i32
        %sign3A_1517 = arith.constant 0 : i32
        %sign3A_1518 = arith.cmpi slt, %jit3A_1505, %sign3A_1517 : i32
        %sign3A_1519 = arith.extui %sign3A_1518 : i1 to i32
        %sign3A_1520 = arith.subi %sign3A_1516, %sign3A_1519 : i32
        %ne3A_1521 = arith.cmpi ne, %sign3A_1513, %sign3A_1520 : i32
        %rem3A_1522 = arith.remsi %sub3A_1504, %jit3A_1505 : i32
        %ne3A_1523 = arith.constant 0 : i32
        %ne3A_1524 = arith.cmpi ne, %rem3A_1522, %ne3A_1523 : i32
        %and3A_1525 = arith.andi %ne3A_1521, %ne3A_1524 : i1
        %sub3A_1526 = arith.constant 1 : i32
        %sub3A_1527 = arith.subi %div3A_1506, %sub3A_1526 : i32
        %select_n3A_1528 = arith.select %and3A_1525, %sub3A_1527, %div3A_1506 : i32
        %jit3A_1529 = arith.constant 2 : i32
        %eq3A_1530 = arith.constant 0 : i32
        %eq3A_1531 = arith.cmpi eq, %jit3A_1529, %eq3A_1530 : i32
        %jit3A_1532 = arith.constant 1 : i32
        %select_n3A_1533 = arith.select %eq3A_1531, %jit3A_1532, %jit3A_1529 : i32
        %rem3A_1534 = arith.remsi %sub3A_1504, %select_n3A_1533 : i32
        %ne3A_1535 = arith.constant 0 : i32
        %ne3A_1536 = arith.cmpi ne, %rem3A_1534, %ne3A_1535 : i32
        %lt3A_1537 = arith.constant 0 : i32
        %lt3A_1538 = arith.cmpi slt, %rem3A_1534, %lt3A_1537 : i32
        %lt3A_1539 = arith.constant 0 : i32
        %lt3A_1540 = arith.cmpi slt, %select_n3A_1533, %lt3A_1539 : i32
        %ne3A_1541 = arith.xori %lt3A_1538, %lt3A_1540 : i1
        %and3A_1542 = arith.andi %ne3A_1541, %ne3A_1536 : i1
        %add3A_1543 = arith.addi %rem3A_1534, %select_n3A_1533 : i32
        %select_n3A_1544 = arith.select %and3A_1542, %add3A_1543, %rem3A_1534 : i32
        %mul3A_1545 = arith.constant 64 : i32
        %mul3A_1546 = arith.muli %select_n3A_1544, %mul3A_1545 : i32
        %add3A_1547 = arith.addi %mul3A_2, %mul3A_1546 : i32
        %dma_wait3A_1548 = arith.constant 1 : i32
        %dma_wait3A_1549 = arith.constant 0 : i32
        %dma_wait3A_1550 = arith.constant 0 : i32
        %dma_wait3A_1551 = tpu.memref_slice %arg6[%dma_wait3A_1548, %dma_wait3A_1549, %dma_wait3A_1550] : memref<10x64x128xf32, #tpu.memory_space<vmem>> -> memref<1x64x128xf32, #tpu.memory_space<vmem>>
        %dma_wait3A_1552 = tpu.memref_squeeze %dma_wait3A_1551 : memref<1x64x128xf32, #tpu.memory_space<vmem>> -> memref<64x128xf32, #tpu.memory_space<vmem>>
        %dma_wait3A_1553 = arith.constant 0 : i32
        %dma_wait3A_1554 = tpu.memref_slice %arg4[%select_n3A_1528, %add3A_1547, %dma_wait3A_1553] : memref<50x4096x128xf32, #tpu.memory_space<hbm>> -> memref<1x64x128xf32, #tpu.memory_space<hbm>>
        %dma_wait3A_1555 = tpu.memref_squeeze %dma_wait3A_1554 : memref<1x64x128xf32, #tpu.memory_space<hbm>> -> memref<64x128xf32, #tpu.memory_space<hbm>>
        %dma_wait3A_1556 = arith.constant 0 : i32
        %dma_wait3A_1557 = tpu.memref_slice %arg4[%select_n3A_1528, %add3A_1547, %dma_wait3A_1556] : memref<50x4096x128xf32, #tpu.memory_space<hbm>> -> memref<1x64x128xf32, #tpu.memory_space<hbm>>
        %dma_wait3A_1558 = tpu.memref_squeeze %dma_wait3A_1557 : memref<1x64x128xf32, #tpu.memory_space<hbm>> -> memref<64x128xf32, #tpu.memory_space<hbm>>
        %dma_wait3A_1559 = arith.constant 0 : i32
        %dma_wait3A_1560 = arith.constant 0 : i32
        %dma_wait3A_1561 = tpu.memref_slice %arg6[%dma_wait3A_1548, %dma_wait3A_1559, %dma_wait3A_1560] : memref<10x64x128xf32, #tpu.memory_space<vmem>> -> memref<1x64x128xf32, #tpu.memory_space<vmem>>
        %dma_wait3A_1562 = tpu.memref_squeeze %dma_wait3A_1561 : memref<1x64x128xf32, #tpu.memory_space<vmem>> -> memref<64x128xf32, #tpu.memory_space<vmem>>
        tpu.wait_dma2 semaphore(%arg18 : memref<!tpu.dma_semaphore, #tpu.memory_space<semaphore_mem>>) src(%dma_wait3A_1562 : memref<64x128xf32, #tpu.memory_space<vmem>>) dst(%dma_wait3A_1558 : memref<64x128xf32, #tpu.memory_space<hbm>>)
        %jit3A_1563 = arith.constant 2 : i32
        %div3A_1564 = arith.divsi %add3A_762, %jit3A_1563 : i32
        %sign3A_1565 = arith.constant 0 : i32
        %sign3A_1566 = arith.cmpi sgt, %add3A_762, %sign3A_1565 : i32
        %sign3A_1567 = arith.extui %sign3A_1566 : i1 to i32
        %sign3A_1568 = arith.constant 0 : i32
        %sign3A_1569 = arith.cmpi slt, %add3A_762, %sign3A_1568 : i32
        %sign3A_1570 = arith.extui %sign3A_1569 : i1 to i32
        %sign3A_1571 = arith.subi %sign3A_1567, %sign3A_1570 : i32
        %sign3A_1572 = arith.constant 0 : i32
        %sign3A_1573 = arith.cmpi sgt, %jit3A_1563, %sign3A_1572 : i32
        %sign3A_1574 = arith.extui %sign3A_1573 : i1 to i32
        %sign3A_1575 = arith.constant 0 : i32
        %sign3A_1576 = arith.cmpi slt, %jit3A_1563, %sign3A_1575 : i32
        %sign3A_1577 = arith.extui %sign3A_1576 : i1 to i32
        %sign3A_1578 = arith.subi %sign3A_1574, %sign3A_1577 : i32
        %ne3A_1579 = arith.cmpi ne, %sign3A_1571, %sign3A_1578 : i32
        %rem3A_1580 = arith.remsi %add3A_762, %jit3A_1563 : i32
        %ne3A_1581 = arith.constant 0 : i32
        %ne3A_1582 = arith.cmpi ne, %rem3A_1580, %ne3A_1581 : i32
        %and3A_1583 = arith.andi %ne3A_1579, %ne3A_1582 : i1
        %sub3A_1584 = arith.constant 1 : i32
        %sub3A_1585 = arith.subi %div3A_1564, %sub3A_1584 : i32
        %select_n3A_1586 = arith.select %and3A_1583, %sub3A_1585, %div3A_1564 : i32
        %jit3A_1587 = arith.constant 2 : i32
        %eq3A_1588 = arith.constant 0 : i32
        %eq3A_1589 = arith.cmpi eq, %jit3A_1587, %eq3A_1588 : i32
        %jit3A_1590 = arith.constant 1 : i32
        %select_n3A_1591 = arith.select %eq3A_1589, %jit3A_1590, %jit3A_1587 : i32
        %rem3A_1592 = arith.remsi %add3A_762, %select_n3A_1591 : i32
        %ne3A_1593 = arith.constant 0 : i32
        %ne3A_1594 = arith.cmpi ne, %rem3A_1592, %ne3A_1593 : i32
        %lt3A_1595 = arith.constant 0 : i32
        %lt3A_1596 = arith.cmpi slt, %rem3A_1592, %lt3A_1595 : i32
        %lt3A_1597 = arith.constant 0 : i32
        %lt3A_1598 = arith.cmpi slt, %select_n3A_1591, %lt3A_1597 : i32
        %ne3A_1599 = arith.xori %lt3A_1596, %lt3A_1598 : i1
        %and3A_1600 = arith.andi %ne3A_1599, %ne3A_1594 : i1
        %add3A_1601 = arith.addi %rem3A_1592, %select_n3A_1591 : i32
        %select_n3A_1602 = arith.select %and3A_1600, %add3A_1601, %rem3A_1592 : i32
        %mul3A_1603 = arith.constant 64 : i32
        %mul3A_1604 = arith.muli %select_n3A_1602, %mul3A_1603 : i32
        %dma_start3A_1605 = arith.constant 1 : i32
        %dma_start3A_1606 = arith.constant 0 : i32
        %dma_start3A_1607 = arith.constant 0 : i32
        %dma_start3A_1608 = tpu.memref_slice %arg6[%dma_start3A_1605, %dma_start3A_1606, %dma_start3A_1607] : memref<10x64x128xf32, #tpu.memory_space<vmem>> -> memref<1x64x128xf32, #tpu.memory_space<vmem>>
        %dma_start3A_1609 = tpu.memref_squeeze %dma_start3A_1608 : memref<1x64x128xf32, #tpu.memory_space<vmem>> -> memref<64x128xf32, #tpu.memory_space<vmem>>
        %dma_start3A_1610 = tpu.memref_slice %arg5[%select_n3A_1586, %mul3A_1604] : memref<50x128xi32, #tpu.memory_space<vmem>> -> memref<1x64xi32, #tpu.memory_space<vmem>>
        %dma_start3A_1611 = tpu.memref_squeeze %dma_start3A_1610 : memref<1x64xi32, #tpu.memory_space<vmem>> -> memref<64xi32, #tpu.memory_space<vmem>>
        %dma_start3A_1612 = arith.constant 0 : i32
        %dma_start3A_1613 = arith.constant 0 : i32
        %dma_start3A_1614 = tpu.memref_slice %arg3[%dma_start3A_1612, %dma_start3A_1613] : memref<100000x128xf32, #tpu.memory_space<hbm>> -> memref<100000x128xf32, #tpu.memory_space<hbm>>
        tpu.enqueue_indirect_dma source(%dma_start3A_1614 : memref<100000x128xf32, #tpu.memory_space<hbm>>) target(%dma_start3A_1609 : memref<64x128xf32, #tpu.memory_space<vmem>>) offsets(%dma_start3A_1611 : memref<64xi32, #tpu.memory_space<vmem>>) semaphore(%arg8 : memref<!tpu.dma_semaphore, #tpu.memory_space<semaphore_mem>>)
      } else {
      }
      %add3A_771 = arith.constant 4 : i32
      %add3A_772 = arith.addi %add3A_285, %add3A_771 : i32
      %jit3A_773 = arith.constant 2 : i32
      %div3A_774 = arith.divsi %add3A_772, %jit3A_773 : i32
      %sign3A_775 = arith.constant 0 : i32
      %sign3A_776 = arith.cmpi sgt, %add3A_772, %sign3A_775 : i32
      %sign3A_777 = arith.extui %sign3A_776 : i1 to i32
      %sign3A_778 = arith.constant 0 : i32
      %sign3A_779 = arith.cmpi slt, %add3A_772, %sign3A_778 : i32
      %sign3A_780 = arith.extui %sign3A_779 : i1 to i32
      %sign3A_781 = arith.subi %sign3A_777, %sign3A_780 : i32
      %sign3A_782 = arith.constant 0 : i32
      %sign3A_783 = arith.cmpi sgt, %jit3A_773, %sign3A_782 : i32
      %sign3A_784 = arith.extui %sign3A_783 : i1 to i32
      %sign3A_785 = arith.constant 0 : i32
      %sign3A_786 = arith.cmpi slt, %jit3A_773, %sign3A_785 : i32
      %sign3A_787 = arith.extui %sign3A_786 : i1 to i32
      %sign3A_788 = arith.subi %sign3A_784, %sign3A_787 : i32
      %ne3A_789 = arith.cmpi ne, %sign3A_781, %sign3A_788 : i32
      %rem3A_790 = arith.remsi %add3A_772, %jit3A_773 : i32
      %ne3A_791 = arith.constant 0 : i32
      %ne3A_792 = arith.cmpi ne, %rem3A_790, %ne3A_791 : i32
      %and3A_793 = arith.andi %ne3A_789, %ne3A_792 : i1
      %sub3A_794 = arith.constant 1 : i32
      %sub3A_795 = arith.subi %div3A_774, %sub3A_794 : i32
      %select_n3A_796 = arith.select %and3A_793, %sub3A_795, %div3A_774 : i32
      %jit3A_797 = arith.constant 2 : i32
      %eq3A_798 = arith.constant 0 : i32
      %eq3A_799 = arith.cmpi eq, %jit3A_797, %eq3A_798 : i32
      %jit3A_800 = arith.constant 1 : i32
      %select_n3A_801 = arith.select %eq3A_799, %jit3A_800, %jit3A_797 : i32
      %rem3A_802 = arith.remsi %add3A_772, %select_n3A_801 : i32
      %ne3A_803 = arith.constant 0 : i32
      %ne3A_804 = arith.cmpi ne, %rem3A_802, %ne3A_803 : i32
      %lt3A_805 = arith.constant 0 : i32
      %lt3A_806 = arith.cmpi slt, %rem3A_802, %lt3A_805 : i32
      %lt3A_807 = arith.constant 0 : i32
      %lt3A_808 = arith.cmpi slt, %select_n3A_801, %lt3A_807 : i32
      %ne3A_809 = arith.xori %lt3A_806, %lt3A_808 : i1
      %and3A_810 = arith.andi %ne3A_809, %ne3A_804 : i1
      %add3A_811 = arith.addi %rem3A_802, %select_n3A_801 : i32
      %select_n3A_812 = arith.select %and3A_810, %add3A_811, %rem3A_802 : i32
      %mul3A_813 = arith.constant 64 : i32
      %mul3A_814 = arith.muli %select_n3A_812, %mul3A_813 : i32
      %dma_wait3A_815 = arith.constant 4 : i32
      %dma_wait3A_816 = arith.constant 0 : i32
      %dma_wait3A_817 = arith.constant 0 : i32
      %dma_wait3A_818 = tpu.memref_slice %arg6[%dma_wait3A_815, %dma_wait3A_816, %dma_wait3A_817] : memref<10x64x128xf32, #tpu.memory_space<vmem>> -> memref<1x64x128xf32, #tpu.memory_space<vmem>>
      %dma_wait3A_819 = tpu.memref_squeeze %dma_wait3A_818 : memref<1x64x128xf32, #tpu.memory_space<vmem>> -> memref<64x128xf32, #tpu.memory_space<vmem>>
      %dma_wait3A_820 = tpu.memref_slice %arg5[%select_n3A_796, %mul3A_814] : memref<50x128xi32, #tpu.memory_space<vmem>> -> memref<1x64xi32, #tpu.memory_space<vmem>>
      %dma_wait3A_821 = tpu.memref_squeeze %dma_wait3A_820 : memref<1x64xi32, #tpu.memory_space<vmem>> -> memref<64xi32, #tpu.memory_space<vmem>>
      %dma_wait3A_822 = arith.constant 0 : i32
      %dma_wait3A_823 = arith.constant 0 : i32
      %dma_wait3A_824 = tpu.memref_slice %arg3[%dma_wait3A_822, %dma_wait3A_823] : memref<100000x128xf32, #tpu.memory_space<hbm>> -> memref<100000x128xf32, #tpu.memory_space<hbm>>
      tpu.wait_indirect_dma semaphore(%arg11 : memref<!tpu.dma_semaphore, #tpu.memory_space<semaphore_mem>>) src(%dma_wait3A_824 : memref<100000x128xf32, #tpu.memory_space<hbm>>) dst(%dma_wait3A_819 : memref<64x128xf32, #tpu.memory_space<vmem>>)
      %jit3A_825 = arith.constant 2 : i32
      %div3A_826 = arith.divsi %add3A_772, %jit3A_825 : i32
      %sign3A_827 = arith.constant 0 : i32
      %sign3A_828 = arith.cmpi sgt, %add3A_772, %sign3A_827 : i32
      %sign3A_829 = arith.extui %sign3A_828 : i1 to i32
      %sign3A_830 = arith.constant 0 : i32
      %sign3A_831 = arith.cmpi slt, %add3A_772, %sign3A_830 : i32
      %sign3A_832 = arith.extui %sign3A_831 : i1 to i32
      %sign3A_833 = arith.subi %sign3A_829, %sign3A_832 : i32
      %sign3A_834 = arith.constant 0 : i32
      %sign3A_835 = arith.cmpi sgt, %jit3A_825, %sign3A_834 : i32
      %sign3A_836 = arith.extui %sign3A_835 : i1 to i32
      %sign3A_837 = arith.constant 0 : i32
      %sign3A_838 = arith.cmpi slt, %jit3A_825, %sign3A_837 : i32
      %sign3A_839 = arith.extui %sign3A_838 : i1 to i32
      %sign3A_840 = arith.subi %sign3A_836, %sign3A_839 : i32
      %ne3A_841 = arith.cmpi ne, %sign3A_833, %sign3A_840 : i32
      %rem3A_842 = arith.remsi %add3A_772, %jit3A_825 : i32
      %ne3A_843 = arith.constant 0 : i32
      %ne3A_844 = arith.cmpi ne, %rem3A_842, %ne3A_843 : i32
      %and3A_845 = arith.andi %ne3A_841, %ne3A_844 : i1
      %sub3A_846 = arith.constant 1 : i32
      %sub3A_847 = arith.subi %div3A_826, %sub3A_846 : i32
      %select_n3A_848 = arith.select %and3A_845, %sub3A_847, %div3A_826 : i32
      %jit3A_849 = arith.constant 2 : i32
      %eq3A_850 = arith.constant 0 : i32
      %eq3A_851 = arith.cmpi eq, %jit3A_849, %eq3A_850 : i32
      %jit3A_852 = arith.constant 1 : i32
      %select_n3A_853 = arith.select %eq3A_851, %jit3A_852, %jit3A_849 : i32
      %rem3A_854 = arith.remsi %add3A_772, %select_n3A_853 : i32
      %ne3A_855 = arith.constant 0 : i32
      %ne3A_856 = arith.cmpi ne, %rem3A_854, %ne3A_855 : i32
      %lt3A_857 = arith.constant 0 : i32
      %lt3A_858 = arith.cmpi slt, %rem3A_854, %lt3A_857 : i32
      %lt3A_859 = arith.constant 0 : i32
      %lt3A_860 = arith.cmpi slt, %select_n3A_853, %lt3A_859 : i32
      %ne3A_861 = arith.xori %lt3A_858, %lt3A_860 : i1
      %and3A_862 = arith.andi %ne3A_861, %ne3A_856 : i1
      %add3A_863 = arith.addi %rem3A_854, %select_n3A_853 : i32
      %select_n3A_864 = arith.select %and3A_862, %add3A_863, %rem3A_854 : i32
      %mul3A_865 = arith.constant 64 : i32
      %mul3A_866 = arith.muli %select_n3A_864, %mul3A_865 : i32
      %add3A_867 = arith.addi %mul3A_2, %mul3A_866 : i32
      %dma_start3A_868 = arith.constant 4 : i32
      %dma_start3A_869 = arith.constant 0 : i32
      %dma_start3A_870 = arith.constant 0 : i32
      %dma_start3A_871 = tpu.memref_slice %arg6[%dma_start3A_868, %dma_start3A_869, %dma_start3A_870] : memref<10x64x128xf32, #tpu.memory_space<vmem>> -> memref<1x64x128xf32, #tpu.memory_space<vmem>>
      %dma_start3A_872 = tpu.memref_squeeze %dma_start3A_871 : memref<1x64x128xf32, #tpu.memory_space<vmem>> -> memref<64x128xf32, #tpu.memory_space<vmem>>
      %dma_start3A_873 = arith.constant 0 : i32
      %dma_start3A_874 = tpu.memref_slice %arg4[%select_n3A_848, %add3A_867, %dma_start3A_873] : memref<50x4096x128xf32, #tpu.memory_space<hbm>> -> memref<1x64x128xf32, #tpu.memory_space<hbm>>
      %dma_start3A_875 = tpu.memref_squeeze %dma_start3A_874 : memref<1x64x128xf32, #tpu.memory_space<hbm>> -> memref<64x128xf32, #tpu.memory_space<hbm>>
      %dma_start3A_876 = arith.constant 0 : i32
      %dma_start3A_877 = tpu.memref_slice %arg4[%select_n3A_848, %add3A_867, %dma_start3A_876] : memref<50x4096x128xf32, #tpu.memory_space<hbm>> -> memref<1x64x128xf32, #tpu.memory_space<hbm>>
      %dma_start3A_878 = tpu.memref_squeeze %dma_start3A_877 : memref<1x64x128xf32, #tpu.memory_space<hbm>> -> memref<64x128xf32, #tpu.memory_space<hbm>>
      %dma_start3A_879 = arith.constant 0 : i32
      %dma_start3A_880 = arith.constant 0 : i32
      %dma_start3A_881 = tpu.memref_slice %arg6[%dma_start3A_868, %dma_start3A_879, %dma_start3A_880] : memref<10x64x128xf32, #tpu.memory_space<vmem>> -> memref<1x64x128xf32, #tpu.memory_space<vmem>>
      %dma_start3A_882 = tpu.memref_squeeze %dma_start3A_881 : memref<1x64x128xf32, #tpu.memory_space<vmem>> -> memref<64x128xf32, #tpu.memory_space<vmem>>
      tpu.enqueue_dma source(%dma_start3A_882 : memref<64x128xf32, #tpu.memory_space<vmem>>) target(%dma_start3A_878 : memref<64x128xf32, #tpu.memory_space<hbm>>) target_semaphore(%arg21 : memref<!tpu.dma_semaphore, #tpu.memory_space<semaphore_mem>>)
      %add3A_883 = arith.constant 8 : i32
      %add3A_884 = arith.addi %add3A_772, %add3A_883 : i32
      %ge3A_885 = arith.constant 10 : i32
      %ge3A_886 = arith.cmpi sge, %add3A_884, %ge3A_885 : i32
      %lt3A_887 = arith.constant 100 : i32
      %lt3A_888 = arith.cmpi slt, %add3A_884, %lt3A_887 : i32
      %and3A_889 = arith.andi %ge3A_886, %lt3A_888 : i1
      %convert_element_type3A_890 = arith.extui %and3A_889 : i1 to i32
      %cond3A_891 = arith.constant 0 : i32
      %cond3A_892 = arith.cmpi ne, %convert_element_type3A_890, %cond3A_891 : i32
      scf.if %cond3A_892 {
        %sub3A_1503 = arith.constant 10 : i32
        %sub3A_1504 = arith.subi %add3A_884, %sub3A_1503 : i32
        %jit3A_1505 = arith.constant 2 : i32
        %div3A_1506 = arith.divsi %sub3A_1504, %jit3A_1505 : i32
        %sign3A_1507 = arith.constant 0 : i32
        %sign3A_1508 = arith.cmpi sgt, %sub3A_1504, %sign3A_1507 : i32
        %sign3A_1509 = arith.extui %sign3A_1508 : i1 to i32
        %sign3A_1510 = arith.constant 0 : i32
        %sign3A_1511 = arith.cmpi slt, %sub3A_1504, %sign3A_1510 : i32
        %sign3A_1512 = arith.extui %sign3A_1511 : i1 to i32
        %sign3A_1513 = arith.subi %sign3A_1509, %sign3A_1512 : i32
        %sign3A_1514 = arith.constant 0 : i32
        %sign3A_1515 = arith.cmpi sgt, %jit3A_1505, %sign3A_1514 : i32
        %sign3A_1516 = arith.extui %sign3A_1515 : i1 to i32
        %sign3A_1517 = arith.constant 0 : i32
        %sign3A_1518 = arith.cmpi slt, %jit3A_1505, %sign3A_1517 : i32
        %sign3A_1519 = arith.extui %sign3A_1518 : i1 to i32
        %sign3A_1520 = arith.subi %sign3A_1516, %sign3A_1519 : i32
        %ne3A_1521 = arith.cmpi ne, %sign3A_1513, %sign3A_1520 : i32
        %rem3A_1522 = arith.remsi %sub3A_1504, %jit3A_1505 : i32
        %ne3A_1523 = arith.constant 0 : i32
        %ne3A_1524 = arith.cmpi ne, %rem3A_1522, %ne3A_1523 : i32
        %and3A_1525 = arith.andi %ne3A_1521, %ne3A_1524 : i1
        %sub3A_1526 = arith.constant 1 : i32
        %sub3A_1527 = arith.subi %div3A_1506, %sub3A_1526 : i32
        %select_n3A_1528 = arith.select %and3A_1525, %sub3A_1527, %div3A_1506 : i32
        %jit3A_1529 = arith.constant 2 : i32
        %eq3A_1530 = arith.constant 0 : i32
        %eq3A_1531 = arith.cmpi eq, %jit3A_1529, %eq3A_1530 : i32
        %jit3A_1532 = arith.constant 1 : i32
        %select_n3A_1533 = arith.select %eq3A_1531, %jit3A_1532, %jit3A_1529 : i32
        %rem3A_1534 = arith.remsi %sub3A_1504, %select_n3A_1533 : i32
        %ne3A_1535 = arith.constant 0 : i32
        %ne3A_1536 = arith.cmpi ne, %rem3A_1534, %ne3A_1535 : i32
        %lt3A_1537 = arith.constant 0 : i32
        %lt3A_1538 = arith.cmpi slt, %rem3A_1534, %lt3A_1537 : i32
        %lt3A_1539 = arith.constant 0 : i32
        %lt3A_1540 = arith.cmpi slt, %select_n3A_1533, %lt3A_1539 : i32
        %ne3A_1541 = arith.xori %lt3A_1538, %lt3A_1540 : i1
        %and3A_1542 = arith.andi %ne3A_1541, %ne3A_1536 : i1
        %add3A_1543 = arith.addi %rem3A_1534, %select_n3A_1533 : i32
        %select_n3A_1544 = arith.select %and3A_1542, %add3A_1543, %rem3A_1534 : i32
        %mul3A_1545 = arith.constant 64 : i32
        %mul3A_1546 = arith.muli %select_n3A_1544, %mul3A_1545 : i32
        %add3A_1547 = arith.addi %mul3A_2, %mul3A_1546 : i32
        %dma_wait3A_1548 = arith.constant 2 : i32
        %dma_wait3A_1549 = arith.constant 0 : i32
        %dma_wait3A_1550 = arith.constant 0 : i32
        %dma_wait3A_1551 = tpu.memref_slice %arg6[%dma_wait3A_1548, %dma_wait3A_1549, %dma_wait3A_1550] : memref<10x64x128xf32, #tpu.memory_space<vmem>> -> memref<1x64x128xf32, #tpu.memory_space<vmem>>
        %dma_wait3A_1552 = tpu.memref_squeeze %dma_wait3A_1551 : memref<1x64x128xf32, #tpu.memory_space<vmem>> -> memref<64x128xf32, #tpu.memory_space<vmem>>
        %dma_wait3A_1553 = arith.constant 0 : i32
        %dma_wait3A_1554 = tpu.memref_slice %arg4[%select_n3A_1528, %add3A_1547, %dma_wait3A_1553] : memref<50x4096x128xf32, #tpu.memory_space<hbm>> -> memref<1x64x128xf32, #tpu.memory_space<hbm>>
        %dma_wait3A_1555 = tpu.memref_squeeze %dma_wait3A_1554 : memref<1x64x128xf32, #tpu.memory_space<hbm>> -> memref<64x128xf32, #tpu.memory_space<hbm>>
        %dma_wait3A_1556 = arith.constant 0 : i32
        %dma_wait3A_1557 = tpu.memref_slice %arg4[%select_n3A_1528, %add3A_1547, %dma_wait3A_1556] : memref<50x4096x128xf32, #tpu.memory_space<hbm>> -> memref<1x64x128xf32, #tpu.memory_space<hbm>>
        %dma_wait3A_1558 = tpu.memref_squeeze %dma_wait3A_1557 : memref<1x64x128xf32, #tpu.memory_space<hbm>> -> memref<64x128xf32, #tpu.memory_space<hbm>>
        %dma_wait3A_1559 = arith.constant 0 : i32
        %dma_wait3A_1560 = arith.constant 0 : i32
        %dma_wait3A_1561 = tpu.memref_slice %arg6[%dma_wait3A_1548, %dma_wait3A_1559, %dma_wait3A_1560] : memref<10x64x128xf32, #tpu.memory_space<vmem>> -> memref<1x64x128xf32, #tpu.memory_space<vmem>>
        %dma_wait3A_1562 = tpu.memref_squeeze %dma_wait3A_1561 : memref<1x64x128xf32, #tpu.memory_space<vmem>> -> memref<64x128xf32, #tpu.memory_space<vmem>>
        tpu.wait_dma2 semaphore(%arg19 : memref<!tpu.dma_semaphore, #tpu.memory_space<semaphore_mem>>) src(%dma_wait3A_1562 : memref<64x128xf32, #tpu.memory_space<vmem>>) dst(%dma_wait3A_1558 : memref<64x128xf32, #tpu.memory_space<hbm>>)
        %jit3A_1563 = arith.constant 2 : i32
        %div3A_1564 = arith.divsi %add3A_884, %jit3A_1563 : i32
        %sign3A_1565 = arith.constant 0 : i32
        %sign3A_1566 = arith.cmpi sgt, %add3A_884, %sign3A_1565 : i32
        %sign3A_1567 = arith.extui %sign3A_1566 : i1 to i32
        %sign3A_1568 = arith.constant 0 : i32
        %sign3A_1569 = arith.cmpi slt, %add3A_884, %sign3A_1568 : i32
        %sign3A_1570 = arith.extui %sign3A_1569 : i1 to i32
        %sign3A_1571 = arith.subi %sign3A_1567, %sign3A_1570 : i32
        %sign3A_1572 = arith.constant 0 : i32
        %sign3A_1573 = arith.cmpi sgt, %jit3A_1563, %sign3A_1572 : i32
        %sign3A_1574 = arith.extui %sign3A_1573 : i1 to i32
        %sign3A_1575 = arith.constant 0 : i32
        %sign3A_1576 = arith.cmpi slt, %jit3A_1563, %sign3A_1575 : i32
        %sign3A_1577 = arith.extui %sign3A_1576 : i1 to i32
        %sign3A_1578 = arith.subi %sign3A_1574, %sign3A_1577 : i32
        %ne3A_1579 = arith.cmpi ne, %sign3A_1571, %sign3A_1578 : i32
        %rem3A_1580 = arith.remsi %add3A_884, %jit3A_1563 : i32
        %ne3A_1581 = arith.constant 0 : i32
        %ne3A_1582 = arith.cmpi ne, %rem3A_1580, %ne3A_1581 : i32
        %and3A_1583 = arith.andi %ne3A_1579, %ne3A_1582 : i1
        %sub3A_1584 = arith.constant 1 : i32
        %sub3A_1585 = arith.subi %div3A_1564, %sub3A_1584 : i32
        %select_n3A_1586 = arith.select %and3A_1583, %sub3A_1585, %div3A_1564 : i32
        %jit3A_1587 = arith.constant 2 : i32
        %eq3A_1588 = arith.constant 0 : i32
        %eq3A_1589 = arith.cmpi eq, %jit3A_1587, %eq3A_1588 : i32
        %jit3A_1590 = arith.constant 1 : i32
        %select_n3A_1591 = arith.select %eq3A_1589, %jit3A_1590, %jit3A_1587 : i32
        %rem3A_1592 = arith.remsi %add3A_884, %select_n3A_1591 : i32
        %ne3A_1593 = arith.constant 0 : i32
        %ne3A_1594 = arith.cmpi ne, %rem3A_1592, %ne3A_1593 : i32
        %lt3A_1595 = arith.constant 0 : i32
        %lt3A_1596 = arith.cmpi slt, %rem3A_1592, %lt3A_1595 : i32
        %lt3A_1597 = arith.constant 0 : i32
        %lt3A_1598 = arith.cmpi slt, %select_n3A_1591, %lt3A_1597 : i32
        %ne3A_1599 = arith.xori %lt3A_1596, %lt3A_1598 : i1
        %and3A_1600 = arith.andi %ne3A_1599, %ne3A_1594 : i1
        %add3A_1601 = arith.addi %rem3A_1592, %select_n3A_1591 : i32
        %select_n3A_1602 = arith.select %and3A_1600, %add3A_1601, %rem3A_1592 : i32
        %mul3A_1603 = arith.constant 64 : i32
        %mul3A_1604 = arith.muli %select_n3A_1602, %mul3A_1603 : i32
        %dma_start3A_1605 = arith.constant 2 : i32
        %dma_start3A_1606 = arith.constant 0 : i32
        %dma_start3A_1607 = arith.constant 0 : i32
        %dma_start3A_1608 = tpu.memref_slice %arg6[%dma_start3A_1605, %dma_start3A_1606, %dma_start3A_1607] : memref<10x64x128xf32, #tpu.memory_space<vmem>> -> memref<1x64x128xf32, #tpu.memory_space<vmem>>
        %dma_start3A_1609 = tpu.memref_squeeze %dma_start3A_1608 : memref<1x64x128xf32, #tpu.memory_space<vmem>> -> memref<64x128xf32, #tpu.memory_space<vmem>>
        %dma_start3A_1610 = tpu.memref_slice %arg5[%select_n3A_1586, %mul3A_1604] : memref<50x128xi32, #tpu.memory_space<vmem>> -> memref<1x64xi32, #tpu.memory_space<vmem>>
        %dma_start3A_1611 = tpu.memref_squeeze %dma_start3A_1610 : memref<1x64xi32, #tpu.memory_space<vmem>> -> memref<64xi32, #tpu.memory_space<vmem>>
        %dma_start3A_1612 = arith.constant 0 : i32
        %dma_start3A_1613 = arith.constant 0 : i32
        %dma_start3A_1614 = tpu.memref_slice %arg3[%dma_start3A_1612, %dma_start3A_1613] : memref<100000x128xf32, #tpu.memory_space<hbm>> -> memref<100000x128xf32, #tpu.memory_space<hbm>>
        tpu.enqueue_indirect_dma source(%dma_start3A_1614 : memref<100000x128xf32, #tpu.memory_space<hbm>>) target(%dma_start3A_1609 : memref<64x128xf32, #tpu.memory_space<vmem>>) offsets(%dma_start3A_1611 : memref<64xi32, #tpu.memory_space<vmem>>) semaphore(%arg9 : memref<!tpu.dma_semaphore, #tpu.memory_space<semaphore_mem>>)
      } else {
      }
      %add3A_893 = arith.constant 5 : i32
      %add3A_894 = arith.addi %add3A_285, %add3A_893 : i32
      %jit3A_895 = arith.constant 2 : i32
      %div3A_896 = arith.divsi %add3A_894, %jit3A_895 : i32
      %sign3A_897 = arith.constant 0 : i32
      %sign3A_898 = arith.cmpi sgt, %add3A_894, %sign3A_897 : i32
      %sign3A_899 = arith.extui %sign3A_898 : i1 to i32
      %sign3A_900 = arith.constant 0 : i32
      %sign3A_901 = arith.cmpi slt, %add3A_894, %sign3A_900 : i32
      %sign3A_902 = arith.extui %sign3A_901 : i1 to i32
      %sign3A_903 = arith.subi %sign3A_899, %sign3A_902 : i32
      %sign3A_904 = arith.constant 0 : i32
      %sign3A_905 = arith.cmpi sgt, %jit3A_895, %sign3A_904 : i32
      %sign3A_906 = arith.extui %sign3A_905 : i1 to i32
      %sign3A_907 = arith.constant 0 : i32
      %sign3A_908 = arith.cmpi slt, %jit3A_895, %sign3A_907 : i32
      %sign3A_909 = arith.extui %sign3A_908 : i1 to i32
      %sign3A_910 = arith.subi %sign3A_906, %sign3A_909 : i32
      %ne3A_911 = arith.cmpi ne, %sign3A_903, %sign3A_910 : i32
      %rem3A_912 = arith.remsi %add3A_894, %jit3A_895 : i32
      %ne3A_913 = arith.constant 0 : i32
      %ne3A_914 = arith.cmpi ne, %rem3A_912, %ne3A_913 : i32
      %and3A_915 = arith.andi %ne3A_911, %ne3A_914 : i1
      %sub3A_916 = arith.constant 1 : i32
      %sub3A_917 = arith.subi %div3A_896, %sub3A_916 : i32
      %select_n3A_918 = arith.select %and3A_915, %sub3A_917, %div3A_896 : i32
      %jit3A_919 = arith.constant 2 : i32
      %eq3A_920 = arith.constant 0 : i32
      %eq3A_921 = arith.cmpi eq, %jit3A_919, %eq3A_920 : i32
      %jit3A_922 = arith.constant 1 : i32
      %select_n3A_923 = arith.select %eq3A_921, %jit3A_922, %jit3A_919 : i32
      %rem3A_924 = arith.remsi %add3A_894, %select_n3A_923 : i32
      %ne3A_925 = arith.constant 0 : i32
      %ne3A_926 = arith.cmpi ne, %rem3A_924, %ne3A_925 : i32
      %lt3A_927 = arith.constant 0 : i32
      %lt3A_928 = arith.cmpi slt, %rem3A_924, %lt3A_927 : i32
      %lt3A_929 = arith.constant 0 : i32
      %lt3A_930 = arith.cmpi slt, %select_n3A_923, %lt3A_929 : i32
      %ne3A_931 = arith.xori %lt3A_928, %lt3A_930 : i1
      %and3A_932 = arith.andi %ne3A_931, %ne3A_926 : i1
      %add3A_933 = arith.addi %rem3A_924, %select_n3A_923 : i32
      %select_n3A_934 = arith.select %and3A_932, %add3A_933, %rem3A_924 : i32
      %mul3A_935 = arith.constant 64 : i32
      %mul3A_936 = arith.muli %select_n3A_934, %mul3A_935 : i32
      %dma_wait3A_937 = arith.constant 5 : i32
      %dma_wait3A_938 = arith.constant 0 : i32
      %dma_wait3A_939 = arith.constant 0 : i32
      %dma_wait3A_940 = tpu.memref_slice %arg6[%dma_wait3A_937, %dma_wait3A_938, %dma_wait3A_939] : memref<10x64x128xf32, #tpu.memory_space<vmem>> -> memref<1x64x128xf32, #tpu.memory_space<vmem>>
      %dma_wait3A_941 = tpu.memref_squeeze %dma_wait3A_940 : memref<1x64x128xf32, #tpu.memory_space<vmem>> -> memref<64x128xf32, #tpu.memory_space<vmem>>
      %dma_wait3A_942 = tpu.memref_slice %arg5[%select_n3A_918, %mul3A_936] : memref<50x128xi32, #tpu.memory_space<vmem>> -> memref<1x64xi32, #tpu.memory_space<vmem>>
      %dma_wait3A_943 = tpu.memref_squeeze %dma_wait3A_942 : memref<1x64xi32, #tpu.memory_space<vmem>> -> memref<64xi32, #tpu.memory_space<vmem>>
      %dma_wait3A_944 = arith.constant 0 : i32
      %dma_wait3A_945 = arith.constant 0 : i32
      %dma_wait3A_946 = tpu.memref_slice %arg3[%dma_wait3A_944, %dma_wait3A_945] : memref<100000x128xf32, #tpu.memory_space<hbm>> -> memref<100000x128xf32, #tpu.memory_space<hbm>>
      tpu.wait_indirect_dma semaphore(%arg12 : memref<!tpu.dma_semaphore, #tpu.memory_space<semaphore_mem>>) src(%dma_wait3A_946 : memref<100000x128xf32, #tpu.memory_space<hbm>>) dst(%dma_wait3A_941 : memref<64x128xf32, #tpu.memory_space<vmem>>)
      %jit3A_947 = arith.constant 2 : i32
      %div3A_948 = arith.divsi %add3A_894, %jit3A_947 : i32
      %sign3A_949 = arith.constant 0 : i32
      %sign3A_950 = arith.cmpi sgt, %add3A_894, %sign3A_949 : i32
      %sign3A_951 = arith.extui %sign3A_950 : i1 to i32
      %sign3A_952 = arith.constant 0 : i32
      %sign3A_953 = arith.cmpi slt, %add3A_894, %sign3A_952 : i32
      %sign3A_954 = arith.extui %sign3A_953 : i1 to i32
      %sign3A_955 = arith.subi %sign3A_951, %sign3A_954 : i32
      %sign3A_956 = arith.constant 0 : i32
      %sign3A_957 = arith.cmpi sgt, %jit3A_947, %sign3A_956 : i32
      %sign3A_958 = arith.extui %sign3A_957 : i1 to i32
      %sign3A_959 = arith.constant 0 : i32
      %sign3A_960 = arith.cmpi slt, %jit3A_947, %sign3A_959 : i32
      %sign3A_961 = arith.extui %sign3A_960 : i1 to i32
      %sign3A_962 = arith.subi %sign3A_958, %sign3A_961 : i32
      %ne3A_963 = arith.cmpi ne, %sign3A_955, %sign3A_962 : i32
      %rem3A_964 = arith.remsi %add3A_894, %jit3A_947 : i32
      %ne3A_965 = arith.constant 0 : i32
      %ne3A_966 = arith.cmpi ne, %rem3A_964, %ne3A_965 : i32
      %and3A_967 = arith.andi %ne3A_963, %ne3A_966 : i1
      %sub3A_968 = arith.constant 1 : i32
      %sub3A_969 = arith.subi %div3A_948, %sub3A_968 : i32
      %select_n3A_970 = arith.select %and3A_967, %sub3A_969, %div3A_948 : i32
      %jit3A_971 = arith.constant 2 : i32
      %eq3A_972 = arith.constant 0 : i32
      %eq3A_973 = arith.cmpi eq, %jit3A_971, %eq3A_972 : i32
      %jit3A_974 = arith.constant 1 : i32
      %select_n3A_975 = arith.select %eq3A_973, %jit3A_974, %jit3A_971 : i32
      %rem3A_976 = arith.remsi %add3A_894, %select_n3A_975 : i32
      %ne3A_977 = arith.constant 0 : i32
      %ne3A_978 = arith.cmpi ne, %rem3A_976, %ne3A_977 : i32
      %lt3A_979 = arith.constant 0 : i32
      %lt3A_980 = arith.cmpi slt, %rem3A_976, %lt3A_979 : i32
      %lt3A_981 = arith.constant 0 : i32
      %lt3A_982 = arith.cmpi slt, %select_n3A_975, %lt3A_981 : i32
      %ne3A_983 = arith.xori %lt3A_980, %lt3A_982 : i1
      %and3A_984 = arith.andi %ne3A_983, %ne3A_978 : i1
      %add3A_985 = arith.addi %rem3A_976, %select_n3A_975 : i32
      %select_n3A_986 = arith.select %and3A_984, %add3A_985, %rem3A_976 : i32
      %mul3A_987 = arith.constant 64 : i32
      %mul3A_988 = arith.muli %select_n3A_986, %mul3A_987 : i32
      %add3A_989 = arith.addi %mul3A_2, %mul3A_988 : i32
      %dma_start3A_990 = arith.constant 5 : i32
      %dma_start3A_991 = arith.constant 0 : i32
      %dma_start3A_992 = arith.constant 0 : i32
      %dma_start3A_993 = tpu.memref_slice %arg6[%dma_start3A_990, %dma_start3A_991, %dma_start3A_992] : memref<10x64x128xf32, #tpu.memory_space<vmem>> -> memref<1x64x128xf32, #tpu.memory_space<vmem>>
      %dma_start3A_994 = tpu.memref_squeeze %dma_start3A_993 : memref<1x64x128xf32, #tpu.memory_space<vmem>> -> memref<64x128xf32, #tpu.memory_space<vmem>>
      %dma_start3A_995 = arith.constant 0 : i32
      %dma_start3A_996 = tpu.memref_slice %arg4[%select_n3A_970, %add3A_989, %dma_start3A_995] : memref<50x4096x128xf32, #tpu.memory_space<hbm>> -> memref<1x64x128xf32, #tpu.memory_space<hbm>>
      %dma_start3A_997 = tpu.memref_squeeze %dma_start3A_996 : memref<1x64x128xf32, #tpu.memory_space<hbm>> -> memref<64x128xf32, #tpu.memory_space<hbm>>
      %dma_start3A_998 = arith.constant 0 : i32
      %dma_start3A_999 = tpu.memref_slice %arg4[%select_n3A_970, %add3A_989, %dma_start3A_998] : memref<50x4096x128xf32, #tpu.memory_space<hbm>> -> memref<1x64x128xf32, #tpu.memory_space<hbm>>
      %dma_start3A_1000 = tpu.memref_squeeze %dma_start3A_999 : memref<1x64x128xf32, #tpu.memory_space<hbm>> -> memref<64x128xf32, #tpu.memory_space<hbm>>
      %dma_start3A_1001 = arith.constant 0 : i32
      %dma_start3A_1002 = arith.constant 0 : i32
      %dma_start3A_1003 = tpu.memref_slice %arg6[%dma_start3A_990, %dma_start3A_1001, %dma_start3A_1002] : memref<10x64x128xf32, #tpu.memory_space<vmem>> -> memref<1x64x128xf32, #tpu.memory_space<vmem>>
      %dma_start3A_1004 = tpu.memref_squeeze %dma_start3A_1003 : memref<1x64x128xf32, #tpu.memory_space<vmem>> -> memref<64x128xf32, #tpu.memory_space<vmem>>
      tpu.enqueue_dma source(%dma_start3A_1004 : memref<64x128xf32, #tpu.memory_space<vmem>>) target(%dma_start3A_1000 : memref<64x128xf32, #tpu.memory_space<hbm>>) target_semaphore(%arg22 : memref<!tpu.dma_semaphore, #tpu.memory_space<semaphore_mem>>)
      %add3A_1005 = arith.constant 8 : i32
      %add3A_1006 = arith.addi %add3A_894, %add3A_1005 : i32
      %ge3A_1007 = arith.constant 10 : i32
      %ge3A_1008 = arith.cmpi sge, %add3A_1006, %ge3A_1007 : i32
      %lt3A_1009 = arith.constant 100 : i32
      %lt3A_1010 = arith.cmpi slt, %add3A_1006, %lt3A_1009 : i32
      %and3A_1011 = arith.andi %ge3A_1008, %lt3A_1010 : i1
      %convert_element_type3A_1012 = arith.extui %and3A_1011 : i1 to i32
      %cond3A_1013 = arith.constant 0 : i32
      %cond3A_1014 = arith.cmpi ne, %convert_element_type3A_1012, %cond3A_1013 : i32
      scf.if %cond3A_1014 {
        %sub3A_1503 = arith.constant 10 : i32
        %sub3A_1504 = arith.subi %add3A_1006, %sub3A_1503 : i32
        %jit3A_1505 = arith.constant 2 : i32
        %div3A_1506 = arith.divsi %sub3A_1504, %jit3A_1505 : i32
        %sign3A_1507 = arith.constant 0 : i32
        %sign3A_1508 = arith.cmpi sgt, %sub3A_1504, %sign3A_1507 : i32
        %sign3A_1509 = arith.extui %sign3A_1508 : i1 to i32
        %sign3A_1510 = arith.constant 0 : i32
        %sign3A_1511 = arith.cmpi slt, %sub3A_1504, %sign3A_1510 : i32
        %sign3A_1512 = arith.extui %sign3A_1511 : i1 to i32
        %sign3A_1513 = arith.subi %sign3A_1509, %sign3A_1512 : i32
        %sign3A_1514 = arith.constant 0 : i32
        %sign3A_1515 = arith.cmpi sgt, %jit3A_1505, %sign3A_1514 : i32
        %sign3A_1516 = arith.extui %sign3A_1515 : i1 to i32
        %sign3A_1517 = arith.constant 0 : i32
        %sign3A_1518 = arith.cmpi slt, %jit3A_1505, %sign3A_1517 : i32
        %sign3A_1519 = arith.extui %sign3A_1518 : i1 to i32
        %sign3A_1520 = arith.subi %sign3A_1516, %sign3A_1519 : i32
        %ne3A_1521 = arith.cmpi ne, %sign3A_1513, %sign3A_1520 : i32
        %rem3A_1522 = arith.remsi %sub3A_1504, %jit3A_1505 : i32
        %ne3A_1523 = arith.constant 0 : i32
        %ne3A_1524 = arith.cmpi ne, %rem3A_1522, %ne3A_1523 : i32
        %and3A_1525 = arith.andi %ne3A_1521, %ne3A_1524 : i1
        %sub3A_1526 = arith.constant 1 : i32
        %sub3A_1527 = arith.subi %div3A_1506, %sub3A_1526 : i32
        %select_n3A_1528 = arith.select %and3A_1525, %sub3A_1527, %div3A_1506 : i32
        %jit3A_1529 = arith.constant 2 : i32
        %eq3A_1530 = arith.constant 0 : i32
        %eq3A_1531 = arith.cmpi eq, %jit3A_1529, %eq3A_1530 : i32
        %jit3A_1532 = arith.constant 1 : i32
        %select_n3A_1533 = arith.select %eq3A_1531, %jit3A_1532, %jit3A_1529 : i32
        %rem3A_1534 = arith.remsi %sub3A_1504, %select_n3A_1533 : i32
        %ne3A_1535 = arith.constant 0 : i32
        %ne3A_1536 = arith.cmpi ne, %rem3A_1534, %ne3A_1535 : i32
        %lt3A_1537 = arith.constant 0 : i32
        %lt3A_1538 = arith.cmpi slt, %rem3A_1534, %lt3A_1537 : i32
        %lt3A_1539 = arith.constant 0 : i32
        %lt3A_1540 = arith.cmpi slt, %select_n3A_1533, %lt3A_1539 : i32
        %ne3A_1541 = arith.xori %lt3A_1538, %lt3A_1540 : i1
        %and3A_1542 = arith.andi %ne3A_1541, %ne3A_1536 : i1
        %add3A_1543 = arith.addi %rem3A_1534, %select_n3A_1533 : i32
        %select_n3A_1544 = arith.select %and3A_1542, %add3A_1543, %rem3A_1534 : i32
        %mul3A_1545 = arith.constant 64 : i32
        %mul3A_1546 = arith.muli %select_n3A_1544, %mul3A_1545 : i32
        %add3A_1547 = arith.addi %mul3A_2, %mul3A_1546 : i32
        %dma_wait3A_1548 = arith.constant 3 : i32
        %dma_wait3A_1549 = arith.constant 0 : i32
        %dma_wait3A_1550 = arith.constant 0 : i32
        %dma_wait3A_1551 = tpu.memref_slice %arg6[%dma_wait3A_1548, %dma_wait3A_1549, %dma_wait3A_1550] : memref<10x64x128xf32, #tpu.memory_space<vmem>> -> memref<1x64x128xf32, #tpu.memory_space<vmem>>
        %dma_wait3A_1552 = tpu.memref_squeeze %dma_wait3A_1551 : memref<1x64x128xf32, #tpu.memory_space<vmem>> -> memref<64x128xf32, #tpu.memory_space<vmem>>
        %dma_wait3A_1553 = arith.constant 0 : i32
        %dma_wait3A_1554 = tpu.memref_slice %arg4[%select_n3A_1528, %add3A_1547, %dma_wait3A_1553] : memref<50x4096x128xf32, #tpu.memory_space<hbm>> -> memref<1x64x128xf32, #tpu.memory_space<hbm>>
        %dma_wait3A_1555 = tpu.memref_squeeze %dma_wait3A_1554 : memref<1x64x128xf32, #tpu.memory_space<hbm>> -> memref<64x128xf32, #tpu.memory_space<hbm>>
        %dma_wait3A_1556 = arith.constant 0 : i32
        %dma_wait3A_1557 = tpu.memref_slice %arg4[%select_n3A_1528, %add3A_1547, %dma_wait3A_1556] : memref<50x4096x128xf32, #tpu.memory_space<hbm>> -> memref<1x64x128xf32, #tpu.memory_space<hbm>>
        %dma_wait3A_1558 = tpu.memref_squeeze %dma_wait3A_1557 : memref<1x64x128xf32, #tpu.memory_space<hbm>> -> memref<64x128xf32, #tpu.memory_space<hbm>>
        %dma_wait3A_1559 = arith.constant 0 : i32
        %dma_wait3A_1560 = arith.constant 0 : i32
        %dma_wait3A_1561 = tpu.memref_slice %arg6[%dma_wait3A_1548, %dma_wait3A_1559, %dma_wait3A_1560] : memref<10x64x128xf32, #tpu.memory_space<vmem>> -> memref<1x64x128xf32, #tpu.memory_space<vmem>>
        %dma_wait3A_1562 = tpu.memref_squeeze %dma_wait3A_1561 : memref<1x64x128xf32, #tpu.memory_space<vmem>> -> memref<64x128xf32, #tpu.memory_space<vmem>>
        tpu.wait_dma2 semaphore(%arg20 : memref<!tpu.dma_semaphore, #tpu.memory_space<semaphore_mem>>) src(%dma_wait3A_1562 : memref<64x128xf32, #tpu.memory_space<vmem>>) dst(%dma_wait3A_1558 : memref<64x128xf32, #tpu.memory_space<hbm>>)
        %jit3A_1563 = arith.constant 2 : i32
        %div3A_1564 = arith.divsi %add3A_1006, %jit3A_1563 : i32
        %sign3A_1565 = arith.constant 0 : i32
        %sign3A_1566 = arith.cmpi sgt, %add3A_1006, %sign3A_1565 : i32
        %sign3A_1567 = arith.extui %sign3A_1566 : i1 to i32
        %sign3A_1568 = arith.constant 0 : i32
        %sign3A_1569 = arith.cmpi slt, %add3A_1006, %sign3A_1568 : i32
        %sign3A_1570 = arith.extui %sign3A_1569 : i1 to i32
        %sign3A_1571 = arith.subi %sign3A_1567, %sign3A_1570 : i32
        %sign3A_1572 = arith.constant 0 : i32
        %sign3A_1573 = arith.cmpi sgt, %jit3A_1563, %sign3A_1572 : i32
        %sign3A_1574 = arith.extui %sign3A_1573 : i1 to i32
        %sign3A_1575 = arith.constant 0 : i32
        %sign3A_1576 = arith.cmpi slt, %jit3A_1563, %sign3A_1575 : i32
        %sign3A_1577 = arith.extui %sign3A_1576 : i1 to i32
        %sign3A_1578 = arith.subi %sign3A_1574, %sign3A_1577 : i32
        %ne3A_1579 = arith.cmpi ne, %sign3A_1571, %sign3A_1578 : i32
        %rem3A_1580 = arith.remsi %add3A_1006, %jit3A_1563 : i32
        %ne3A_1581 = arith.constant 0 : i32
        %ne3A_1582 = arith.cmpi ne, %rem3A_1580, %ne3A_1581 : i32
        %and3A_1583 = arith.andi %ne3A_1579, %ne3A_1582 : i1
        %sub3A_1584 = arith.constant 1 : i32
        %sub3A_1585 = arith.subi %div3A_1564, %sub3A_1584 : i32
        %select_n3A_1586 = arith.select %and3A_1583, %sub3A_1585, %div3A_1564 : i32
        %jit3A_1587 = arith.constant 2 : i32
        %eq3A_1588 = arith.constant 0 : i32
        %eq3A_1589 = arith.cmpi eq, %jit3A_1587, %eq3A_1588 : i32
        %jit3A_1590 = arith.constant 1 : i32
        %select_n3A_1591 = arith.select %eq3A_1589, %jit3A_1590, %jit3A_1587 : i32
        %rem3A_1592 = arith.remsi %add3A_1006, %select_n3A_1591 : i32
        %ne3A_1593 = arith.constant 0 : i32
        %ne3A_1594 = arith.cmpi ne, %rem3A_1592, %ne3A_1593 : i32
        %lt3A_1595 = arith.constant 0 : i32
        %lt3A_1596 = arith.cmpi slt, %rem3A_1592, %lt3A_1595 : i32
        %lt3A_1597 = arith.constant 0 : i32
        %lt3A_1598 = arith.cmpi slt, %select_n3A_1591, %lt3A_1597 : i32
        %ne3A_1599 = arith.xori %lt3A_1596, %lt3A_1598 : i1
        %and3A_1600 = arith.andi %ne3A_1599, %ne3A_1594 : i1
        %add3A_1601 = arith.addi %rem3A_1592, %select_n3A_1591 : i32
        %select_n3A_1602 = arith.select %and3A_1600, %add3A_1601, %rem3A_1592 : i32
        %mul3A_1603 = arith.constant 64 : i32
        %mul3A_1604 = arith.muli %select_n3A_1602, %mul3A_1603 : i32
        %dma_start3A_1605 = arith.constant 3 : i32
        %dma_start3A_1606 = arith.constant 0 : i32
        %dma_start3A_1607 = arith.constant 0 : i32
        %dma_start3A_1608 = tpu.memref_slice %arg6[%dma_start3A_1605, %dma_start3A_1606, %dma_start3A_1607] : memref<10x64x128xf32, #tpu.memory_space<vmem>> -> memref<1x64x128xf32, #tpu.memory_space<vmem>>
        %dma_start3A_1609 = tpu.memref_squeeze %dma_start3A_1608 : memref<1x64x128xf32, #tpu.memory_space<vmem>> -> memref<64x128xf32, #tpu.memory_space<vmem>>
        %dma_start3A_1610 = tpu.memref_slice %arg5[%select_n3A_1586, %mul3A_1604] : memref<50x128xi32, #tpu.memory_space<vmem>> -> memref<1x64xi32, #tpu.memory_space<vmem>>
        %dma_start3A_1611 = tpu.memref_squeeze %dma_start3A_1610 : memref<1x64xi32, #tpu.memory_space<vmem>> -> memref<64xi32, #tpu.memory_space<vmem>>
        %dma_start3A_1612 = arith.constant 0 : i32
        %dma_start3A_1613 = arith.constant 0 : i32
        %dma_start3A_1614 = tpu.memref_slice %arg3[%dma_start3A_1612, %dma_start3A_1613] : memref<100000x128xf32, #tpu.memory_space<hbm>> -> memref<100000x128xf32, #tpu.memory_space<hbm>>
        tpu.enqueue_indirect_dma source(%dma_start3A_1614 : memref<100000x128xf32, #tpu.memory_space<hbm>>) target(%dma_start3A_1609 : memref<64x128xf32, #tpu.memory_space<vmem>>) offsets(%dma_start3A_1611 : memref<64xi32, #tpu.memory_space<vmem>>) semaphore(%arg10 : memref<!tpu.dma_semaphore, #tpu.memory_space<semaphore_mem>>)
      } else {
      }
      %add3A_1015 = arith.constant 6 : i32
      %add3A_1016 = arith.addi %add3A_285, %add3A_1015 : i32
      %jit3A_1017 = arith.constant 2 : i32
      %div3A_1018 = arith.divsi %add3A_1016, %jit3A_1017 : i32
      %sign3A_1019 = arith.constant 0 : i32
      %sign3A_1020 = arith.cmpi sgt, %add3A_1016, %sign3A_1019 : i32
      %sign3A_1021 = arith.extui %sign3A_1020 : i1 to i32
      %sign3A_1022 = arith.constant 0 : i32
      %sign3A_1023 = arith.cmpi slt, %add3A_1016, %sign3A_1022 : i32
      %sign3A_1024 = arith.extui %sign3A_1023 : i1 to i32
      %sign3A_1025 = arith.subi %sign3A_1021, %sign3A_1024 : i32
      %sign3A_1026 = arith.constant 0 : i32
      %sign3A_1027 = arith.cmpi sgt, %jit3A_1017, %sign3A_1026 : i32
      %sign3A_1028 = arith.extui %sign3A_1027 : i1 to i32
      %sign3A_1029 = arith.constant 0 : i32
      %sign3A_1030 = arith.cmpi slt, %jit3A_1017, %sign3A_1029 : i32
      %sign3A_1031 = arith.extui %sign3A_1030 : i1 to i32
      %sign3A_1032 = arith.subi %sign3A_1028, %sign3A_1031 : i32
      %ne3A_1033 = arith.cmpi ne, %sign3A_1025, %sign3A_1032 : i32
      %rem3A_1034 = arith.remsi %add3A_1016, %jit3A_1017 : i32
      %ne3A_1035 = arith.constant 0 : i32
      %ne3A_1036 = arith.cmpi ne, %rem3A_1034, %ne3A_1035 : i32
      %and3A_1037 = arith.andi %ne3A_1033, %ne3A_1036 : i1
      %sub3A_1038 = arith.constant 1 : i32
      %sub3A_1039 = arith.subi %div3A_1018, %sub3A_1038 : i32
      %select_n3A_1040 = arith.select %and3A_1037, %sub3A_1039, %div3A_1018 : i32
      %jit3A_1041 = arith.constant 2 : i32
      %eq3A_1042 = arith.constant 0 : i32
      %eq3A_1043 = arith.cmpi eq, %jit3A_1041, %eq3A_1042 : i32
      %jit3A_1044 = arith.constant 1 : i32
      %select_n3A_1045 = arith.select %eq3A_1043, %jit3A_1044, %jit3A_1041 : i32
      %rem3A_1046 = arith.remsi %add3A_1016, %select_n3A_1045 : i32
      %ne3A_1047 = arith.constant 0 : i32
      %ne3A_1048 = arith.cmpi ne, %rem3A_1046, %ne3A_1047 : i32
      %lt3A_1049 = arith.constant 0 : i32
      %lt3A_1050 = arith.cmpi slt, %rem3A_1046, %lt3A_1049 : i32
      %lt3A_1051 = arith.constant 0 : i32
      %lt3A_1052 = arith.cmpi slt, %select_n3A_1045, %lt3A_1051 : i32
      %ne3A_1053 = arith.xori %lt3A_1050, %lt3A_1052 : i1
      %and3A_1054 = arith.andi %ne3A_1053, %ne3A_1048 : i1
      %add3A_1055 = arith.addi %rem3A_1046, %select_n3A_1045 : i32
      %select_n3A_1056 = arith.select %and3A_1054, %add3A_1055, %rem3A_1046 : i32
      %mul3A_1057 = arith.constant 64 : i32
      %mul3A_1058 = arith.muli %select_n3A_1056, %mul3A_1057 : i32
      %dma_wait3A_1059 = arith.constant 6 : i32
      %dma_wait3A_1060 = arith.constant 0 : i32
      %dma_wait3A_1061 = arith.constant 0 : i32
      %dma_wait3A_1062 = tpu.memref_slice %arg6[%dma_wait3A_1059, %dma_wait3A_1060, %dma_wait3A_1061] : memref<10x64x128xf32, #tpu.memory_space<vmem>> -> memref<1x64x128xf32, #tpu.memory_space<vmem>>
      %dma_wait3A_1063 = tpu.memref_squeeze %dma_wait3A_1062 : memref<1x64x128xf32, #tpu.memory_space<vmem>> -> memref<64x128xf32, #tpu.memory_space<vmem>>
      %dma_wait3A_1064 = tpu.memref_slice %arg5[%select_n3A_1040, %mul3A_1058] : memref<50x128xi32, #tpu.memory_space<vmem>> -> memref<1x64xi32, #tpu.memory_space<vmem>>
      %dma_wait3A_1065 = tpu.memref_squeeze %dma_wait3A_1064 : memref<1x64xi32, #tpu.memory_space<vmem>> -> memref<64xi32, #tpu.memory_space<vmem>>
      %dma_wait3A_1066 = arith.constant 0 : i32
      %dma_wait3A_1067 = arith.constant 0 : i32
      %dma_wait3A_1068 = tpu.memref_slice %arg3[%dma_wait3A_1066, %dma_wait3A_1067] : memref<100000x128xf32, #tpu.memory_space<hbm>> -> memref<100000x128xf32, #tpu.memory_space<hbm>>
      tpu.wait_indirect_dma semaphore(%arg13 : memref<!tpu.dma_semaphore, #tpu.memory_space<semaphore_mem>>) src(%dma_wait3A_1068 : memref<100000x128xf32, #tpu.memory_space<hbm>>) dst(%dma_wait3A_1063 : memref<64x128xf32, #tpu.memory_space<vmem>>)
      %jit3A_1069 = arith.constant 2 : i32
      %div3A_1070 = arith.divsi %add3A_1016, %jit3A_1069 : i32
      %sign3A_1071 = arith.constant 0 : i32
      %sign3A_1072 = arith.cmpi sgt, %add3A_1016, %sign3A_1071 : i32
      %sign3A_1073 = arith.extui %sign3A_1072 : i1 to i32
      %sign3A_1074 = arith.constant 0 : i32
      %sign3A_1075 = arith.cmpi slt, %add3A_1016, %sign3A_1074 : i32
      %sign3A_1076 = arith.extui %sign3A_1075 : i1 to i32
      %sign3A_1077 = arith.subi %sign3A_1073, %sign3A_1076 : i32
      %sign3A_1078 = arith.constant 0 : i32
      %sign3A_1079 = arith.cmpi sgt, %jit3A_1069, %sign3A_1078 : i32
      %sign3A_1080 = arith.extui %sign3A_1079 : i1 to i32
      %sign3A_1081 = arith.constant 0 : i32
      %sign3A_1082 = arith.cmpi slt, %jit3A_1069, %sign3A_1081 : i32
      %sign3A_1083 = arith.extui %sign3A_1082 : i1 to i32
      %sign3A_1084 = arith.subi %sign3A_1080, %sign3A_1083 : i32
      %ne3A_1085 = arith.cmpi ne, %sign3A_1077, %sign3A_1084 : i32
      %rem3A_1086 = arith.remsi %add3A_1016, %jit3A_1069 : i32
      %ne3A_1087 = arith.constant 0 : i32
      %ne3A_1088 = arith.cmpi ne, %rem3A_1086, %ne3A_1087 : i32
      %and3A_1089 = arith.andi %ne3A_1085, %ne3A_1088 : i1
      %sub3A_1090 = arith.constant 1 : i32
      %sub3A_1091 = arith.subi %div3A_1070, %sub3A_1090 : i32
      %select_n3A_1092 = arith.select %and3A_1089, %sub3A_1091, %div3A_1070 : i32
      %jit3A_1093 = arith.constant 2 : i32
      %eq3A_1094 = arith.constant 0 : i32
      %eq3A_1095 = arith.cmpi eq, %jit3A_1093, %eq3A_1094 : i32
      %jit3A_1096 = arith.constant 1 : i32
      %select_n3A_1097 = arith.select %eq3A_1095, %jit3A_1096, %jit3A_1093 : i32
      %rem3A_1098 = arith.remsi %add3A_1016, %select_n3A_1097 : i32
      %ne3A_1099 = arith.constant 0 : i32
      %ne3A_1100 = arith.cmpi ne, %rem3A_1098, %ne3A_1099 : i32
      %lt3A_1101 = arith.constant 0 : i32
      %lt3A_1102 = arith.cmpi slt, %rem3A_1098, %lt3A_1101 : i32
      %lt3A_1103 = arith.constant 0 : i32
      %lt3A_1104 = arith.cmpi slt, %select_n3A_1097, %lt3A_1103 : i32
      %ne3A_1105 = arith.xori %lt3A_1102, %lt3A_1104 : i1
      %and3A_1106 = arith.andi %ne3A_1105, %ne3A_1100 : i1
      %add3A_1107 = arith.addi %rem3A_1098, %select_n3A_1097 : i32
      %select_n3A_1108 = arith.select %and3A_1106, %add3A_1107, %rem3A_1098 : i32
      %mul3A_1109 = arith.constant 64 : i32
      %mul3A_1110 = arith.muli %select_n3A_1108, %mul3A_1109 : i32
      %add3A_1111 = arith.addi %mul3A_2, %mul3A_1110 : i32
      %dma_start3A_1112 = arith.constant 6 : i32
      %dma_start3A_1113 = arith.constant 0 : i32
      %dma_start3A_1114 = arith.constant 0 : i32
      %dma_start3A_1115 = tpu.memref_slice %arg6[%dma_start3A_1112, %dma_start3A_1113, %dma_start3A_1114] : memref<10x64x128xf32, #tpu.memory_space<vmem>> -> memref<1x64x128xf32, #tpu.memory_space<vmem>>
      %dma_start3A_1116 = tpu.memref_squeeze %dma_start3A_1115 : memref<1x64x128xf32, #tpu.memory_space<vmem>> -> memref<64x128xf32, #tpu.memory_space<vmem>>
      %dma_start3A_1117 = arith.constant 0 : i32
      %dma_start3A_1118 = tpu.memref_slice %arg4[%select_n3A_1092, %add3A_1111, %dma_start3A_1117] : memref<50x4096x128xf32, #tpu.memory_space<hbm>> -> memref<1x64x128xf32, #tpu.memory_space<hbm>>
      %dma_start3A_1119 = tpu.memref_squeeze %dma_start3A_1118 : memref<1x64x128xf32, #tpu.memory_space<hbm>> -> memref<64x128xf32, #tpu.memory_space<hbm>>
      %dma_start3A_1120 = arith.constant 0 : i32
      %dma_start3A_1121 = tpu.memref_slice %arg4[%select_n3A_1092, %add3A_1111, %dma_start3A_1120] : memref<50x4096x128xf32, #tpu.memory_space<hbm>> -> memref<1x64x128xf32, #tpu.memory_space<hbm>>
      %dma_start3A_1122 = tpu.memref_squeeze %dma_start3A_1121 : memref<1x64x128xf32, #tpu.memory_space<hbm>> -> memref<64x128xf32, #tpu.memory_space<hbm>>
      %dma_start3A_1123 = arith.constant 0 : i32
      %dma_start3A_1124 = arith.constant 0 : i32
      %dma_start3A_1125 = tpu.memref_slice %arg6[%dma_start3A_1112, %dma_start3A_1123, %dma_start3A_1124] : memref<10x64x128xf32, #tpu.memory_space<vmem>> -> memref<1x64x128xf32, #tpu.memory_space<vmem>>
      %dma_start3A_1126 = tpu.memref_squeeze %dma_start3A_1125 : memref<1x64x128xf32, #tpu.memory_space<vmem>> -> memref<64x128xf32, #tpu.memory_space<vmem>>
      tpu.enqueue_dma source(%dma_start3A_1126 : memref<64x128xf32, #tpu.memory_space<vmem>>) target(%dma_start3A_1122 : memref<64x128xf32, #tpu.memory_space<hbm>>) target_semaphore(%arg23 : memref<!tpu.dma_semaphore, #tpu.memory_space<semaphore_mem>>)
      %add3A_1127 = arith.constant 8 : i32
      %add3A_1128 = arith.addi %add3A_1016, %add3A_1127 : i32
      %ge3A_1129 = arith.constant 10 : i32
      %ge3A_1130 = arith.cmpi sge, %add3A_1128, %ge3A_1129 : i32
      %lt3A_1131 = arith.constant 100 : i32
      %lt3A_1132 = arith.cmpi slt, %add3A_1128, %lt3A_1131 : i32
      %and3A_1133 = arith.andi %ge3A_1130, %lt3A_1132 : i1
      %convert_element_type3A_1134 = arith.extui %and3A_1133 : i1 to i32
      %cond3A_1135 = arith.constant 0 : i32
      %cond3A_1136 = arith.cmpi ne, %convert_element_type3A_1134, %cond3A_1135 : i32
      scf.if %cond3A_1136 {
        %sub3A_1503 = arith.constant 10 : i32
        %sub3A_1504 = arith.subi %add3A_1128, %sub3A_1503 : i32
        %jit3A_1505 = arith.constant 2 : i32
        %div3A_1506 = arith.divsi %sub3A_1504, %jit3A_1505 : i32
        %sign3A_1507 = arith.constant 0 : i32
        %sign3A_1508 = arith.cmpi sgt, %sub3A_1504, %sign3A_1507 : i32
        %sign3A_1509 = arith.extui %sign3A_1508 : i1 to i32
        %sign3A_1510 = arith.constant 0 : i32
        %sign3A_1511 = arith.cmpi slt, %sub3A_1504, %sign3A_1510 : i32
        %sign3A_1512 = arith.extui %sign3A_1511 : i1 to i32
        %sign3A_1513 = arith.subi %sign3A_1509, %sign3A_1512 : i32
        %sign3A_1514 = arith.constant 0 : i32
        %sign3A_1515 = arith.cmpi sgt, %jit3A_1505, %sign3A_1514 : i32
        %sign3A_1516 = arith.extui %sign3A_1515 : i1 to i32
        %sign3A_1517 = arith.constant 0 : i32
        %sign3A_1518 = arith.cmpi slt, %jit3A_1505, %sign3A_1517 : i32
        %sign3A_1519 = arith.extui %sign3A_1518 : i1 to i32
        %sign3A_1520 = arith.subi %sign3A_1516, %sign3A_1519 : i32
        %ne3A_1521 = arith.cmpi ne, %sign3A_1513, %sign3A_1520 : i32
        %rem3A_1522 = arith.remsi %sub3A_1504, %jit3A_1505 : i32
        %ne3A_1523 = arith.constant 0 : i32
        %ne3A_1524 = arith.cmpi ne, %rem3A_1522, %ne3A_1523 : i32
        %and3A_1525 = arith.andi %ne3A_1521, %ne3A_1524 : i1
        %sub3A_1526 = arith.constant 1 : i32
        %sub3A_1527 = arith.subi %div3A_1506, %sub3A_1526 : i32
        %select_n3A_1528 = arith.select %and3A_1525, %sub3A_1527, %div3A_1506 : i32
        %jit3A_1529 = arith.constant 2 : i32
        %eq3A_1530 = arith.constant 0 : i32
        %eq3A_1531 = arith.cmpi eq, %jit3A_1529, %eq3A_1530 : i32
        %jit3A_1532 = arith.constant 1 : i32
        %select_n3A_1533 = arith.select %eq3A_1531, %jit3A_1532, %jit3A_1529 : i32
        %rem3A_1534 = arith.remsi %sub3A_1504, %select_n3A_1533 : i32
        %ne3A_1535 = arith.constant 0 : i32
        %ne3A_1536 = arith.cmpi ne, %rem3A_1534, %ne3A_1535 : i32
        %lt3A_1537 = arith.constant 0 : i32
        %lt3A_1538 = arith.cmpi slt, %rem3A_1534, %lt3A_1537 : i32
        %lt3A_1539 = arith.constant 0 : i32
        %lt3A_1540 = arith.cmpi slt, %select_n3A_1533, %lt3A_1539 : i32
        %ne3A_1541 = arith.xori %lt3A_1538, %lt3A_1540 : i1
        %and3A_1542 = arith.andi %ne3A_1541, %ne3A_1536 : i1
        %add3A_1543 = arith.addi %rem3A_1534, %select_n3A_1533 : i32
        %select_n3A_1544 = arith.select %and3A_1542, %add3A_1543, %rem3A_1534 : i32
        %mul3A_1545 = arith.constant 64 : i32
        %mul3A_1546 = arith.muli %select_n3A_1544, %mul3A_1545 : i32
        %add3A_1547 = arith.addi %mul3A_2, %mul3A_1546 : i32
        %dma_wait3A_1548 = arith.constant 4 : i32
        %dma_wait3A_1549 = arith.constant 0 : i32
        %dma_wait3A_1550 = arith.constant 0 : i32
        %dma_wait3A_1551 = tpu.memref_slice %arg6[%dma_wait3A_1548, %dma_wait3A_1549, %dma_wait3A_1550] : memref<10x64x128xf32, #tpu.memory_space<vmem>> -> memref<1x64x128xf32, #tpu.memory_space<vmem>>
        %dma_wait3A_1552 = tpu.memref_squeeze %dma_wait3A_1551 : memref<1x64x128xf32, #tpu.memory_space<vmem>> -> memref<64x128xf32, #tpu.memory_space<vmem>>
        %dma_wait3A_1553 = arith.constant 0 : i32
        %dma_wait3A_1554 = tpu.memref_slice %arg4[%select_n3A_1528, %add3A_1547, %dma_wait3A_1553] : memref<50x4096x128xf32, #tpu.memory_space<hbm>> -> memref<1x64x128xf32, #tpu.memory_space<hbm>>
        %dma_wait3A_1555 = tpu.memref_squeeze %dma_wait3A_1554 : memref<1x64x128xf32, #tpu.memory_space<hbm>> -> memref<64x128xf32, #tpu.memory_space<hbm>>
        %dma_wait3A_1556 = arith.constant 0 : i32
        %dma_wait3A_1557 = tpu.memref_slice %arg4[%select_n3A_1528, %add3A_1547, %dma_wait3A_1556] : memref<50x4096x128xf32, #tpu.memory_space<hbm>> -> memref<1x64x128xf32, #tpu.memory_space<hbm>>
        %dma_wait3A_1558 = tpu.memref_squeeze %dma_wait3A_1557 : memref<1x64x128xf32, #tpu.memory_space<hbm>> -> memref<64x128xf32, #tpu.memory_space<hbm>>
        %dma_wait3A_1559 = arith.constant 0 : i32
        %dma_wait3A_1560 = arith.constant 0 : i32
        %dma_wait3A_1561 = tpu.memref_slice %arg6[%dma_wait3A_1548, %dma_wait3A_1559, %dma_wait3A_1560] : memref<10x64x128xf32, #tpu.memory_space<vmem>> -> memref<1x64x128xf32, #tpu.memory_space<vmem>>
        %dma_wait3A_1562 = tpu.memref_squeeze %dma_wait3A_1561 : memref<1x64x128xf32, #tpu.memory_space<vmem>> -> memref<64x128xf32, #tpu.memory_space<vmem>>
        tpu.wait_dma2 semaphore(%arg21 : memref<!tpu.dma_semaphore, #tpu.memory_space<semaphore_mem>>) src(%dma_wait3A_1562 : memref<64x128xf32, #tpu.memory_space<vmem>>) dst(%dma_wait3A_1558 : memref<64x128xf32, #tpu.memory_space<hbm>>)
        %jit3A_1563 = arith.constant 2 : i32
        %div3A_1564 = arith.divsi %add3A_1128, %jit3A_1563 : i32
        %sign3A_1565 = arith.constant 0 : i32
        %sign3A_1566 = arith.cmpi sgt, %add3A_1128, %sign3A_1565 : i32
        %sign3A_1567 = arith.extui %sign3A_1566 : i1 to i32
        %sign3A_1568 = arith.constant 0 : i32
        %sign3A_1569 = arith.cmpi slt, %add3A_1128, %sign3A_1568 : i32
        %sign3A_1570 = arith.extui %sign3A_1569 : i1 to i32
        %sign3A_1571 = arith.subi %sign3A_1567, %sign3A_1570 : i32
        %sign3A_1572 = arith.constant 0 : i32
        %sign3A_1573 = arith.cmpi sgt, %jit3A_1563, %sign3A_1572 : i32
        %sign3A_1574 = arith.extui %sign3A_1573 : i1 to i32
        %sign3A_1575 = arith.constant 0 : i32
        %sign3A_1576 = arith.cmpi slt, %jit3A_1563, %sign3A_1575 : i32
        %sign3A_1577 = arith.extui %sign3A_1576 : i1 to i32
        %sign3A_1578 = arith.subi %sign3A_1574, %sign3A_1577 : i32
        %ne3A_1579 = arith.cmpi ne, %sign3A_1571, %sign3A_1578 : i32
        %rem3A_1580 = arith.remsi %add3A_1128, %jit3A_1563 : i32
        %ne3A_1581 = arith.constant 0 : i32
        %ne3A_1582 = arith.cmpi ne, %rem3A_1580, %ne3A_1581 : i32
        %and3A_1583 = arith.andi %ne3A_1579, %ne3A_1582 : i1
        %sub3A_1584 = arith.constant 1 : i32
        %sub3A_1585 = arith.subi %div3A_1564, %sub3A_1584 : i32
        %select_n3A_1586 = arith.select %and3A_1583, %sub3A_1585, %div3A_1564 : i32
        %jit3A_1587 = arith.constant 2 : i32
        %eq3A_1588 = arith.constant 0 : i32
        %eq3A_1589 = arith.cmpi eq, %jit3A_1587, %eq3A_1588 : i32
        %jit3A_1590 = arith.constant 1 : i32
        %select_n3A_1591 = arith.select %eq3A_1589, %jit3A_1590, %jit3A_1587 : i32
        %rem3A_1592 = arith.remsi %add3A_1128, %select_n3A_1591 : i32
        %ne3A_1593 = arith.constant 0 : i32
        %ne3A_1594 = arith.cmpi ne, %rem3A_1592, %ne3A_1593 : i32
        %lt3A_1595 = arith.constant 0 : i32
        %lt3A_1596 = arith.cmpi slt, %rem3A_1592, %lt3A_1595 : i32
        %lt3A_1597 = arith.constant 0 : i32
        %lt3A_1598 = arith.cmpi slt, %select_n3A_1591, %lt3A_1597 : i32
        %ne3A_1599 = arith.xori %lt3A_1596, %lt3A_1598 : i1
        %and3A_1600 = arith.andi %ne3A_1599, %ne3A_1594 : i1
        %add3A_1601 = arith.addi %rem3A_1592, %select_n3A_1591 : i32
        %select_n3A_1602 = arith.select %and3A_1600, %add3A_1601, %rem3A_1592 : i32
        %mul3A_1603 = arith.constant 64 : i32
        %mul3A_1604 = arith.muli %select_n3A_1602, %mul3A_1603 : i32
        %dma_start3A_1605 = arith.constant 4 : i32
        %dma_start3A_1606 = arith.constant 0 : i32
        %dma_start3A_1607 = arith.constant 0 : i32
        %dma_start3A_1608 = tpu.memref_slice %arg6[%dma_start3A_1605, %dma_start3A_1606, %dma_start3A_1607] : memref<10x64x128xf32, #tpu.memory_space<vmem>> -> memref<1x64x128xf32, #tpu.memory_space<vmem>>
        %dma_start3A_1609 = tpu.memref_squeeze %dma_start3A_1608 : memref<1x64x128xf32, #tpu.memory_space<vmem>> -> memref<64x128xf32, #tpu.memory_space<vmem>>
        %dma_start3A_1610 = tpu.memref_slice %arg5[%select_n3A_1586, %mul3A_1604] : memref<50x128xi32, #tpu.memory_space<vmem>> -> memref<1x64xi32, #tpu.memory_space<vmem>>
        %dma_start3A_1611 = tpu.memref_squeeze %dma_start3A_1610 : memref<1x64xi32, #tpu.memory_space<vmem>> -> memref<64xi32, #tpu.memory_space<vmem>>
        %dma_start3A_1612 = arith.constant 0 : i32
        %dma_start3A_1613 = arith.constant 0 : i32
        %dma_start3A_1614 = tpu.memref_slice %arg3[%dma_start3A_1612, %dma_start3A_1613] : memref<100000x128xf32, #tpu.memory_space<hbm>> -> memref<100000x128xf32, #tpu.memory_space<hbm>>
        tpu.enqueue_indirect_dma source(%dma_start3A_1614 : memref<100000x128xf32, #tpu.memory_space<hbm>>) target(%dma_start3A_1609 : memref<64x128xf32, #tpu.memory_space<vmem>>) offsets(%dma_start3A_1611 : memref<64xi32, #tpu.memory_space<vmem>>) semaphore(%arg11 : memref<!tpu.dma_semaphore, #tpu.memory_space<semaphore_mem>>)
      } else {
      }
      %add3A_1137 = arith.constant 7 : i32
      %add3A_1138 = arith.addi %add3A_285, %add3A_1137 : i32
      %jit3A_1139 = arith.constant 2 : i32
      %div3A_1140 = arith.divsi %add3A_1138, %jit3A_1139 : i32
      %sign3A_1141 = arith.constant 0 : i32
      %sign3A_1142 = arith.cmpi sgt, %add3A_1138, %sign3A_1141 : i32
      %sign3A_1143 = arith.extui %sign3A_1142 : i1 to i32
      %sign3A_1144 = arith.constant 0 : i32
      %sign3A_1145 = arith.cmpi slt, %add3A_1138, %sign3A_1144 : i32
      %sign3A_1146 = arith.extui %sign3A_1145 : i1 to i32
      %sign3A_1147 = arith.subi %sign3A_1143, %sign3A_1146 : i32
      %sign3A_1148 = arith.constant 0 : i32
      %sign3A_1149 = arith.cmpi sgt, %jit3A_1139, %sign3A_1148 : i32
      %sign3A_1150 = arith.extui %sign3A_1149 : i1 to i32
      %sign3A_1151 = arith.constant 0 : i32
      %sign3A_1152 = arith.cmpi slt, %jit3A_1139, %sign3A_1151 : i32
      %sign3A_1153 = arith.extui %sign3A_1152 : i1 to i32
      %sign3A_1154 = arith.subi %sign3A_1150, %sign3A_1153 : i32
      %ne3A_1155 = arith.cmpi ne, %sign3A_1147, %sign3A_1154 : i32
      %rem3A_1156 = arith.remsi %add3A_1138, %jit3A_1139 : i32
      %ne3A_1157 = arith.constant 0 : i32
      %ne3A_1158 = arith.cmpi ne, %rem3A_1156, %ne3A_1157 : i32
      %and3A_1159 = arith.andi %ne3A_1155, %ne3A_1158 : i1
      %sub3A_1160 = arith.constant 1 : i32
      %sub3A_1161 = arith.subi %div3A_1140, %sub3A_1160 : i32
      %select_n3A_1162 = arith.select %and3A_1159, %sub3A_1161, %div3A_1140 : i32
      %jit3A_1163 = arith.constant 2 : i32
      %eq3A_1164 = arith.constant 0 : i32
      %eq3A_1165 = arith.cmpi eq, %jit3A_1163, %eq3A_1164 : i32
      %jit3A_1166 = arith.constant 1 : i32
      %select_n3A_1167 = arith.select %eq3A_1165, %jit3A_1166, %jit3A_1163 : i32
      %rem3A_1168 = arith.remsi %add3A_1138, %select_n3A_1167 : i32
      %ne3A_1169 = arith.constant 0 : i32
      %ne3A_1170 = arith.cmpi ne, %rem3A_1168, %ne3A_1169 : i32
      %lt3A_1171 = arith.constant 0 : i32
      %lt3A_1172 = arith.cmpi slt, %rem3A_1168, %lt3A_1171 : i32
      %lt3A_1173 = arith.constant 0 : i32
      %lt3A_1174 = arith.cmpi slt, %select_n3A_1167, %lt3A_1173 : i32
      %ne3A_1175 = arith.xori %lt3A_1172, %lt3A_1174 : i1
      %and3A_1176 = arith.andi %ne3A_1175, %ne3A_1170 : i1
      %add3A_1177 = arith.addi %rem3A_1168, %select_n3A_1167 : i32
      %select_n3A_1178 = arith.select %and3A_1176, %add3A_1177, %rem3A_1168 : i32
      %mul3A_1179 = arith.constant 64 : i32
      %mul3A_1180 = arith.muli %select_n3A_1178, %mul3A_1179 : i32
      %dma_wait3A_1181 = arith.constant 7 : i32
      %dma_wait3A_1182 = arith.constant 0 : i32
      %dma_wait3A_1183 = arith.constant 0 : i32
      %dma_wait3A_1184 = tpu.memref_slice %arg6[%dma_wait3A_1181, %dma_wait3A_1182, %dma_wait3A_1183] : memref<10x64x128xf32, #tpu.memory_space<vmem>> -> memref<1x64x128xf32, #tpu.memory_space<vmem>>
      %dma_wait3A_1185 = tpu.memref_squeeze %dma_wait3A_1184 : memref<1x64x128xf32, #tpu.memory_space<vmem>> -> memref<64x128xf32, #tpu.memory_space<vmem>>
      %dma_wait3A_1186 = tpu.memref_slice %arg5[%select_n3A_1162, %mul3A_1180] : memref<50x128xi32, #tpu.memory_space<vmem>> -> memref<1x64xi32, #tpu.memory_space<vmem>>
      %dma_wait3A_1187 = tpu.memref_squeeze %dma_wait3A_1186 : memref<1x64xi32, #tpu.memory_space<vmem>> -> memref<64xi32, #tpu.memory_space<vmem>>
      %dma_wait3A_1188 = arith.constant 0 : i32
      %dma_wait3A_1189 = arith.constant 0 : i32
      %dma_wait3A_1190 = tpu.memref_slice %arg3[%dma_wait3A_1188, %dma_wait3A_1189] : memref<100000x128xf32, #tpu.memory_space<hbm>> -> memref<100000x128xf32, #tpu.memory_space<hbm>>
      tpu.wait_indirect_dma semaphore(%arg14 : memref<!tpu.dma_semaphore, #tpu.memory_space<semaphore_mem>>) src(%dma_wait3A_1190 : memref<100000x128xf32, #tpu.memory_space<hbm>>) dst(%dma_wait3A_1185 : memref<64x128xf32, #tpu.memory_space<vmem>>)
      %jit3A_1191 = arith.constant 2 : i32
      %div3A_1192 = arith.divsi %add3A_1138, %jit3A_1191 : i32
      %sign3A_1193 = arith.constant 0 : i32
      %sign3A_1194 = arith.cmpi sgt, %add3A_1138, %sign3A_1193 : i32
      %sign3A_1195 = arith.extui %sign3A_1194 : i1 to i32
      %sign3A_1196 = arith.constant 0 : i32
      %sign3A_1197 = arith.cmpi slt, %add3A_1138, %sign3A_1196 : i32
      %sign3A_1198 = arith.extui %sign3A_1197 : i1 to i32
      %sign3A_1199 = arith.subi %sign3A_1195, %sign3A_1198 : i32
      %sign3A_1200 = arith.constant 0 : i32
      %sign3A_1201 = arith.cmpi sgt, %jit3A_1191, %sign3A_1200 : i32
      %sign3A_1202 = arith.extui %sign3A_1201 : i1 to i32
      %sign3A_1203 = arith.constant 0 : i32
      %sign3A_1204 = arith.cmpi slt, %jit3A_1191, %sign3A_1203 : i32
      %sign3A_1205 = arith.extui %sign3A_1204 : i1 to i32
      %sign3A_1206 = arith.subi %sign3A_1202, %sign3A_1205 : i32
      %ne3A_1207 = arith.cmpi ne, %sign3A_1199, %sign3A_1206 : i32
      %rem3A_1208 = arith.remsi %add3A_1138, %jit3A_1191 : i32
      %ne3A_1209 = arith.constant 0 : i32
      %ne3A_1210 = arith.cmpi ne, %rem3A_1208, %ne3A_1209 : i32
      %and3A_1211 = arith.andi %ne3A_1207, %ne3A_1210 : i1
      %sub3A_1212 = arith.constant 1 : i32
      %sub3A_1213 = arith.subi %div3A_1192, %sub3A_1212 : i32
      %select_n3A_1214 = arith.select %and3A_1211, %sub3A_1213, %div3A_1192 : i32
      %jit3A_1215 = arith.constant 2 : i32
      %eq3A_1216 = arith.constant 0 : i32
      %eq3A_1217 = arith.cmpi eq, %jit3A_1215, %eq3A_1216 : i32
      %jit3A_1218 = arith.constant 1 : i32
      %select_n3A_1219 = arith.select %eq3A_1217, %jit3A_1218, %jit3A_1215 : i32
      %rem3A_1220 = arith.remsi %add3A_1138, %select_n3A_1219 : i32
      %ne3A_1221 = arith.constant 0 : i32
      %ne3A_1222 = arith.cmpi ne, %rem3A_1220, %ne3A_1221 : i32
      %lt3A_1223 = arith.constant 0 : i32
      %lt3A_1224 = arith.cmpi slt, %rem3A_1220, %lt3A_1223 : i32
      %lt3A_1225 = arith.constant 0 : i32
      %lt3A_1226 = arith.cmpi slt, %select_n3A_1219, %lt3A_1225 : i32
      %ne3A_1227 = arith.xori %lt3A_1224, %lt3A_1226 : i1
      %and3A_1228 = arith.andi %ne3A_1227, %ne3A_1222 : i1
      %add3A_1229 = arith.addi %rem3A_1220, %select_n3A_1219 : i32
      %select_n3A_1230 = arith.select %and3A_1228, %add3A_1229, %rem3A_1220 : i32
      %mul3A_1231 = arith.constant 64 : i32
      %mul3A_1232 = arith.muli %select_n3A_1230, %mul3A_1231 : i32
      %add3A_1233 = arith.addi %mul3A_2, %mul3A_1232 : i32
      %dma_start3A_1234 = arith.constant 7 : i32
      %dma_start3A_1235 = arith.constant 0 : i32
      %dma_start3A_1236 = arith.constant 0 : i32
      %dma_start3A_1237 = tpu.memref_slice %arg6[%dma_start3A_1234, %dma_start3A_1235, %dma_start3A_1236] : memref<10x64x128xf32, #tpu.memory_space<vmem>> -> memref<1x64x128xf32, #tpu.memory_space<vmem>>
      %dma_start3A_1238 = tpu.memref_squeeze %dma_start3A_1237 : memref<1x64x128xf32, #tpu.memory_space<vmem>> -> memref<64x128xf32, #tpu.memory_space<vmem>>
      %dma_start3A_1239 = arith.constant 0 : i32
      %dma_start3A_1240 = tpu.memref_slice %arg4[%select_n3A_1214, %add3A_1233, %dma_start3A_1239] : memref<50x4096x128xf32, #tpu.memory_space<hbm>> -> memref<1x64x128xf32, #tpu.memory_space<hbm>>
      %dma_start3A_1241 = tpu.memref_squeeze %dma_start3A_1240 : memref<1x64x128xf32, #tpu.memory_space<hbm>> -> memref<64x128xf32, #tpu.memory_space<hbm>>
      %dma_start3A_1242 = arith.constant 0 : i32
      %dma_start3A_1243 = tpu.memref_slice %arg4[%select_n3A_1214, %add3A_1233, %dma_start3A_1242] : memref<50x4096x128xf32, #tpu.memory_space<hbm>> -> memref<1x64x128xf32, #tpu.memory_space<hbm>>
      %dma_start3A_1244 = tpu.memref_squeeze %dma_start3A_1243 : memref<1x64x128xf32, #tpu.memory_space<hbm>> -> memref<64x128xf32, #tpu.memory_space<hbm>>
      %dma_start3A_1245 = arith.constant 0 : i32
      %dma_start3A_1246 = arith.constant 0 : i32
      %dma_start3A_1247 = tpu.memref_slice %arg6[%dma_start3A_1234, %dma_start3A_1245, %dma_start3A_1246] : memref<10x64x128xf32, #tpu.memory_space<vmem>> -> memref<1x64x128xf32, #tpu.memory_space<vmem>>
      %dma_start3A_1248 = tpu.memref_squeeze %dma_start3A_1247 : memref<1x64x128xf32, #tpu.memory_space<vmem>> -> memref<64x128xf32, #tpu.memory_space<vmem>>
      tpu.enqueue_dma source(%dma_start3A_1248 : memref<64x128xf32, #tpu.memory_space<vmem>>) target(%dma_start3A_1244 : memref<64x128xf32, #tpu.memory_space<hbm>>) target_semaphore(%arg24 : memref<!tpu.dma_semaphore, #tpu.memory_space<semaphore_mem>>)
      %add3A_1249 = arith.constant 8 : i32
      %add3A_1250 = arith.addi %add3A_1138, %add3A_1249 : i32
      %ge3A_1251 = arith.constant 10 : i32
      %ge3A_1252 = arith.cmpi sge, %add3A_1250, %ge3A_1251 : i32
      %lt3A_1253 = arith.constant 100 : i32
      %lt3A_1254 = arith.cmpi slt, %add3A_1250, %lt3A_1253 : i32
      %and3A_1255 = arith.andi %ge3A_1252, %lt3A_1254 : i1
      %convert_element_type3A_1256 = arith.extui %and3A_1255 : i1 to i32
      %cond3A_1257 = arith.constant 0 : i32
      %cond3A_1258 = arith.cmpi ne, %convert_element_type3A_1256, %cond3A_1257 : i32
      scf.if %cond3A_1258 {
        %sub3A_1503 = arith.constant 10 : i32
        %sub3A_1504 = arith.subi %add3A_1250, %sub3A_1503 : i32
        %jit3A_1505 = arith.constant 2 : i32
        %div3A_1506 = arith.divsi %sub3A_1504, %jit3A_1505 : i32
        %sign3A_1507 = arith.constant 0 : i32
        %sign3A_1508 = arith.cmpi sgt, %sub3A_1504, %sign3A_1507 : i32
        %sign3A_1509 = arith.extui %sign3A_1508 : i1 to i32
        %sign3A_1510 = arith.constant 0 : i32
        %sign3A_1511 = arith.cmpi slt, %sub3A_1504, %sign3A_1510 : i32
        %sign3A_1512 = arith.extui %sign3A_1511 : i1 to i32
        %sign3A_1513 = arith.subi %sign3A_1509, %sign3A_1512 : i32
        %sign3A_1514 = arith.constant 0 : i32
        %sign3A_1515 = arith.cmpi sgt, %jit3A_1505, %sign3A_1514 : i32
        %sign3A_1516 = arith.extui %sign3A_1515 : i1 to i32
        %sign3A_1517 = arith.constant 0 : i32
        %sign3A_1518 = arith.cmpi slt, %jit3A_1505, %sign3A_1517 : i32
        %sign3A_1519 = arith.extui %sign3A_1518 : i1 to i32
        %sign3A_1520 = arith.subi %sign3A_1516, %sign3A_1519 : i32
        %ne3A_1521 = arith.cmpi ne, %sign3A_1513, %sign3A_1520 : i32
        %rem3A_1522 = arith.remsi %sub3A_1504, %jit3A_1505 : i32
        %ne3A_1523 = arith.constant 0 : i32
        %ne3A_1524 = arith.cmpi ne, %rem3A_1522, %ne3A_1523 : i32
        %and3A_1525 = arith.andi %ne3A_1521, %ne3A_1524 : i1
        %sub3A_1526 = arith.constant 1 : i32
        %sub3A_1527 = arith.subi %div3A_1506, %sub3A_1526 : i32
        %select_n3A_1528 = arith.select %and3A_1525, %sub3A_1527, %div3A_1506 : i32
        %jit3A_1529 = arith.constant 2 : i32
        %eq3A_1530 = arith.constant 0 : i32
        %eq3A_1531 = arith.cmpi eq, %jit3A_1529, %eq3A_1530 : i32
        %jit3A_1532 = arith.constant 1 : i32
        %select_n3A_1533 = arith.select %eq3A_1531, %jit3A_1532, %jit3A_1529 : i32
        %rem3A_1534 = arith.remsi %sub3A_1504, %select_n3A_1533 : i32
        %ne3A_1535 = arith.constant 0 : i32
        %ne3A_1536 = arith.cmpi ne, %rem3A_1534, %ne3A_1535 : i32
        %lt3A_1537 = arith.constant 0 : i32
        %lt3A_1538 = arith.cmpi slt, %rem3A_1534, %lt3A_1537 : i32
        %lt3A_1539 = arith.constant 0 : i32
        %lt3A_1540 = arith.cmpi slt, %select_n3A_1533, %lt3A_1539 : i32
        %ne3A_1541 = arith.xori %lt3A_1538, %lt3A_1540 : i1
        %and3A_1542 = arith.andi %ne3A_1541, %ne3A_1536 : i1
        %add3A_1543 = arith.addi %rem3A_1534, %select_n3A_1533 : i32
        %select_n3A_1544 = arith.select %and3A_1542, %add3A_1543, %rem3A_1534 : i32
        %mul3A_1545 = arith.constant 64 : i32
        %mul3A_1546 = arith.muli %select_n3A_1544, %mul3A_1545 : i32
        %add3A_1547 = arith.addi %mul3A_2, %mul3A_1546 : i32
        %dma_wait3A_1548 = arith.constant 5 : i32
        %dma_wait3A_1549 = arith.constant 0 : i32
        %dma_wait3A_1550 = arith.constant 0 : i32
        %dma_wait3A_1551 = tpu.memref_slice %arg6[%dma_wait3A_1548, %dma_wait3A_1549, %dma_wait3A_1550] : memref<10x64x128xf32, #tpu.memory_space<vmem>> -> memref<1x64x128xf32, #tpu.memory_space<vmem>>
        %dma_wait3A_1552 = tpu.memref_squeeze %dma_wait3A_1551 : memref<1x64x128xf32, #tpu.memory_space<vmem>> -> memref<64x128xf32, #tpu.memory_space<vmem>>
        %dma_wait3A_1553 = arith.constant 0 : i32
        %dma_wait3A_1554 = tpu.memref_slice %arg4[%select_n3A_1528, %add3A_1547, %dma_wait3A_1553] : memref<50x4096x128xf32, #tpu.memory_space<hbm>> -> memref<1x64x128xf32, #tpu.memory_space<hbm>>
        %dma_wait3A_1555 = tpu.memref_squeeze %dma_wait3A_1554 : memref<1x64x128xf32, #tpu.memory_space<hbm>> -> memref<64x128xf32, #tpu.memory_space<hbm>>
        %dma_wait3A_1556 = arith.constant 0 : i32
        %dma_wait3A_1557 = tpu.memref_slice %arg4[%select_n3A_1528, %add3A_1547, %dma_wait3A_1556] : memref<50x4096x128xf32, #tpu.memory_space<hbm>> -> memref<1x64x128xf32, #tpu.memory_space<hbm>>
        %dma_wait3A_1558 = tpu.memref_squeeze %dma_wait3A_1557 : memref<1x64x128xf32, #tpu.memory_space<hbm>> -> memref<64x128xf32, #tpu.memory_space<hbm>>
        %dma_wait3A_1559 = arith.constant 0 : i32
        %dma_wait3A_1560 = arith.constant 0 : i32
        %dma_wait3A_1561 = tpu.memref_slice %arg6[%dma_wait3A_1548, %dma_wait3A_1559, %dma_wait3A_1560] : memref<10x64x128xf32, #tpu.memory_space<vmem>> -> memref<1x64x128xf32, #tpu.memory_space<vmem>>
        %dma_wait3A_1562 = tpu.memref_squeeze %dma_wait3A_1561 : memref<1x64x128xf32, #tpu.memory_space<vmem>> -> memref<64x128xf32, #tpu.memory_space<vmem>>
        tpu.wait_dma2 semaphore(%arg22 : memref<!tpu.dma_semaphore, #tpu.memory_space<semaphore_mem>>) src(%dma_wait3A_1562 : memref<64x128xf32, #tpu.memory_space<vmem>>) dst(%dma_wait3A_1558 : memref<64x128xf32, #tpu.memory_space<hbm>>)
        %jit3A_1563 = arith.constant 2 : i32
        %div3A_1564 = arith.divsi %add3A_1250, %jit3A_1563 : i32
        %sign3A_1565 = arith.constant 0 : i32
        %sign3A_1566 = arith.cmpi sgt, %add3A_1250, %sign3A_1565 : i32
        %sign3A_1567 = arith.extui %sign3A_1566 : i1 to i32
        %sign3A_1568 = arith.constant 0 : i32
        %sign3A_1569 = arith.cmpi slt, %add3A_1250, %sign3A_1568 : i32
        %sign3A_1570 = arith.extui %sign3A_1569 : i1 to i32
        %sign3A_1571 = arith.subi %sign3A_1567, %sign3A_1570 : i32
        %sign3A_1572 = arith.constant 0 : i32
        %sign3A_1573 = arith.cmpi sgt, %jit3A_1563, %sign3A_1572 : i32
        %sign3A_1574 = arith.extui %sign3A_1573 : i1 to i32
        %sign3A_1575 = arith.constant 0 : i32
        %sign3A_1576 = arith.cmpi slt, %jit3A_1563, %sign3A_1575 : i32
        %sign3A_1577 = arith.extui %sign3A_1576 : i1 to i32
        %sign3A_1578 = arith.subi %sign3A_1574, %sign3A_1577 : i32
        %ne3A_1579 = arith.cmpi ne, %sign3A_1571, %sign3A_1578 : i32
        %rem3A_1580 = arith.remsi %add3A_1250, %jit3A_1563 : i32
        %ne3A_1581 = arith.constant 0 : i32
        %ne3A_1582 = arith.cmpi ne, %rem3A_1580, %ne3A_1581 : i32
        %and3A_1583 = arith.andi %ne3A_1579, %ne3A_1582 : i1
        %sub3A_1584 = arith.constant 1 : i32
        %sub3A_1585 = arith.subi %div3A_1564, %sub3A_1584 : i32
        %select_n3A_1586 = arith.select %and3A_1583, %sub3A_1585, %div3A_1564 : i32
        %jit3A_1587 = arith.constant 2 : i32
        %eq3A_1588 = arith.constant 0 : i32
        %eq3A_1589 = arith.cmpi eq, %jit3A_1587, %eq3A_1588 : i32
        %jit3A_1590 = arith.constant 1 : i32
        %select_n3A_1591 = arith.select %eq3A_1589, %jit3A_1590, %jit3A_1587 : i32
        %rem3A_1592 = arith.remsi %add3A_1250, %select_n3A_1591 : i32
        %ne3A_1593 = arith.constant 0 : i32
        %ne3A_1594 = arith.cmpi ne, %rem3A_1592, %ne3A_1593 : i32
        %lt3A_1595 = arith.constant 0 : i32
        %lt3A_1596 = arith.cmpi slt, %rem3A_1592, %lt3A_1595 : i32
        %lt3A_1597 = arith.constant 0 : i32
        %lt3A_1598 = arith.cmpi slt, %select_n3A_1591, %lt3A_1597 : i32
        %ne3A_1599 = arith.xori %lt3A_1596, %lt3A_1598 : i1
        %and3A_1600 = arith.andi %ne3A_1599, %ne3A_1594 : i1
        %add3A_1601 = arith.addi %rem3A_1592, %select_n3A_1591 : i32
        %select_n3A_1602 = arith.select %and3A_1600, %add3A_1601, %rem3A_1592 : i32
        %mul3A_1603 = arith.constant 64 : i32
        %mul3A_1604 = arith.muli %select_n3A_1602, %mul3A_1603 : i32
        %dma_start3A_1605 = arith.constant 5 : i32
        %dma_start3A_1606 = arith.constant 0 : i32
        %dma_start3A_1607 = arith.constant 0 : i32
        %dma_start3A_1608 = tpu.memref_slice %arg6[%dma_start3A_1605, %dma_start3A_1606, %dma_start3A_1607] : memref<10x64x128xf32, #tpu.memory_space<vmem>> -> memref<1x64x128xf32, #tpu.memory_space<vmem>>
        %dma_start3A_1609 = tpu.memref_squeeze %dma_start3A_1608 : memref<1x64x128xf32, #tpu.memory_space<vmem>> -> memref<64x128xf32, #tpu.memory_space<vmem>>
        %dma_start3A_1610 = tpu.memref_slice %arg5[%select_n3A_1586, %mul3A_1604] : memref<50x128xi32, #tpu.memory_space<vmem>> -> memref<1x64xi32, #tpu.memory_space<vmem>>
        %dma_start3A_1611 = tpu.memref_squeeze %dma_start3A_1610 : memref<1x64xi32, #tpu.memory_space<vmem>> -> memref<64xi32, #tpu.memory_space<vmem>>
        %dma_start3A_1612 = arith.constant 0 : i32
        %dma_start3A_1613 = arith.constant 0 : i32
        %dma_start3A_1614 = tpu.memref_slice %arg3[%dma_start3A_1612, %dma_start3A_1613] : memref<100000x128xf32, #tpu.memory_space<hbm>> -> memref<100000x128xf32, #tpu.memory_space<hbm>>
        tpu.enqueue_indirect_dma source(%dma_start3A_1614 : memref<100000x128xf32, #tpu.memory_space<hbm>>) target(%dma_start3A_1609 : memref<64x128xf32, #tpu.memory_space<vmem>>) offsets(%dma_start3A_1611 : memref<64xi32, #tpu.memory_space<vmem>>) semaphore(%arg12 : memref<!tpu.dma_semaphore, #tpu.memory_space<semaphore_mem>>)
      } else {
      }
      %add3A_1259 = arith.constant 8 : i32
      %add3A_1260 = arith.addi %add3A_285, %add3A_1259 : i32
      %jit3A_1261 = arith.constant 2 : i32
      %div3A_1262 = arith.divsi %add3A_1260, %jit3A_1261 : i32
      %sign3A_1263 = arith.constant 0 : i32
      %sign3A_1264 = arith.cmpi sgt, %add3A_1260, %sign3A_1263 : i32
      %sign3A_1265 = arith.extui %sign3A_1264 : i1 to i32
      %sign3A_1266 = arith.constant 0 : i32
      %sign3A_1267 = arith.cmpi slt, %add3A_1260, %sign3A_1266 : i32
      %sign3A_1268 = arith.extui %sign3A_1267 : i1 to i32
      %sign3A_1269 = arith.subi %sign3A_1265, %sign3A_1268 : i32
      %sign3A_1270 = arith.constant 0 : i32
      %sign3A_1271 = arith.cmpi sgt, %jit3A_1261, %sign3A_1270 : i32
      %sign3A_1272 = arith.extui %sign3A_1271 : i1 to i32
      %sign3A_1273 = arith.constant 0 : i32
      %sign3A_1274 = arith.cmpi slt, %jit3A_1261, %sign3A_1273 : i32
      %sign3A_1275 = arith.extui %sign3A_1274 : i1 to i32
      %sign3A_1276 = arith.subi %sign3A_1272, %sign3A_1275 : i32
      %ne3A_1277 = arith.cmpi ne, %sign3A_1269, %sign3A_1276 : i32
      %rem3A_1278 = arith.remsi %add3A_1260, %jit3A_1261 : i32
      %ne3A_1279 = arith.constant 0 : i32
      %ne3A_1280 = arith.cmpi ne, %rem3A_1278, %ne3A_1279 : i32
      %and3A_1281 = arith.andi %ne3A_1277, %ne3A_1280 : i1
      %sub3A_1282 = arith.constant 1 : i32
      %sub3A_1283 = arith.subi %div3A_1262, %sub3A_1282 : i32
      %select_n3A_1284 = arith.select %and3A_1281, %sub3A_1283, %div3A_1262 : i32
      %jit3A_1285 = arith.constant 2 : i32
      %eq3A_1286 = arith.constant 0 : i32
      %eq3A_1287 = arith.cmpi eq, %jit3A_1285, %eq3A_1286 : i32
      %jit3A_1288 = arith.constant 1 : i32
      %select_n3A_1289 = arith.select %eq3A_1287, %jit3A_1288, %jit3A_1285 : i32
      %rem3A_1290 = arith.remsi %add3A_1260, %select_n3A_1289 : i32
      %ne3A_1291 = arith.constant 0 : i32
      %ne3A_1292 = arith.cmpi ne, %rem3A_1290, %ne3A_1291 : i32
      %lt3A_1293 = arith.constant 0 : i32
      %lt3A_1294 = arith.cmpi slt, %rem3A_1290, %lt3A_1293 : i32
      %lt3A_1295 = arith.constant 0 : i32
      %lt3A_1296 = arith.cmpi slt, %select_n3A_1289, %lt3A_1295 : i32
      %ne3A_1297 = arith.xori %lt3A_1294, %lt3A_1296 : i1
      %and3A_1298 = arith.andi %ne3A_1297, %ne3A_1292 : i1
      %add3A_1299 = arith.addi %rem3A_1290, %select_n3A_1289 : i32
      %select_n3A_1300 = arith.select %and3A_1298, %add3A_1299, %rem3A_1290 : i32
      %mul3A_1301 = arith.constant 64 : i32
      %mul3A_1302 = arith.muli %select_n3A_1300, %mul3A_1301 : i32
      %dma_wait3A_1303 = arith.constant 8 : i32
      %dma_wait3A_1304 = arith.constant 0 : i32
      %dma_wait3A_1305 = arith.constant 0 : i32
      %dma_wait3A_1306 = tpu.memref_slice %arg6[%dma_wait3A_1303, %dma_wait3A_1304, %dma_wait3A_1305] : memref<10x64x128xf32, #tpu.memory_space<vmem>> -> memref<1x64x128xf32, #tpu.memory_space<vmem>>
      %dma_wait3A_1307 = tpu.memref_squeeze %dma_wait3A_1306 : memref<1x64x128xf32, #tpu.memory_space<vmem>> -> memref<64x128xf32, #tpu.memory_space<vmem>>
      %dma_wait3A_1308 = tpu.memref_slice %arg5[%select_n3A_1284, %mul3A_1302] : memref<50x128xi32, #tpu.memory_space<vmem>> -> memref<1x64xi32, #tpu.memory_space<vmem>>
      %dma_wait3A_1309 = tpu.memref_squeeze %dma_wait3A_1308 : memref<1x64xi32, #tpu.memory_space<vmem>> -> memref<64xi32, #tpu.memory_space<vmem>>
      %dma_wait3A_1310 = arith.constant 0 : i32
      %dma_wait3A_1311 = arith.constant 0 : i32
      %dma_wait3A_1312 = tpu.memref_slice %arg3[%dma_wait3A_1310, %dma_wait3A_1311] : memref<100000x128xf32, #tpu.memory_space<hbm>> -> memref<100000x128xf32, #tpu.memory_space<hbm>>
      tpu.wait_indirect_dma semaphore(%arg15 : memref<!tpu.dma_semaphore, #tpu.memory_space<semaphore_mem>>) src(%dma_wait3A_1312 : memref<100000x128xf32, #tpu.memory_space<hbm>>) dst(%dma_wait3A_1307 : memref<64x128xf32, #tpu.memory_space<vmem>>)
      %jit3A_1313 = arith.constant 2 : i32
      %div3A_1314 = arith.divsi %add3A_1260, %jit3A_1313 : i32
      %sign3A_1315 = arith.constant 0 : i32
      %sign3A_1316 = arith.cmpi sgt, %add3A_1260, %sign3A_1315 : i32
      %sign3A_1317 = arith.extui %sign3A_1316 : i1 to i32
      %sign3A_1318 = arith.constant 0 : i32
      %sign3A_1319 = arith.cmpi slt, %add3A_1260, %sign3A_1318 : i32
      %sign3A_1320 = arith.extui %sign3A_1319 : i1 to i32
      %sign3A_1321 = arith.subi %sign3A_1317, %sign3A_1320 : i32
      %sign3A_1322 = arith.constant 0 : i32
      %sign3A_1323 = arith.cmpi sgt, %jit3A_1313, %sign3A_1322 : i32
      %sign3A_1324 = arith.extui %sign3A_1323 : i1 to i32
      %sign3A_1325 = arith.constant 0 : i32
      %sign3A_1326 = arith.cmpi slt, %jit3A_1313, %sign3A_1325 : i32
      %sign3A_1327 = arith.extui %sign3A_1326 : i1 to i32
      %sign3A_1328 = arith.subi %sign3A_1324, %sign3A_1327 : i32
      %ne3A_1329 = arith.cmpi ne, %sign3A_1321, %sign3A_1328 : i32
      %rem3A_1330 = arith.remsi %add3A_1260, %jit3A_1313 : i32
      %ne3A_1331 = arith.constant 0 : i32
      %ne3A_1332 = arith.cmpi ne, %rem3A_1330, %ne3A_1331 : i32
      %and3A_1333 = arith.andi %ne3A_1329, %ne3A_1332 : i1
      %sub3A_1334 = arith.constant 1 : i32
      %sub3A_1335 = arith.subi %div3A_1314, %sub3A_1334 : i32
      %select_n3A_1336 = arith.select %and3A_1333, %sub3A_1335, %div3A_1314 : i32
      %jit3A_1337 = arith.constant 2 : i32
      %eq3A_1338 = arith.constant 0 : i32
      %eq3A_1339 = arith.cmpi eq, %jit3A_1337, %eq3A_1338 : i32
      %jit3A_1340 = arith.constant 1 : i32
      %select_n3A_1341 = arith.select %eq3A_1339, %jit3A_1340, %jit3A_1337 : i32
      %rem3A_1342 = arith.remsi %add3A_1260, %select_n3A_1341 : i32
      %ne3A_1343 = arith.constant 0 : i32
      %ne3A_1344 = arith.cmpi ne, %rem3A_1342, %ne3A_1343 : i32
      %lt3A_1345 = arith.constant 0 : i32
      %lt3A_1346 = arith.cmpi slt, %rem3A_1342, %lt3A_1345 : i32
      %lt3A_1347 = arith.constant 0 : i32
      %lt3A_1348 = arith.cmpi slt, %select_n3A_1341, %lt3A_1347 : i32
      %ne3A_1349 = arith.xori %lt3A_1346, %lt3A_1348 : i1
      %and3A_1350 = arith.andi %ne3A_1349, %ne3A_1344 : i1
      %add3A_1351 = arith.addi %rem3A_1342, %select_n3A_1341 : i32
      %select_n3A_1352 = arith.select %and3A_1350, %add3A_1351, %rem3A_1342 : i32
      %mul3A_1353 = arith.constant 64 : i32
      %mul3A_1354 = arith.muli %select_n3A_1352, %mul3A_1353 : i32
      %add3A_1355 = arith.addi %mul3A_2, %mul3A_1354 : i32
      %dma_start3A_1356 = arith.constant 8 : i32
      %dma_start3A_1357 = arith.constant 0 : i32
      %dma_start3A_1358 = arith.constant 0 : i32
      %dma_start3A_1359 = tpu.memref_slice %arg6[%dma_start3A_1356, %dma_start3A_1357, %dma_start3A_1358] : memref<10x64x128xf32, #tpu.memory_space<vmem>> -> memref<1x64x128xf32, #tpu.memory_space<vmem>>
      %dma_start3A_1360 = tpu.memref_squeeze %dma_start3A_1359 : memref<1x64x128xf32, #tpu.memory_space<vmem>> -> memref<64x128xf32, #tpu.memory_space<vmem>>
      %dma_start3A_1361 = arith.constant 0 : i32
      %dma_start3A_1362 = tpu.memref_slice %arg4[%select_n3A_1336, %add3A_1355, %dma_start3A_1361] : memref<50x4096x128xf32, #tpu.memory_space<hbm>> -> memref<1x64x128xf32, #tpu.memory_space<hbm>>
      %dma_start3A_1363 = tpu.memref_squeeze %dma_start3A_1362 : memref<1x64x128xf32, #tpu.memory_space<hbm>> -> memref<64x128xf32, #tpu.memory_space<hbm>>
      %dma_start3A_1364 = arith.constant 0 : i32
      %dma_start3A_1365 = tpu.memref_slice %arg4[%select_n3A_1336, %add3A_1355, %dma_start3A_1364] : memref<50x4096x128xf32, #tpu.memory_space<hbm>> -> memref<1x64x128xf32, #tpu.memory_space<hbm>>
      %dma_start3A_1366 = tpu.memref_squeeze %dma_start3A_1365 : memref<1x64x128xf32, #tpu.memory_space<hbm>> -> memref<64x128xf32, #tpu.memory_space<hbm>>
      %dma_start3A_1367 = arith.constant 0 : i32
      %dma_start3A_1368 = arith.constant 0 : i32
      %dma_start3A_1369 = tpu.memref_slice %arg6[%dma_start3A_1356, %dma_start3A_1367, %dma_start3A_1368] : memref<10x64x128xf32, #tpu.memory_space<vmem>> -> memref<1x64x128xf32, #tpu.memory_space<vmem>>
      %dma_start3A_1370 = tpu.memref_squeeze %dma_start3A_1369 : memref<1x64x128xf32, #tpu.memory_space<vmem>> -> memref<64x128xf32, #tpu.memory_space<vmem>>
      tpu.enqueue_dma source(%dma_start3A_1370 : memref<64x128xf32, #tpu.memory_space<vmem>>) target(%dma_start3A_1366 : memref<64x128xf32, #tpu.memory_space<hbm>>) target_semaphore(%arg25 : memref<!tpu.dma_semaphore, #tpu.memory_space<semaphore_mem>>)
      %add3A_1371 = arith.constant 8 : i32
      %add3A_1372 = arith.addi %add3A_1260, %add3A_1371 : i32
      %ge3A_1373 = arith.constant 10 : i32
      %ge3A_1374 = arith.cmpi sge, %add3A_1372, %ge3A_1373 : i32
      %lt3A_1375 = arith.constant 100 : i32
      %lt3A_1376 = arith.cmpi slt, %add3A_1372, %lt3A_1375 : i32
      %and3A_1377 = arith.andi %ge3A_1374, %lt3A_1376 : i1
      %convert_element_type3A_1378 = arith.extui %and3A_1377 : i1 to i32
      %cond3A_1379 = arith.constant 0 : i32
      %cond3A_1380 = arith.cmpi ne, %convert_element_type3A_1378, %cond3A_1379 : i32
      scf.if %cond3A_1380 {
        %sub3A_1503 = arith.constant 10 : i32
        %sub3A_1504 = arith.subi %add3A_1372, %sub3A_1503 : i32
        %jit3A_1505 = arith.constant 2 : i32
        %div3A_1506 = arith.divsi %sub3A_1504, %jit3A_1505 : i32
        %sign3A_1507 = arith.constant 0 : i32
        %sign3A_1508 = arith.cmpi sgt, %sub3A_1504, %sign3A_1507 : i32
        %sign3A_1509 = arith.extui %sign3A_1508 : i1 to i32
        %sign3A_1510 = arith.constant 0 : i32
        %sign3A_1511 = arith.cmpi slt, %sub3A_1504, %sign3A_1510 : i32
        %sign3A_1512 = arith.extui %sign3A_1511 : i1 to i32
        %sign3A_1513 = arith.subi %sign3A_1509, %sign3A_1512 : i32
        %sign3A_1514 = arith.constant 0 : i32
        %sign3A_1515 = arith.cmpi sgt, %jit3A_1505, %sign3A_1514 : i32
        %sign3A_1516 = arith.extui %sign3A_1515 : i1 to i32
        %sign3A_1517 = arith.constant 0 : i32
        %sign3A_1518 = arith.cmpi slt, %jit3A_1505, %sign3A_1517 : i32
        %sign3A_1519 = arith.extui %sign3A_1518 : i1 to i32
        %sign3A_1520 = arith.subi %sign3A_1516, %sign3A_1519 : i32
        %ne3A_1521 = arith.cmpi ne, %sign3A_1513, %sign3A_1520 : i32
        %rem3A_1522 = arith.remsi %sub3A_1504, %jit3A_1505 : i32
        %ne3A_1523 = arith.constant 0 : i32
        %ne3A_1524 = arith.cmpi ne, %rem3A_1522, %ne3A_1523 : i32
        %and3A_1525 = arith.andi %ne3A_1521, %ne3A_1524 : i1
        %sub3A_1526 = arith.constant 1 : i32
        %sub3A_1527 = arith.subi %div3A_1506, %sub3A_1526 : i32
        %select_n3A_1528 = arith.select %and3A_1525, %sub3A_1527, %div3A_1506 : i32
        %jit3A_1529 = arith.constant 2 : i32
        %eq3A_1530 = arith.constant 0 : i32
        %eq3A_1531 = arith.cmpi eq, %jit3A_1529, %eq3A_1530 : i32
        %jit3A_1532 = arith.constant 1 : i32
        %select_n3A_1533 = arith.select %eq3A_1531, %jit3A_1532, %jit3A_1529 : i32
        %rem3A_1534 = arith.remsi %sub3A_1504, %select_n3A_1533 : i32
        %ne3A_1535 = arith.constant 0 : i32
        %ne3A_1536 = arith.cmpi ne, %rem3A_1534, %ne3A_1535 : i32
        %lt3A_1537 = arith.constant 0 : i32
        %lt3A_1538 = arith.cmpi slt, %rem3A_1534, %lt3A_1537 : i32
        %lt3A_1539 = arith.constant 0 : i32
        %lt3A_1540 = arith.cmpi slt, %select_n3A_1533, %lt3A_1539 : i32
        %ne3A_1541 = arith.xori %lt3A_1538, %lt3A_1540 : i1
        %and3A_1542 = arith.andi %ne3A_1541, %ne3A_1536 : i1
        %add3A_1543 = arith.addi %rem3A_1534, %select_n3A_1533 : i32
        %select_n3A_1544 = arith.select %and3A_1542, %add3A_1543, %rem3A_1534 : i32
        %mul3A_1545 = arith.constant 64 : i32
        %mul3A_1546 = arith.muli %select_n3A_1544, %mul3A_1545 : i32
        %add3A_1547 = arith.addi %mul3A_2, %mul3A_1546 : i32
        %dma_wait3A_1548 = arith.constant 6 : i32
        %dma_wait3A_1549 = arith.constant 0 : i32
        %dma_wait3A_1550 = arith.constant 0 : i32
        %dma_wait3A_1551 = tpu.memref_slice %arg6[%dma_wait3A_1548, %dma_wait3A_1549, %dma_wait3A_1550] : memref<10x64x128xf32, #tpu.memory_space<vmem>> -> memref<1x64x128xf32, #tpu.memory_space<vmem>>
        %dma_wait3A_1552 = tpu.memref_squeeze %dma_wait3A_1551 : memref<1x64x128xf32, #tpu.memory_space<vmem>> -> memref<64x128xf32, #tpu.memory_space<vmem>>
        %dma_wait3A_1553 = arith.constant 0 : i32
        %dma_wait3A_1554 = tpu.memref_slice %arg4[%select_n3A_1528, %add3A_1547, %dma_wait3A_1553] : memref<50x4096x128xf32, #tpu.memory_space<hbm>> -> memref<1x64x128xf32, #tpu.memory_space<hbm>>
        %dma_wait3A_1555 = tpu.memref_squeeze %dma_wait3A_1554 : memref<1x64x128xf32, #tpu.memory_space<hbm>> -> memref<64x128xf32, #tpu.memory_space<hbm>>
        %dma_wait3A_1556 = arith.constant 0 : i32
        %dma_wait3A_1557 = tpu.memref_slice %arg4[%select_n3A_1528, %add3A_1547, %dma_wait3A_1556] : memref<50x4096x128xf32, #tpu.memory_space<hbm>> -> memref<1x64x128xf32, #tpu.memory_space<hbm>>
        %dma_wait3A_1558 = tpu.memref_squeeze %dma_wait3A_1557 : memref<1x64x128xf32, #tpu.memory_space<hbm>> -> memref<64x128xf32, #tpu.memory_space<hbm>>
        %dma_wait3A_1559 = arith.constant 0 : i32
        %dma_wait3A_1560 = arith.constant 0 : i32
        %dma_wait3A_1561 = tpu.memref_slice %arg6[%dma_wait3A_1548, %dma_wait3A_1559, %dma_wait3A_1560] : memref<10x64x128xf32, #tpu.memory_space<vmem>> -> memref<1x64x128xf32, #tpu.memory_space<vmem>>
        %dma_wait3A_1562 = tpu.memref_squeeze %dma_wait3A_1561 : memref<1x64x128xf32, #tpu.memory_space<vmem>> -> memref<64x128xf32, #tpu.memory_space<vmem>>
        tpu.wait_dma2 semaphore(%arg23 : memref<!tpu.dma_semaphore, #tpu.memory_space<semaphore_mem>>) src(%dma_wait3A_1562 : memref<64x128xf32, #tpu.memory_space<vmem>>) dst(%dma_wait3A_1558 : memref<64x128xf32, #tpu.memory_space<hbm>>)
        %jit3A_1563 = arith.constant 2 : i32
        %div3A_1564 = arith.divsi %add3A_1372, %jit3A_1563 : i32
        %sign3A_1565 = arith.constant 0 : i32
        %sign3A_1566 = arith.cmpi sgt, %add3A_1372, %sign3A_1565 : i32
        %sign3A_1567 = arith.extui %sign3A_1566 : i1 to i32
        %sign3A_1568 = arith.constant 0 : i32
        %sign3A_1569 = arith.cmpi slt, %add3A_1372, %sign3A_1568 : i32
        %sign3A_1570 = arith.extui %sign3A_1569 : i1 to i32
        %sign3A_1571 = arith.subi %sign3A_1567, %sign3A_1570 : i32
        %sign3A_1572 = arith.constant 0 : i32
        %sign3A_1573 = arith.cmpi sgt, %jit3A_1563, %sign3A_1572 : i32
        %sign3A_1574 = arith.extui %sign3A_1573 : i1 to i32
        %sign3A_1575 = arith.constant 0 : i32
        %sign3A_1576 = arith.cmpi slt, %jit3A_1563, %sign3A_1575 : i32
        %sign3A_1577 = arith.extui %sign3A_1576 : i1 to i32
        %sign3A_1578 = arith.subi %sign3A_1574, %sign3A_1577 : i32
        %ne3A_1579 = arith.cmpi ne, %sign3A_1571, %sign3A_1578 : i32
        %rem3A_1580 = arith.remsi %add3A_1372, %jit3A_1563 : i32
        %ne3A_1581 = arith.constant 0 : i32
        %ne3A_1582 = arith.cmpi ne, %rem3A_1580, %ne3A_1581 : i32
        %and3A_1583 = arith.andi %ne3A_1579, %ne3A_1582 : i1
        %sub3A_1584 = arith.constant 1 : i32
        %sub3A_1585 = arith.subi %div3A_1564, %sub3A_1584 : i32
        %select_n3A_1586 = arith.select %and3A_1583, %sub3A_1585, %div3A_1564 : i32
        %jit3A_1587 = arith.constant 2 : i32
        %eq3A_1588 = arith.constant 0 : i32
        %eq3A_1589 = arith.cmpi eq, %jit3A_1587, %eq3A_1588 : i32
        %jit3A_1590 = arith.constant 1 : i32
        %select_n3A_1591 = arith.select %eq3A_1589, %jit3A_1590, %jit3A_1587 : i32
        %rem3A_1592 = arith.remsi %add3A_1372, %select_n3A_1591 : i32
        %ne3A_1593 = arith.constant 0 : i32
        %ne3A_1594 = arith.cmpi ne, %rem3A_1592, %ne3A_1593 : i32
        %lt3A_1595 = arith.constant 0 : i32
        %lt3A_1596 = arith.cmpi slt, %rem3A_1592, %lt3A_1595 : i32
        %lt3A_1597 = arith.constant 0 : i32
        %lt3A_1598 = arith.cmpi slt, %select_n3A_1591, %lt3A_1597 : i32
        %ne3A_1599 = arith.xori %lt3A_1596, %lt3A_1598 : i1
        %and3A_1600 = arith.andi %ne3A_1599, %ne3A_1594 : i1
        %add3A_1601 = arith.addi %rem3A_1592, %select_n3A_1591 : i32
        %select_n3A_1602 = arith.select %and3A_1600, %add3A_1601, %rem3A_1592 : i32
        %mul3A_1603 = arith.constant 64 : i32
        %mul3A_1604 = arith.muli %select_n3A_1602, %mul3A_1603 : i32
        %dma_start3A_1605 = arith.constant 6 : i32
        %dma_start3A_1606 = arith.constant 0 : i32
        %dma_start3A_1607 = arith.constant 0 : i32
        %dma_start3A_1608 = tpu.memref_slice %arg6[%dma_start3A_1605, %dma_start3A_1606, %dma_start3A_1607] : memref<10x64x128xf32, #tpu.memory_space<vmem>> -> memref<1x64x128xf32, #tpu.memory_space<vmem>>
        %dma_start3A_1609 = tpu.memref_squeeze %dma_start3A_1608 : memref<1x64x128xf32, #tpu.memory_space<vmem>> -> memref<64x128xf32, #tpu.memory_space<vmem>>
        %dma_start3A_1610 = tpu.memref_slice %arg5[%select_n3A_1586, %mul3A_1604] : memref<50x128xi32, #tpu.memory_space<vmem>> -> memref<1x64xi32, #tpu.memory_space<vmem>>
        %dma_start3A_1611 = tpu.memref_squeeze %dma_start3A_1610 : memref<1x64xi32, #tpu.memory_space<vmem>> -> memref<64xi32, #tpu.memory_space<vmem>>
        %dma_start3A_1612 = arith.constant 0 : i32
        %dma_start3A_1613 = arith.constant 0 : i32
        %dma_start3A_1614 = tpu.memref_slice %arg3[%dma_start3A_1612, %dma_start3A_1613] : memref<100000x128xf32, #tpu.memory_space<hbm>> -> memref<100000x128xf32, #tpu.memory_space<hbm>>
        tpu.enqueue_indirect_dma source(%dma_start3A_1614 : memref<100000x128xf32, #tpu.memory_space<hbm>>) target(%dma_start3A_1609 : memref<64x128xf32, #tpu.memory_space<vmem>>) offsets(%dma_start3A_1611 : memref<64xi32, #tpu.memory_space<vmem>>) semaphore(%arg13 : memref<!tpu.dma_semaphore, #tpu.memory_space<semaphore_mem>>)
      } else {
      }
      %add3A_1381 = arith.constant 9 : i32
      %add3A_1382 = arith.addi %add3A_285, %add3A_1381 : i32
      %jit3A_1383 = arith.constant 2 : i32
      %div3A_1384 = arith.divsi %add3A_1382, %jit3A_1383 : i32
      %sign3A_1385 = arith.constant 0 : i32
      %sign3A_1386 = arith.cmpi sgt, %add3A_1382, %sign3A_1385 : i32
      %sign3A_1387 = arith.extui %sign3A_1386 : i1 to i32
      %sign3A_1388 = arith.constant 0 : i32
      %sign3A_1389 = arith.cmpi slt, %add3A_1382, %sign3A_1388 : i32
      %sign3A_1390 = arith.extui %sign3A_1389 : i1 to i32
      %sign3A_1391 = arith.subi %sign3A_1387, %sign3A_1390 : i32
      %sign3A_1392 = arith.constant 0 : i32
      %sign3A_1393 = arith.cmpi sgt, %jit3A_1383, %sign3A_1392 : i32
      %sign3A_1394 = arith.extui %sign3A_1393 : i1 to i32
      %sign3A_1395 = arith.constant 0 : i32
      %sign3A_1396 = arith.cmpi slt, %jit3A_1383, %sign3A_1395 : i32
      %sign3A_1397 = arith.extui %sign3A_1396 : i1 to i32
      %sign3A_1398 = arith.subi %sign3A_1394, %sign3A_1397 : i32
      %ne3A_1399 = arith.cmpi ne, %sign3A_1391, %sign3A_1398 : i32
      %rem3A_1400 = arith.remsi %add3A_1382, %jit3A_1383 : i32
      %ne3A_1401 = arith.constant 0 : i32
      %ne3A_1402 = arith.cmpi ne, %rem3A_1400, %ne3A_1401 : i32
      %and3A_1403 = arith.andi %ne3A_1399, %ne3A_1402 : i1
      %sub3A_1404 = arith.constant 1 : i32
      %sub3A_1405 = arith.subi %div3A_1384, %sub3A_1404 : i32
      %select_n3A_1406 = arith.select %and3A_1403, %sub3A_1405, %div3A_1384 : i32
      %jit3A_1407 = arith.constant 2 : i32
      %eq3A_1408 = arith.constant 0 : i32
      %eq3A_1409 = arith.cmpi eq, %jit3A_1407, %eq3A_1408 : i32
      %jit3A_1410 = arith.constant 1 : i32
      %select_n3A_1411 = arith.select %eq3A_1409, %jit3A_1410, %jit3A_1407 : i32
      %rem3A_1412 = arith.remsi %add3A_1382, %select_n3A_1411 : i32
      %ne3A_1413 = arith.constant 0 : i32
      %ne3A_1414 = arith.cmpi ne, %rem3A_1412, %ne3A_1413 : i32
      %lt3A_1415 = arith.constant 0 : i32
      %lt3A_1416 = arith.cmpi slt, %rem3A_1412, %lt3A_1415 : i32
      %lt3A_1417 = arith.constant 0 : i32
      %lt3A_1418 = arith.cmpi slt, %select_n3A_1411, %lt3A_1417 : i32
      %ne3A_1419 = arith.xori %lt3A_1416, %lt3A_1418 : i1
      %and3A_1420 = arith.andi %ne3A_1419, %ne3A_1414 : i1
      %add3A_1421 = arith.addi %rem3A_1412, %select_n3A_1411 : i32
      %select_n3A_1422 = arith.select %and3A_1420, %add3A_1421, %rem3A_1412 : i32
      %mul3A_1423 = arith.constant 64 : i32
      %mul3A_1424 = arith.muli %select_n3A_1422, %mul3A_1423 : i32
      %dma_wait3A_1425 = arith.constant 9 : i32
      %dma_wait3A_1426 = arith.constant 0 : i32
      %dma_wait3A_1427 = arith.constant 0 : i32
      %dma_wait3A_1428 = tpu.memref_slice %arg6[%dma_wait3A_1425, %dma_wait3A_1426, %dma_wait3A_1427] : memref<10x64x128xf32, #tpu.memory_space<vmem>> -> memref<1x64x128xf32, #tpu.memory_space<vmem>>
      %dma_wait3A_1429 = tpu.memref_squeeze %dma_wait3A_1428 : memref<1x64x128xf32, #tpu.memory_space<vmem>> -> memref<64x128xf32, #tpu.memory_space<vmem>>
      %dma_wait3A_1430 = tpu.memref_slice %arg5[%select_n3A_1406, %mul3A_1424] : memref<50x128xi32, #tpu.memory_space<vmem>> -> memref<1x64xi32, #tpu.memory_space<vmem>>
      %dma_wait3A_1431 = tpu.memref_squeeze %dma_wait3A_1430 : memref<1x64xi32, #tpu.memory_space<vmem>> -> memref<64xi32, #tpu.memory_space<vmem>>
      %dma_wait3A_1432 = arith.constant 0 : i32
      %dma_wait3A_1433 = arith.constant 0 : i32
      %dma_wait3A_1434 = tpu.memref_slice %arg3[%dma_wait3A_1432, %dma_wait3A_1433] : memref<100000x128xf32, #tpu.memory_space<hbm>> -> memref<100000x128xf32, #tpu.memory_space<hbm>>
      tpu.wait_indirect_dma semaphore(%arg16 : memref<!tpu.dma_semaphore, #tpu.memory_space<semaphore_mem>>) src(%dma_wait3A_1434 : memref<100000x128xf32, #tpu.memory_space<hbm>>) dst(%dma_wait3A_1429 : memref<64x128xf32, #tpu.memory_space<vmem>>)
      %jit3A_1435 = arith.constant 2 : i32
      %div3A_1436 = arith.divsi %add3A_1382, %jit3A_1435 : i32
      %sign3A_1437 = arith.constant 0 : i32
      %sign3A_1438 = arith.cmpi sgt, %add3A_1382, %sign3A_1437 : i32
      %sign3A_1439 = arith.extui %sign3A_1438 : i1 to i32
      %sign3A_1440 = arith.constant 0 : i32
      %sign3A_1441 = arith.cmpi slt, %add3A_1382, %sign3A_1440 : i32
      %sign3A_1442 = arith.extui %sign3A_1441 : i1 to i32
      %sign3A_1443 = arith.subi %sign3A_1439, %sign3A_1442 : i32
      %sign3A_1444 = arith.constant 0 : i32
      %sign3A_1445 = arith.cmpi sgt, %jit3A_1435, %sign3A_1444 : i32
      %sign3A_1446 = arith.extui %sign3A_1445 : i1 to i32
      %sign3A_1447 = arith.constant 0 : i32
      %sign3A_1448 = arith.cmpi slt, %jit3A_1435, %sign3A_1447 : i32
      %sign3A_1449 = arith.extui %sign3A_1448 : i1 to i32
      %sign3A_1450 = arith.subi %sign3A_1446, %sign3A_1449 : i32
      %ne3A_1451 = arith.cmpi ne, %sign3A_1443, %sign3A_1450 : i32
      %rem3A_1452 = arith.remsi %add3A_1382, %jit3A_1435 : i32
      %ne3A_1453 = arith.constant 0 : i32
      %ne3A_1454 = arith.cmpi ne, %rem3A_1452, %ne3A_1453 : i32
      %and3A_1455 = arith.andi %ne3A_1451, %ne3A_1454 : i1
      %sub3A_1456 = arith.constant 1 : i32
      %sub3A_1457 = arith.subi %div3A_1436, %sub3A_1456 : i32
      %select_n3A_1458 = arith.select %and3A_1455, %sub3A_1457, %div3A_1436 : i32
      %jit3A_1459 = arith.constant 2 : i32
      %eq3A_1460 = arith.constant 0 : i32
      %eq3A_1461 = arith.cmpi eq, %jit3A_1459, %eq3A_1460 : i32
      %jit3A_1462 = arith.constant 1 : i32
      %select_n3A_1463 = arith.select %eq3A_1461, %jit3A_1462, %jit3A_1459 : i32
      %rem3A_1464 = arith.remsi %add3A_1382, %select_n3A_1463 : i32
      %ne3A_1465 = arith.constant 0 : i32
      %ne3A_1466 = arith.cmpi ne, %rem3A_1464, %ne3A_1465 : i32
      %lt3A_1467 = arith.constant 0 : i32
      %lt3A_1468 = arith.cmpi slt, %rem3A_1464, %lt3A_1467 : i32
      %lt3A_1469 = arith.constant 0 : i32
      %lt3A_1470 = arith.cmpi slt, %select_n3A_1463, %lt3A_1469 : i32
      %ne3A_1471 = arith.xori %lt3A_1468, %lt3A_1470 : i1
      %and3A_1472 = arith.andi %ne3A_1471, %ne3A_1466 : i1
      %add3A_1473 = arith.addi %rem3A_1464, %select_n3A_1463 : i32
      %select_n3A_1474 = arith.select %and3A_1472, %add3A_1473, %rem3A_1464 : i32
      %mul3A_1475 = arith.constant 64 : i32
      %mul3A_1476 = arith.muli %select_n3A_1474, %mul3A_1475 : i32
      %add3A_1477 = arith.addi %mul3A_2, %mul3A_1476 : i32
      %dma_start3A_1478 = arith.constant 9 : i32
      %dma_start3A_1479 = arith.constant 0 : i32
      %dma_start3A_1480 = arith.constant 0 : i32
      %dma_start3A_1481 = tpu.memref_slice %arg6[%dma_start3A_1478, %dma_start3A_1479, %dma_start3A_1480] : memref<10x64x128xf32, #tpu.memory_space<vmem>> -> memref<1x64x128xf32, #tpu.memory_space<vmem>>
      %dma_start3A_1482 = tpu.memref_squeeze %dma_start3A_1481 : memref<1x64x128xf32, #tpu.memory_space<vmem>> -> memref<64x128xf32, #tpu.memory_space<vmem>>
      %dma_start3A_1483 = arith.constant 0 : i32
      %dma_start3A_1484 = tpu.memref_slice %arg4[%select_n3A_1458, %add3A_1477, %dma_start3A_1483] : memref<50x4096x128xf32, #tpu.memory_space<hbm>> -> memref<1x64x128xf32, #tpu.memory_space<hbm>>
      %dma_start3A_1485 = tpu.memref_squeeze %dma_start3A_1484 : memref<1x64x128xf32, #tpu.memory_space<hbm>> -> memref<64x128xf32, #tpu.memory_space<hbm>>
      %dma_start3A_1486 = arith.constant 0 : i32
      %dma_start3A_1487 = tpu.memref_slice %arg4[%select_n3A_1458, %add3A_1477, %dma_start3A_1486] : memref<50x4096x128xf32, #tpu.memory_space<hbm>> -> memref<1x64x128xf32, #tpu.memory_space<hbm>>
      %dma_start3A_1488 = tpu.memref_squeeze %dma_start3A_1487 : memref<1x64x128xf32, #tpu.memory_space<hbm>> -> memref<64x128xf32, #tpu.memory_space<hbm>>
      %dma_start3A_1489 = arith.constant 0 : i32
      %dma_start3A_1490 = arith.constant 0 : i32
      %dma_start3A_1491 = tpu.memref_slice %arg6[%dma_start3A_1478, %dma_start3A_1489, %dma_start3A_1490] : memref<10x64x128xf32, #tpu.memory_space<vmem>> -> memref<1x64x128xf32, #tpu.memory_space<vmem>>
      %dma_start3A_1492 = tpu.memref_squeeze %dma_start3A_1491 : memref<1x64x128xf32, #tpu.memory_space<vmem>> -> memref<64x128xf32, #tpu.memory_space<vmem>>
      tpu.enqueue_dma source(%dma_start3A_1492 : memref<64x128xf32, #tpu.memory_space<vmem>>) target(%dma_start3A_1488 : memref<64x128xf32, #tpu.memory_space<hbm>>) target_semaphore(%arg26 : memref<!tpu.dma_semaphore, #tpu.memory_space<semaphore_mem>>)
      %add3A_1493 = arith.constant 8 : i32
      %add3A_1494 = arith.addi %add3A_1382, %add3A_1493 : i32
      %ge3A_1495 = arith.constant 10 : i32
      %ge3A_1496 = arith.cmpi sge, %add3A_1494, %ge3A_1495 : i32
      %lt3A_1497 = arith.constant 100 : i32
      %lt3A_1498 = arith.cmpi slt, %add3A_1494, %lt3A_1497 : i32
      %and3A_1499 = arith.andi %ge3A_1496, %lt3A_1498 : i1
      %convert_element_type3A_1500 = arith.extui %and3A_1499 : i1 to i32
      %cond3A_1501 = arith.constant 0 : i32
      %cond3A_1502 = arith.cmpi ne, %convert_element_type3A_1500, %cond3A_1501 : i32
      scf.if %cond3A_1502 {
        %sub3A_1503 = arith.constant 10 : i32
        %sub3A_1504 = arith.subi %add3A_1494, %sub3A_1503 : i32
        %jit3A_1505 = arith.constant 2 : i32
        %div3A_1506 = arith.divsi %sub3A_1504, %jit3A_1505 : i32
        %sign3A_1507 = arith.constant 0 : i32
        %sign3A_1508 = arith.cmpi sgt, %sub3A_1504, %sign3A_1507 : i32
        %sign3A_1509 = arith.extui %sign3A_1508 : i1 to i32
        %sign3A_1510 = arith.constant 0 : i32
        %sign3A_1511 = arith.cmpi slt, %sub3A_1504, %sign3A_1510 : i32
        %sign3A_1512 = arith.extui %sign3A_1511 : i1 to i32
        %sign3A_1513 = arith.subi %sign3A_1509, %sign3A_1512 : i32
        %sign3A_1514 = arith.constant 0 : i32
        %sign3A_1515 = arith.cmpi sgt, %jit3A_1505, %sign3A_1514 : i32
        %sign3A_1516 = arith.extui %sign3A_1515 : i1 to i32
        %sign3A_1517 = arith.constant 0 : i32
        %sign3A_1518 = arith.cmpi slt, %jit3A_1505, %sign3A_1517 : i32
        %sign3A_1519 = arith.extui %sign3A_1518 : i1 to i32
        %sign3A_1520 = arith.subi %sign3A_1516, %sign3A_1519 : i32
        %ne3A_1521 = arith.cmpi ne, %sign3A_1513, %sign3A_1520 : i32
        %rem3A_1522 = arith.remsi %sub3A_1504, %jit3A_1505 : i32
        %ne3A_1523 = arith.constant 0 : i32
        %ne3A_1524 = arith.cmpi ne, %rem3A_1522, %ne3A_1523 : i32
        %and3A_1525 = arith.andi %ne3A_1521, %ne3A_1524 : i1
        %sub3A_1526 = arith.constant 1 : i32
        %sub3A_1527 = arith.subi %div3A_1506, %sub3A_1526 : i32
        %select_n3A_1528 = arith.select %and3A_1525, %sub3A_1527, %div3A_1506 : i32
        %jit3A_1529 = arith.constant 2 : i32
        %eq3A_1530 = arith.constant 0 : i32
        %eq3A_1531 = arith.cmpi eq, %jit3A_1529, %eq3A_1530 : i32
        %jit3A_1532 = arith.constant 1 : i32
        %select_n3A_1533 = arith.select %eq3A_1531, %jit3A_1532, %jit3A_1529 : i32
        %rem3A_1534 = arith.remsi %sub3A_1504, %select_n3A_1533 : i32
        %ne3A_1535 = arith.constant 0 : i32
        %ne3A_1536 = arith.cmpi ne, %rem3A_1534, %ne3A_1535 : i32
        %lt3A_1537 = arith.constant 0 : i32
        %lt3A_1538 = arith.cmpi slt, %rem3A_1534, %lt3A_1537 : i32
        %lt3A_1539 = arith.constant 0 : i32
        %lt3A_1540 = arith.cmpi slt, %select_n3A_1533, %lt3A_1539 : i32
        %ne3A_1541 = arith.xori %lt3A_1538, %lt3A_1540 : i1
        %and3A_1542 = arith.andi %ne3A_1541, %ne3A_1536 : i1
        %add3A_1543 = arith.addi %rem3A_1534, %select_n3A_1533 : i32
        %select_n3A_1544 = arith.select %and3A_1542, %add3A_1543, %rem3A_1534 : i32
        %mul3A_1545 = arith.constant 64 : i32
        %mul3A_1546 = arith.muli %select_n3A_1544, %mul3A_1545 : i32
        %add3A_1547 = arith.addi %mul3A_2, %mul3A_1546 : i32
        %dma_wait3A_1548 = arith.constant 7 : i32
        %dma_wait3A_1549 = arith.constant 0 : i32
        %dma_wait3A_1550 = arith.constant 0 : i32
        %dma_wait3A_1551 = tpu.memref_slice %arg6[%dma_wait3A_1548, %dma_wait3A_1549, %dma_wait3A_1550] : memref<10x64x128xf32, #tpu.memory_space<vmem>> -> memref<1x64x128xf32, #tpu.memory_space<vmem>>
        %dma_wait3A_1552 = tpu.memref_squeeze %dma_wait3A_1551 : memref<1x64x128xf32, #tpu.memory_space<vmem>> -> memref<64x128xf32, #tpu.memory_space<vmem>>
        %dma_wait3A_1553 = arith.constant 0 : i32
        %dma_wait3A_1554 = tpu.memref_slice %arg4[%select_n3A_1528, %add3A_1547, %dma_wait3A_1553] : memref<50x4096x128xf32, #tpu.memory_space<hbm>> -> memref<1x64x128xf32, #tpu.memory_space<hbm>>
        %dma_wait3A_1555 = tpu.memref_squeeze %dma_wait3A_1554 : memref<1x64x128xf32, #tpu.memory_space<hbm>> -> memref<64x128xf32, #tpu.memory_space<hbm>>
        %dma_wait3A_1556 = arith.constant 0 : i32
        %dma_wait3A_1557 = tpu.memref_slice %arg4[%select_n3A_1528, %add3A_1547, %dma_wait3A_1556] : memref<50x4096x128xf32, #tpu.memory_space<hbm>> -> memref<1x64x128xf32, #tpu.memory_space<hbm>>
        %dma_wait3A_1558 = tpu.memref_squeeze %dma_wait3A_1557 : memref<1x64x128xf32, #tpu.memory_space<hbm>> -> memref<64x128xf32, #tpu.memory_space<hbm>>
        %dma_wait3A_1559 = arith.constant 0 : i32
        %dma_wait3A_1560 = arith.constant 0 : i32
        %dma_wait3A_1561 = tpu.memref_slice %arg6[%dma_wait3A_1548, %dma_wait3A_1559, %dma_wait3A_1560] : memref<10x64x128xf32, #tpu.memory_space<vmem>> -> memref<1x64x128xf32, #tpu.memory_space<vmem>>
        %dma_wait3A_1562 = tpu.memref_squeeze %dma_wait3A_1561 : memref<1x64x128xf32, #tpu.memory_space<vmem>> -> memref<64x128xf32, #tpu.memory_space<vmem>>
        tpu.wait_dma2 semaphore(%arg24 : memref<!tpu.dma_semaphore, #tpu.memory_space<semaphore_mem>>) src(%dma_wait3A_1562 : memref<64x128xf32, #tpu.memory_space<vmem>>) dst(%dma_wait3A_1558 : memref<64x128xf32, #tpu.memory_space<hbm>>)
        %jit3A_1563 = arith.constant 2 : i32
        %div3A_1564 = arith.divsi %add3A_1494, %jit3A_1563 : i32
        %sign3A_1565 = arith.constant 0 : i32
        %sign3A_1566 = arith.cmpi sgt, %add3A_1494, %sign3A_1565 : i32
        %sign3A_1567 = arith.extui %sign3A_1566 : i1 to i32
        %sign3A_1568 = arith.constant 0 : i32
        %sign3A_1569 = arith.cmpi slt, %add3A_1494, %sign3A_1568 : i32
        %sign3A_1570 = arith.extui %sign3A_1569 : i1 to i32
        %sign3A_1571 = arith.subi %sign3A_1567, %sign3A_1570 : i32
        %sign3A_1572 = arith.constant 0 : i32
        %sign3A_1573 = arith.cmpi sgt, %jit3A_1563, %sign3A_1572 : i32
        %sign3A_1574 = arith.extui %sign3A_1573 : i1 to i32
        %sign3A_1575 = arith.constant 0 : i32
        %sign3A_1576 = arith.cmpi slt, %jit3A_1563, %sign3A_1575 : i32
        %sign3A_1577 = arith.extui %sign3A_1576 : i1 to i32
        %sign3A_1578 = arith.subi %sign3A_1574, %sign3A_1577 : i32
        %ne3A_1579 = arith.cmpi ne, %sign3A_1571, %sign3A_1578 : i32
        %rem3A_1580 = arith.remsi %add3A_1494, %jit3A_1563 : i32
        %ne3A_1581 = arith.constant 0 : i32
        %ne3A_1582 = arith.cmpi ne, %rem3A_1580, %ne3A_1581 : i32
        %and3A_1583 = arith.andi %ne3A_1579, %ne3A_1582 : i1
        %sub3A_1584 = arith.constant 1 : i32
        %sub3A_1585 = arith.subi %div3A_1564, %sub3A_1584 : i32
        %select_n3A_1586 = arith.select %and3A_1583, %sub3A_1585, %div3A_1564 : i32
        %jit3A_1587 = arith.constant 2 : i32
        %eq3A_1588 = arith.constant 0 : i32
        %eq3A_1589 = arith.cmpi eq, %jit3A_1587, %eq3A_1588 : i32
        %jit3A_1590 = arith.constant 1 : i32
        %select_n3A_1591 = arith.select %eq3A_1589, %jit3A_1590, %jit3A_1587 : i32
        %rem3A_1592 = arith.remsi %add3A_1494, %select_n3A_1591 : i32
        %ne3A_1593 = arith.constant 0 : i32
        %ne3A_1594 = arith.cmpi ne, %rem3A_1592, %ne3A_1593 : i32
        %lt3A_1595 = arith.constant 0 : i32
        %lt3A_1596 = arith.cmpi slt, %rem3A_1592, %lt3A_1595 : i32
        %lt3A_1597 = arith.constant 0 : i32
        %lt3A_1598 = arith.cmpi slt, %select_n3A_1591, %lt3A_1597 : i32
        %ne3A_1599 = arith.xori %lt3A_1596, %lt3A_1598 : i1
        %and3A_1600 = arith.andi %ne3A_1599, %ne3A_1594 : i1
        %add3A_1601 = arith.addi %rem3A_1592, %select_n3A_1591 : i32
        %select_n3A_1602 = arith.select %and3A_1600, %add3A_1601, %rem3A_1592 : i32
        %mul3A_1603 = arith.constant 64 : i32
        %mul3A_1604 = arith.muli %select_n3A_1602, %mul3A_1603 : i32
        %dma_start3A_1605 = arith.constant 7 : i32
        %dma_start3A_1606 = arith.constant 0 : i32
        %dma_start3A_1607 = arith.constant 0 : i32
        %dma_start3A_1608 = tpu.memref_slice %arg6[%dma_start3A_1605, %dma_start3A_1606, %dma_start3A_1607] : memref<10x64x128xf32, #tpu.memory_space<vmem>> -> memref<1x64x128xf32, #tpu.memory_space<vmem>>
        %dma_start3A_1609 = tpu.memref_squeeze %dma_start3A_1608 : memref<1x64x128xf32, #tpu.memory_space<vmem>> -> memref<64x128xf32, #tpu.memory_space<vmem>>
        %dma_start3A_1610 = tpu.memref_slice %arg5[%select_n3A_1586, %mul3A_1604] : memref<50x128xi32, #tpu.memory_space<vmem>> -> memref<1x64xi32, #tpu.memory_space<vmem>>
        %dma_start3A_1611 = tpu.memref_squeeze %dma_start3A_1610 : memref<1x64xi32, #tpu.memory_space<vmem>> -> memref<64xi32, #tpu.memory_space<vmem>>
        %dma_start3A_1612 = arith.constant 0 : i32
        %dma_start3A_1613 = arith.constant 0 : i32
        %dma_start3A_1614 = tpu.memref_slice %arg3[%dma_start3A_1612, %dma_start3A_1613] : memref<100000x128xf32, #tpu.memory_space<hbm>> -> memref<100000x128xf32, #tpu.memory_space<hbm>>
        tpu.enqueue_indirect_dma source(%dma_start3A_1614 : memref<100000x128xf32, #tpu.memory_space<hbm>>) target(%dma_start3A_1609 : memref<64x128xf32, #tpu.memory_space<vmem>>) offsets(%dma_start3A_1611 : memref<64xi32, #tpu.memory_space<vmem>>) semaphore(%arg14 : memref<!tpu.dma_semaphore, #tpu.memory_space<semaphore_mem>>)
      } else {
      }
    }
    %scan3A_101 = arith.constant 10 : i32
    %add3A_102 = arith.constant 0 : i32
    %add3A_103 = arith.addi %mul3A_2, %add3A_102 : i32
    %dma_wait3A = arith.constant 0 : i32
    %dma_wait3A_104 = arith.constant 45 : i32
    %dma_wait3A_105 = arith.constant 0 : i32
    %dma_wait3A_106 = arith.constant 0 : i32
    %dma_wait3A_107 = tpu.memref_slice %arg6[%dma_wait3A, %dma_wait3A_105, %dma_wait3A_106] : memref<10x64x128xf32, #tpu.memory_space<vmem>> -> memref<1x64x128xf32, #tpu.memory_space<vmem>>
    %dma_wait3A_108 = tpu.memref_squeeze %dma_wait3A_107 : memref<1x64x128xf32, #tpu.memory_space<vmem>> -> memref<64x128xf32, #tpu.memory_space<vmem>>
    %dma_wait3A_109 = arith.constant 0 : i32
    %dma_wait3A_110 = tpu.memref_slice %arg4[%dma_wait3A_104, %add3A_103, %dma_wait3A_109] : memref<50x4096x128xf32, #tpu.memory_space<hbm>> -> memref<1x64x128xf32, #tpu.memory_space<hbm>>
    %dma_wait3A_111 = tpu.memref_squeeze %dma_wait3A_110 : memref<1x64x128xf32, #tpu.memory_space<hbm>> -> memref<64x128xf32, #tpu.memory_space<hbm>>
    %dma_wait3A_112 = arith.constant 0 : i32
    %dma_wait3A_113 = tpu.memref_slice %arg4[%dma_wait3A_104, %add3A_103, %dma_wait3A_112] : memref<50x4096x128xf32, #tpu.memory_space<hbm>> -> memref<1x64x128xf32, #tpu.memory_space<hbm>>
    %dma_wait3A_114 = tpu.memref_squeeze %dma_wait3A_113 : memref<1x64x128xf32, #tpu.memory_space<hbm>> -> memref<64x128xf32, #tpu.memory_space<hbm>>
    %dma_wait3A_115 = arith.constant 0 : i32
    %dma_wait3A_116 = arith.constant 0 : i32
    %dma_wait3A_117 = tpu.memref_slice %arg6[%dma_wait3A, %dma_wait3A_115, %dma_wait3A_116] : memref<10x64x128xf32, #tpu.memory_space<vmem>> -> memref<1x64x128xf32, #tpu.memory_space<vmem>>
    %dma_wait3A_118 = tpu.memref_squeeze %dma_wait3A_117 : memref<1x64x128xf32, #tpu.memory_space<vmem>> -> memref<64x128xf32, #tpu.memory_space<vmem>>
    tpu.wait_dma2 semaphore(%arg17 : memref<!tpu.dma_semaphore, #tpu.memory_space<semaphore_mem>>) src(%dma_wait3A_118 : memref<64x128xf32, #tpu.memory_space<vmem>>) dst(%dma_wait3A_114 : memref<64x128xf32, #tpu.memory_space<hbm>>)
    %add3A_119 = arith.constant 64 : i32
    %add3A_120 = arith.addi %mul3A_2, %add3A_119 : i32
    %dma_wait3A_121 = arith.constant 1 : i32
    %dma_wait3A_122 = arith.constant 45 : i32
    %dma_wait3A_123 = arith.constant 0 : i32
    %dma_wait3A_124 = arith.constant 0 : i32
    %dma_wait3A_125 = tpu.memref_slice %arg6[%dma_wait3A_121, %dma_wait3A_123, %dma_wait3A_124] : memref<10x64x128xf32, #tpu.memory_space<vmem>> -> memref<1x64x128xf32, #tpu.memory_space<vmem>>
    %dma_wait3A_126 = tpu.memref_squeeze %dma_wait3A_125 : memref<1x64x128xf32, #tpu.memory_space<vmem>> -> memref<64x128xf32, #tpu.memory_space<vmem>>
    %dma_wait3A_127 = arith.constant 0 : i32
    %dma_wait3A_128 = tpu.memref_slice %arg4[%dma_wait3A_122, %add3A_120, %dma_wait3A_127] : memref<50x4096x128xf32, #tpu.memory_space<hbm>> -> memref<1x64x128xf32, #tpu.memory_space<hbm>>
    %dma_wait3A_129 = tpu.memref_squeeze %dma_wait3A_128 : memref<1x64x128xf32, #tpu.memory_space<hbm>> -> memref<64x128xf32, #tpu.memory_space<hbm>>
    %dma_wait3A_130 = arith.constant 0 : i32
    %dma_wait3A_131 = tpu.memref_slice %arg4[%dma_wait3A_122, %add3A_120, %dma_wait3A_130] : memref<50x4096x128xf32, #tpu.memory_space<hbm>> -> memref<1x64x128xf32, #tpu.memory_space<hbm>>
    %dma_wait3A_132 = tpu.memref_squeeze %dma_wait3A_131 : memref<1x64x128xf32, #tpu.memory_space<hbm>> -> memref<64x128xf32, #tpu.memory_space<hbm>>
    %dma_wait3A_133 = arith.constant 0 : i32
    %dma_wait3A_134 = arith.constant 0 : i32
    %dma_wait3A_135 = tpu.memref_slice %arg6[%dma_wait3A_121, %dma_wait3A_133, %dma_wait3A_134] : memref<10x64x128xf32, #tpu.memory_space<vmem>> -> memref<1x64x128xf32, #tpu.memory_space<vmem>>
    %dma_wait3A_136 = tpu.memref_squeeze %dma_wait3A_135 : memref<1x64x128xf32, #tpu.memory_space<vmem>> -> memref<64x128xf32, #tpu.memory_space<vmem>>
    tpu.wait_dma2 semaphore(%arg18 : memref<!tpu.dma_semaphore, #tpu.memory_space<semaphore_mem>>) src(%dma_wait3A_136 : memref<64x128xf32, #tpu.memory_space<vmem>>) dst(%dma_wait3A_132 : memref<64x128xf32, #tpu.memory_space<hbm>>)
    %add3A_137 = arith.constant 0 : i32
    %add3A_138 = arith.addi %mul3A_2, %add3A_137 : i32
    %dma_wait3A_139 = arith.constant 2 : i32
    %dma_wait3A_140 = arith.constant 46 : i32
    %dma_wait3A_141 = arith.constant 0 : i32
    %dma_wait3A_142 = arith.constant 0 : i32
    %dma_wait3A_143 = tpu.memref_slice %arg6[%dma_wait3A_139, %dma_wait3A_141, %dma_wait3A_142] : memref<10x64x128xf32, #tpu.memory_space<vmem>> -> memref<1x64x128xf32, #tpu.memory_space<vmem>>
    %dma_wait3A_144 = tpu.memref_squeeze %dma_wait3A_143 : memref<1x64x128xf32, #tpu.memory_space<vmem>> -> memref<64x128xf32, #tpu.memory_space<vmem>>
    %dma_wait3A_145 = arith.constant 0 : i32
    %dma_wait3A_146 = tpu.memref_slice %arg4[%dma_wait3A_140, %add3A_138, %dma_wait3A_145] : memref<50x4096x128xf32, #tpu.memory_space<hbm>> -> memref<1x64x128xf32, #tpu.memory_space<hbm>>
    %dma_wait3A_147 = tpu.memref_squeeze %dma_wait3A_146 : memref<1x64x128xf32, #tpu.memory_space<hbm>> -> memref<64x128xf32, #tpu.memory_space<hbm>>
    %dma_wait3A_148 = arith.constant 0 : i32
    %dma_wait3A_149 = tpu.memref_slice %arg4[%dma_wait3A_140, %add3A_138, %dma_wait3A_148] : memref<50x4096x128xf32, #tpu.memory_space<hbm>> -> memref<1x64x128xf32, #tpu.memory_space<hbm>>
    %dma_wait3A_150 = tpu.memref_squeeze %dma_wait3A_149 : memref<1x64x128xf32, #tpu.memory_space<hbm>> -> memref<64x128xf32, #tpu.memory_space<hbm>>
    %dma_wait3A_151 = arith.constant 0 : i32
    %dma_wait3A_152 = arith.constant 0 : i32
    %dma_wait3A_153 = tpu.memref_slice %arg6[%dma_wait3A_139, %dma_wait3A_151, %dma_wait3A_152] : memref<10x64x128xf32, #tpu.memory_space<vmem>> -> memref<1x64x128xf32, #tpu.memory_space<vmem>>
    %dma_wait3A_154 = tpu.memref_squeeze %dma_wait3A_153 : memref<1x64x128xf32, #tpu.memory_space<vmem>> -> memref<64x128xf32, #tpu.memory_space<vmem>>
    tpu.wait_dma2 semaphore(%arg19 : memref<!tpu.dma_semaphore, #tpu.memory_space<semaphore_mem>>) src(%dma_wait3A_154 : memref<64x128xf32, #tpu.memory_space<vmem>>) dst(%dma_wait3A_150 : memref<64x128xf32, #tpu.memory_space<hbm>>)
    %add3A_155 = arith.constant 64 : i32
    %add3A_156 = arith.addi %mul3A_2, %add3A_155 : i32
    %dma_wait3A_157 = arith.constant 3 : i32
    %dma_wait3A_158 = arith.constant 46 : i32
    %dma_wait3A_159 = arith.constant 0 : i32
    %dma_wait3A_160 = arith.constant 0 : i32
    %dma_wait3A_161 = tpu.memref_slice %arg6[%dma_wait3A_157, %dma_wait3A_159, %dma_wait3A_160] : memref<10x64x128xf32, #tpu.memory_space<vmem>> -> memref<1x64x128xf32, #tpu.memory_space<vmem>>
    %dma_wait3A_162 = tpu.memref_squeeze %dma_wait3A_161 : memref<1x64x128xf32, #tpu.memory_space<vmem>> -> memref<64x128xf32, #tpu.memory_space<vmem>>
    %dma_wait3A_163 = arith.constant 0 : i32
    %dma_wait3A_164 = tpu.memref_slice %arg4[%dma_wait3A_158, %add3A_156, %dma_wait3A_163] : memref<50x4096x128xf32, #tpu.memory_space<hbm>> -> memref<1x64x128xf32, #tpu.memory_space<hbm>>
    %dma_wait3A_165 = tpu.memref_squeeze %dma_wait3A_164 : memref<1x64x128xf32, #tpu.memory_space<hbm>> -> memref<64x128xf32, #tpu.memory_space<hbm>>
    %dma_wait3A_166 = arith.constant 0 : i32
    %dma_wait3A_167 = tpu.memref_slice %arg4[%dma_wait3A_158, %add3A_156, %dma_wait3A_166] : memref<50x4096x128xf32, #tpu.memory_space<hbm>> -> memref<1x64x128xf32, #tpu.memory_space<hbm>>
    %dma_wait3A_168 = tpu.memref_squeeze %dma_wait3A_167 : memref<1x64x128xf32, #tpu.memory_space<hbm>> -> memref<64x128xf32, #tpu.memory_space<hbm>>
    %dma_wait3A_169 = arith.constant 0 : i32
    %dma_wait3A_170 = arith.constant 0 : i32
    %dma_wait3A_171 = tpu.memref_slice %arg6[%dma_wait3A_157, %dma_wait3A_169, %dma_wait3A_170] : memref<10x64x128xf32, #tpu.memory_space<vmem>> -> memref<1x64x128xf32, #tpu.memory_space<vmem>>
    %dma_wait3A_172 = tpu.memref_squeeze %dma_wait3A_171 : memref<1x64x128xf32, #tpu.memory_space<vmem>> -> memref<64x128xf32, #tpu.memory_space<vmem>>
    tpu.wait_dma2 semaphore(%arg20 : memref<!tpu.dma_semaphore, #tpu.memory_space<semaphore_mem>>) src(%dma_wait3A_172 : memref<64x128xf32, #tpu.memory_space<vmem>>) dst(%dma_wait3A_168 : memref<64x128xf32, #tpu.memory_space<hbm>>)
    %add3A_173 = arith.constant 0 : i32
    %add3A_174 = arith.addi %mul3A_2, %add3A_173 : i32
    %dma_wait3A_175 = arith.constant 4 : i32
    %dma_wait3A_176 = arith.constant 47 : i32
    %dma_wait3A_177 = arith.constant 0 : i32
    %dma_wait3A_178 = arith.constant 0 : i32
    %dma_wait3A_179 = tpu.memref_slice %arg6[%dma_wait3A_175, %dma_wait3A_177, %dma_wait3A_178] : memref<10x64x128xf32, #tpu.memory_space<vmem>> -> memref<1x64x128xf32, #tpu.memory_space<vmem>>
    %dma_wait3A_180 = tpu.memref_squeeze %dma_wait3A_179 : memref<1x64x128xf32, #tpu.memory_space<vmem>> -> memref<64x128xf32, #tpu.memory_space<vmem>>
    %dma_wait3A_181 = arith.constant 0 : i32
    %dma_wait3A_182 = tpu.memref_slice %arg4[%dma_wait3A_176, %add3A_174, %dma_wait3A_181] : memref<50x4096x128xf32, #tpu.memory_space<hbm>> -> memref<1x64x128xf32, #tpu.memory_space<hbm>>
    %dma_wait3A_183 = tpu.memref_squeeze %dma_wait3A_182 : memref<1x64x128xf32, #tpu.memory_space<hbm>> -> memref<64x128xf32, #tpu.memory_space<hbm>>
    %dma_wait3A_184 = arith.constant 0 : i32
    %dma_wait3A_185 = tpu.memref_slice %arg4[%dma_wait3A_176, %add3A_174, %dma_wait3A_184] : memref<50x4096x128xf32, #tpu.memory_space<hbm>> -> memref<1x64x128xf32, #tpu.memory_space<hbm>>
    %dma_wait3A_186 = tpu.memref_squeeze %dma_wait3A_185 : memref<1x64x128xf32, #tpu.memory_space<hbm>> -> memref<64x128xf32, #tpu.memory_space<hbm>>
    %dma_wait3A_187 = arith.constant 0 : i32
    %dma_wait3A_188 = arith.constant 0 : i32
    %dma_wait3A_189 = tpu.memref_slice %arg6[%dma_wait3A_175, %dma_wait3A_187, %dma_wait3A_188] : memref<10x64x128xf32, #tpu.memory_space<vmem>> -> memref<1x64x128xf32, #tpu.memory_space<vmem>>
    %dma_wait3A_190 = tpu.memref_squeeze %dma_wait3A_189 : memref<1x64x128xf32, #tpu.memory_space<vmem>> -> memref<64x128xf32, #tpu.memory_space<vmem>>
    tpu.wait_dma2 semaphore(%arg21 : memref<!tpu.dma_semaphore, #tpu.memory_space<semaphore_mem>>) src(%dma_wait3A_190 : memref<64x128xf32, #tpu.memory_space<vmem>>) dst(%dma_wait3A_186 : memref<64x128xf32, #tpu.memory_space<hbm>>)
    %add3A_191 = arith.constant 64 : i32
    %add3A_192 = arith.addi %mul3A_2, %add3A_191 : i32
    %dma_wait3A_193 = arith.constant 5 : i32
    %dma_wait3A_194 = arith.constant 47 : i32
    %dma_wait3A_195 = arith.constant 0 : i32
    %dma_wait3A_196 = arith.constant 0 : i32
    %dma_wait3A_197 = tpu.memref_slice %arg6[%dma_wait3A_193, %dma_wait3A_195, %dma_wait3A_196] : memref<10x64x128xf32, #tpu.memory_space<vmem>> -> memref<1x64x128xf32, #tpu.memory_space<vmem>>
    %dma_wait3A_198 = tpu.memref_squeeze %dma_wait3A_197 : memref<1x64x128xf32, #tpu.memory_space<vmem>> -> memref<64x128xf32, #tpu.memory_space<vmem>>
    %dma_wait3A_199 = arith.constant 0 : i32
    %dma_wait3A_200 = tpu.memref_slice %arg4[%dma_wait3A_194, %add3A_192, %dma_wait3A_199] : memref<50x4096x128xf32, #tpu.memory_space<hbm>> -> memref<1x64x128xf32, #tpu.memory_space<hbm>>
    %dma_wait3A_201 = tpu.memref_squeeze %dma_wait3A_200 : memref<1x64x128xf32, #tpu.memory_space<hbm>> -> memref<64x128xf32, #tpu.memory_space<hbm>>
    %dma_wait3A_202 = arith.constant 0 : i32
    %dma_wait3A_203 = tpu.memref_slice %arg4[%dma_wait3A_194, %add3A_192, %dma_wait3A_202] : memref<50x4096x128xf32, #tpu.memory_space<hbm>> -> memref<1x64x128xf32, #tpu.memory_space<hbm>>
    %dma_wait3A_204 = tpu.memref_squeeze %dma_wait3A_203 : memref<1x64x128xf32, #tpu.memory_space<hbm>> -> memref<64x128xf32, #tpu.memory_space<hbm>>
    %dma_wait3A_205 = arith.constant 0 : i32
    %dma_wait3A_206 = arith.constant 0 : i32
    %dma_wait3A_207 = tpu.memref_slice %arg6[%dma_wait3A_193, %dma_wait3A_205, %dma_wait3A_206] : memref<10x64x128xf32, #tpu.memory_space<vmem>> -> memref<1x64x128xf32, #tpu.memory_space<vmem>>
    %dma_wait3A_208 = tpu.memref_squeeze %dma_wait3A_207 : memref<1x64x128xf32, #tpu.memory_space<vmem>> -> memref<64x128xf32, #tpu.memory_space<vmem>>
    tpu.wait_dma2 semaphore(%arg22 : memref<!tpu.dma_semaphore, #tpu.memory_space<semaphore_mem>>) src(%dma_wait3A_208 : memref<64x128xf32, #tpu.memory_space<vmem>>) dst(%dma_wait3A_204 : memref<64x128xf32, #tpu.memory_space<hbm>>)
    %add3A_209 = arith.constant 0 : i32
    %add3A_210 = arith.addi %mul3A_2, %add3A_209 : i32
    %dma_wait3A_211 = arith.constant 6 : i32
    %dma_wait3A_212 = arith.constant 48 : i32
    %dma_wait3A_213 = arith.constant 0 : i32
    %dma_wait3A_214 = arith.constant 0 : i32
    %dma_wait3A_215 = tpu.memref_slice %arg6[%dma_wait3A_211, %dma_wait3A_213, %dma_wait3A_214] : memref<10x64x128xf32, #tpu.memory_space<vmem>> -> memref<1x64x128xf32, #tpu.memory_space<vmem>>
    %dma_wait3A_216 = tpu.memref_squeeze %dma_wait3A_215 : memref<1x64x128xf32, #tpu.memory_space<vmem>> -> memref<64x128xf32, #tpu.memory_space<vmem>>
    %dma_wait3A_217 = arith.constant 0 : i32
    %dma_wait3A_218 = tpu.memref_slice %arg4[%dma_wait3A_212, %add3A_210, %dma_wait3A_217] : memref<50x4096x128xf32, #tpu.memory_space<hbm>> -> memref<1x64x128xf32, #tpu.memory_space<hbm>>
    %dma_wait3A_219 = tpu.memref_squeeze %dma_wait3A_218 : memref<1x64x128xf32, #tpu.memory_space<hbm>> -> memref<64x128xf32, #tpu.memory_space<hbm>>
    %dma_wait3A_220 = arith.constant 0 : i32
    %dma_wait3A_221 = tpu.memref_slice %arg4[%dma_wait3A_212, %add3A_210, %dma_wait3A_220] : memref<50x4096x128xf32, #tpu.memory_space<hbm>> -> memref<1x64x128xf32, #tpu.memory_space<hbm>>
    %dma_wait3A_222 = tpu.memref_squeeze %dma_wait3A_221 : memref<1x64x128xf32, #tpu.memory_space<hbm>> -> memref<64x128xf32, #tpu.memory_space<hbm>>
    %dma_wait3A_223 = arith.constant 0 : i32
    %dma_wait3A_224 = arith.constant 0 : i32
    %dma_wait3A_225 = tpu.memref_slice %arg6[%dma_wait3A_211, %dma_wait3A_223, %dma_wait3A_224] : memref<10x64x128xf32, #tpu.memory_space<vmem>> -> memref<1x64x128xf32, #tpu.memory_space<vmem>>
    %dma_wait3A_226 = tpu.memref_squeeze %dma_wait3A_225 : memref<1x64x128xf32, #tpu.memory_space<vmem>> -> memref<64x128xf32, #tpu.memory_space<vmem>>
    tpu.wait_dma2 semaphore(%arg23 : memref<!tpu.dma_semaphore, #tpu.memory_space<semaphore_mem>>) src(%dma_wait3A_226 : memref<64x128xf32, #tpu.memory_space<vmem>>) dst(%dma_wait3A_222 : memref<64x128xf32, #tpu.memory_space<hbm>>)
    %add3A_227 = arith.constant 64 : i32
    %add3A_228 = arith.addi %mul3A_2, %add3A_227 : i32
    %dma_wait3A_229 = arith.constant 7 : i32
    %dma_wait3A_230 = arith.constant 48 : i32
    %dma_wait3A_231 = arith.constant 0 : i32
    %dma_wait3A_232 = arith.constant 0 : i32
    %dma_wait3A_233 = tpu.memref_slice %arg6[%dma_wait3A_229, %dma_wait3A_231, %dma_wait3A_232] : memref<10x64x128xf32, #tpu.memory_space<vmem>> -> memref<1x64x128xf32, #tpu.memory_space<vmem>>
    %dma_wait3A_234 = tpu.memref_squeeze %dma_wait3A_233 : memref<1x64x128xf32, #tpu.memory_space<vmem>> -> memref<64x128xf32, #tpu.memory_space<vmem>>
    %dma_wait3A_235 = arith.constant 0 : i32
    %dma_wait3A_236 = tpu.memref_slice %arg4[%dma_wait3A_230, %add3A_228, %dma_wait3A_235] : memref<50x4096x128xf32, #tpu.memory_space<hbm>> -> memref<1x64x128xf32, #tpu.memory_space<hbm>>
    %dma_wait3A_237 = tpu.memref_squeeze %dma_wait3A_236 : memref<1x64x128xf32, #tpu.memory_space<hbm>> -> memref<64x128xf32, #tpu.memory_space<hbm>>
    %dma_wait3A_238 = arith.constant 0 : i32
    %dma_wait3A_239 = tpu.memref_slice %arg4[%dma_wait3A_230, %add3A_228, %dma_wait3A_238] : memref<50x4096x128xf32, #tpu.memory_space<hbm>> -> memref<1x64x128xf32, #tpu.memory_space<hbm>>
    %dma_wait3A_240 = tpu.memref_squeeze %dma_wait3A_239 : memref<1x64x128xf32, #tpu.memory_space<hbm>> -> memref<64x128xf32, #tpu.memory_space<hbm>>
    %dma_wait3A_241 = arith.constant 0 : i32
    %dma_wait3A_242 = arith.constant 0 : i32
    %dma_wait3A_243 = tpu.memref_slice %arg6[%dma_wait3A_229, %dma_wait3A_241, %dma_wait3A_242] : memref<10x64x128xf32, #tpu.memory_space<vmem>> -> memref<1x64x128xf32, #tpu.memory_space<vmem>>
    %dma_wait3A_244 = tpu.memref_squeeze %dma_wait3A_243 : memref<1x64x128xf32, #tpu.memory_space<vmem>> -> memref<64x128xf32, #tpu.memory_space<vmem>>
    tpu.wait_dma2 semaphore(%arg24 : memref<!tpu.dma_semaphore, #tpu.memory_space<semaphore_mem>>) src(%dma_wait3A_244 : memref<64x128xf32, #tpu.memory_space<vmem>>) dst(%dma_wait3A_240 : memref<64x128xf32, #tpu.memory_space<hbm>>)
    %add3A_245 = arith.constant 0 : i32
    %add3A_246 = arith.addi %mul3A_2, %add3A_245 : i32
    %dma_wait3A_247 = arith.constant 8 : i32
    %dma_wait3A_248 = arith.constant 49 : i32
    %dma_wait3A_249 = arith.constant 0 : i32
    %dma_wait3A_250 = arith.constant 0 : i32
    %dma_wait3A_251 = tpu.memref_slice %arg6[%dma_wait3A_247, %dma_wait3A_249, %dma_wait3A_250] : memref<10x64x128xf32, #tpu.memory_space<vmem>> -> memref<1x64x128xf32, #tpu.memory_space<vmem>>
    %dma_wait3A_252 = tpu.memref_squeeze %dma_wait3A_251 : memref<1x64x128xf32, #tpu.memory_space<vmem>> -> memref<64x128xf32, #tpu.memory_space<vmem>>
    %dma_wait3A_253 = arith.constant 0 : i32
    %dma_wait3A_254 = tpu.memref_slice %arg4[%dma_wait3A_248, %add3A_246, %dma_wait3A_253] : memref<50x4096x128xf32, #tpu.memory_space<hbm>> -> memref<1x64x128xf32, #tpu.memory_space<hbm>>
    %dma_wait3A_255 = tpu.memref_squeeze %dma_wait3A_254 : memref<1x64x128xf32, #tpu.memory_space<hbm>> -> memref<64x128xf32, #tpu.memory_space<hbm>>
    %dma_wait3A_256 = arith.constant 0 : i32
    %dma_wait3A_257 = tpu.memref_slice %arg4[%dma_wait3A_248, %add3A_246, %dma_wait3A_256] : memref<50x4096x128xf32, #tpu.memory_space<hbm>> -> memref<1x64x128xf32, #tpu.memory_space<hbm>>
    %dma_wait3A_258 = tpu.memref_squeeze %dma_wait3A_257 : memref<1x64x128xf32, #tpu.memory_space<hbm>> -> memref<64x128xf32, #tpu.memory_space<hbm>>
    %dma_wait3A_259 = arith.constant 0 : i32
    %dma_wait3A_260 = arith.constant 0 : i32
    %dma_wait3A_261 = tpu.memref_slice %arg6[%dma_wait3A_247, %dma_wait3A_259, %dma_wait3A_260] : memref<10x64x128xf32, #tpu.memory_space<vmem>> -> memref<1x64x128xf32, #tpu.memory_space<vmem>>
    %dma_wait3A_262 = tpu.memref_squeeze %dma_wait3A_261 : memref<1x64x128xf32, #tpu.memory_space<vmem>> -> memref<64x128xf32, #tpu.memory_space<vmem>>
    tpu.wait_dma2 semaphore(%arg25 : memref<!tpu.dma_semaphore, #tpu.memory_space<semaphore_mem>>) src(%dma_wait3A_262 : memref<64x128xf32, #tpu.memory_space<vmem>>) dst(%dma_wait3A_258 : memref<64x128xf32, #tpu.memory_space<hbm>>)
    %add3A_263 = arith.constant 64 : i32
    %add3A_264 = arith.addi %mul3A_2, %add3A_263 : i32
    %dma_wait3A_265 = arith.constant 9 : i32
    %dma_wait3A_266 = arith.constant 49 : i32
    %dma_wait3A_267 = arith.constant 0 : i32
    %dma_wait3A_268 = arith.constant 0 : i32
    %dma_wait3A_269 = tpu.memref_slice %arg6[%dma_wait3A_265, %dma_wait3A_267, %dma_wait3A_268] : memref<10x64x128xf32, #tpu.memory_space<vmem>> -> memref<1x64x128xf32, #tpu.memory_space<vmem>>
    %dma_wait3A_270 = tpu.memref_squeeze %dma_wait3A_269 : memref<1x64x128xf32, #tpu.memory_space<vmem>> -> memref<64x128xf32, #tpu.memory_space<vmem>>
    %dma_wait3A_271 = arith.constant 0 : i32
    %dma_wait3A_272 = tpu.memref_slice %arg4[%dma_wait3A_266, %add3A_264, %dma_wait3A_271] : memref<50x4096x128xf32, #tpu.memory_space<hbm>> -> memref<1x64x128xf32, #tpu.memory_space<hbm>>
    %dma_wait3A_273 = tpu.memref_squeeze %dma_wait3A_272 : memref<1x64x128xf32, #tpu.memory_space<hbm>> -> memref<64x128xf32, #tpu.memory_space<hbm>>
    %dma_wait3A_274 = arith.constant 0 : i32
    %dma_wait3A_275 = tpu.memref_slice %arg4[%dma_wait3A_266, %add3A_264, %dma_wait3A_274] : memref<50x4096x128xf32, #tpu.memory_space<hbm>> -> memref<1x64x128xf32, #tpu.memory_space<hbm>>
    %dma_wait3A_276 = tpu.memref_squeeze %dma_wait3A_275 : memref<1x64x128xf32, #tpu.memory_space<hbm>> -> memref<64x128xf32, #tpu.memory_space<hbm>>
    %dma_wait3A_277 = arith.constant 0 : i32
    %dma_wait3A_278 = arith.constant 0 : i32
    %dma_wait3A_279 = tpu.memref_slice %arg6[%dma_wait3A_265, %dma_wait3A_277, %dma_wait3A_278] : memref<10x64x128xf32, #tpu.memory_space<vmem>> -> memref<1x64x128xf32, #tpu.memory_space<vmem>>
    %dma_wait3A_280 = tpu.memref_squeeze %dma_wait3A_279 : memref<1x64x128xf32, #tpu.memory_space<vmem>> -> memref<64x128xf32, #tpu.memory_space<vmem>>
    tpu.wait_dma2 semaphore(%arg26 : memref<!tpu.dma_semaphore, #tpu.memory_space<semaphore_mem>>) src(%dma_wait3A_280 : memref<64x128xf32, #tpu.memory_space<vmem>>) dst(%dma_wait3A_276 : memref<64x128xf32, #tpu.memory_space<hbm>>)
    return
  }
}

</mosaic_0001>

<sc_bundles>
// kernel: kernel.3.cloned.1.call-start
scs
__scs_entry_jumppad:
0x0: {  	(pc) =	sbr.rel $0x88, $3  }
0x1: {  	(tag) =	ssettag $0x0;
	lr =	simm.s32 $0x1  }
0x2: {  	[smem:$0x3F9F] =	sst lr;
	_ =	strace $0xD0000000  }
0x3: {  	_ = 	snop  }
0x4: {  	_ = 	snop  }
0x5: {  	_ = 	snop  }
0x6: {  	_ = 	snop  }
0x7: {  	_ = 	snop  }
__scs_overlays_trampoline_lowered:
0x8: {  	[smem:$0x3FAE] =	sst s0  }
0x9: {  	[smem:$0x3FAF] =	sst s1  }
0xa: {  	[smem:$0x3FB0] =	sst s2  }
0xb: {  	[smem:$0x3FB1] =	sst s3  }
0xc: {  	[smem:$0x3FB2] =	sst s4  }
0xd: {  	[smem:$0x3FB3] =	sst s5  }
0xe: {  	[smem:$0x3FB4] =	sst s6  }
0xf: {  	[smem:$0x3FB5] =	sst s7  }
0x10: {  	[smem:$0x3FB6] =	sst s8  }
0x11: {  	[smem:$0x3FB7] =	sst s9;
	s0 =	simm.s32 @!p0 $0x0  }
0x12: {  	s1 =	sld [smem:$0x3F9D];
	s0 =	simm.s32 @p0 $0x1  }
0x13: {  	[smem:$0x3FB8] =	sst s0;
	s0 =	simm.s32 @!p1 $0x0  }
0x14: {  	s2 =	sld [smem:$0x3F9C];
	s0 =	simm.s32 @p1 $0x1  }
0x15: {  	[smem:$0x3FB9] =	sst s0;
	s0 =	simm.s32 @!p2 $0x0  }
0x16: {  	s3 =	sld [smem:$0x3FDB];
	s0 =	simm.s32 @p2 $0x1  }
0x17: {  	s4 =	simm.s32 $0x1BF5;
	[smem:$0x3FBB] =	sst s0  }
0x18: {  	s0 =	sld [smem:$0x3F9E];
	_ =	swait.ge [sflag:s4], $0x0  }
0x19: {  	s7 =	sld [smem:$0x3F9F]  }
0x1a: {  	s8 =	sadd.s32 $0xFFFFE003, lr  }
0x1b: {  	s9 =	sadd.s32 $0xFFFFFEF7, lr;
	s5 =	simm.s32 $0xFFFFFFFF;
	p2 =	slt.u32 s8, $0xFFFFF086  }
0x1c: {  	p1 =	slt.u32 s9, $0xF7A;
	s5 =	simm.s32 @!p2 $0x0  }
0x1d: {  	s5 =	simm.s32 @p1 $0x1;
	p0 =	seq.s32 s7, s2  }
0x1e: {  	s7 =	smul.u32 @!p0 $0xF7A, s2;
	p2 =	seq.s32 @!p0 s5, $0x0  }
0x1f: {  	s9 =	smul.u32 $0xF7A, s1;
	s8 =	simm.s32 @!p0 $0x1BF5;
	p2 =	por !p2, p0  }
0x20: {  	[sflag:s8] =	ssyncset.s32 @!p0 $0xFFFFF086;
	s6 =	sadd.s32 @!p0 s3, s7;
	s7 =	simm.s32 @!p0 $0x108  }
0x21: {  	s3 =	sadd.s32 s3, s9;
	s6 =	sadd.s32 @!p0 $0x88, s6;
	s7 =	simm.s32 @p2 $0x1082  }
0x22: {  	[simem:s7], [sflag:s8] =	dma.local @!p0 [hbm:s6], $0xF7A  }
0x23: {  	s9 =	sor.u32 $0xD0000000, s2;
	s6 =	simm.s32 $0x108;
	_ =	swait.ge @!p0 [sflag:s8], $0x0  }
0x24: {  	s3 =	sadd.s32 $0x88, s3;
	s6 =	simm.s32 @!p1 $0x1082;
	[sflag:s4] =	ssyncset.s32 $0xFFFFF086  }
0x25: {  	[simem:s6], [sflag:s4] =	dma.local [hbm:s3], $0xF7A  }
0x26: {  	[smem:$0x3F9F] =	sst s1;
	(tag) =	ssettag s2;
	_ =	strace s9  }
0x27: {  	s1 =	sld [smem:$0x3FAF]  }
0x28: {  	s2 =	sld [smem:$0x3FB0]  }
0x29: {  	s4 =	sld [smem:$0x3FB2]  }
0x2a: {  	p0 =	seq.s32 s5, $0x0;
	s5 =	sld [smem:$0x3FB3]  }
0x2b: {  	s6 =	sld [smem:$0x3FB4]  }
0x2c: {  	s7 =	sld [smem:$0x3FB5]  }
0x2d: {  	s3 =	simm.s32 $0x108;
	s8 =	sld [smem:$0x3FB6]  }
0x2e: {  	s3 =	simm.s32 @!p0 $0x1082;
	s9 =	sld [smem:$0x3FB7]  }
0x2f: {  	lr =	sadd.s32 s0, s3;
	s0 =	sld [smem:$0x3FAE]  }
0x30: {  	s3 =	sld [smem:$0x3FB1]  }
0x31: {  	[smem:$0x3FBA] =	sst s10  }
0x32: {  	s10 =	sld [smem:$0x3FB8];
	_ =	sdelay $0x3  }
0x33: {  	p0 =	seq.s32 s10, $0x1;
	s10 =	sld [smem:$0x3FBA];
	_ =	sdelay $0x3  }
0x34: {  	[smem:$0x3FBA] =	sst s10  }
0x35: {  	s10 =	sld [smem:$0x3FB9];
	_ =	sdelay $0x3  }
0x36: {  	p1 =	seq.s32 s10, $0x1;
	s10 =	sld [smem:$0x3FBA];
	_ =	sdelay $0x3  }
0x37: {  	[smem:$0x3FBA] =	sst s10  }
0x38: {  	s10 =	sld [smem:$0x3FBB]  }
0x39: {  	_ = 	snop;
	(pc) =	sbr.ind lr, $3  }
0x3a: {  	_ = 	snop  }
0x3b: {  	_ = 	snop  }
0x3c: {  	p2 =	seq.s32 s10, $0x1;
	s10 =	sld [smem:$0x3FBA]  }
0x3d: {  	_ =	shalt  }
0x3e: {  	_ =	shalt  }
0x3f: {  	_ =	shalt  }
0x40: {  	_ =	shalt  }
0x41: {  	_ =	shalt  }
0x42: {  	_ =	shalt  }
0x43: {  	_ =	shalt  }
0x44: {  	_ =	shalt  }
0x45: {  	_ =	shalt  }
0x46: {  	_ =	shalt  }
0x47: {  	_ =	shalt  }
0x48: {  	_ =	shalt  }
0x49: {  	_ =	shalt  }
0x4a: {  	_ =	shalt  }
0x4b: {  	_ =	shalt  }
0x4c: {  	_ =	shalt  }
0x4d: {  	_ =	shalt  }
0x4e: {  	_ =	shalt  }
0x4f: {  	_ =	shalt  }
0x50: {  	_ =	shalt  }
0x51: {  	_ =	shalt  }
0x52: {  	_ =	shalt  }
0x53: {  	_ =	shalt  }
0x54: {  	_ =	shalt  }
0x55: {  	_ =	shalt  }
0x56: {  	_ =	shalt  }
0x57: {  	_ =	shalt  }
0x58: {  	_ =	shalt  }
0x59: {  	_ =	shalt  }
0x5a: {  	_ =	shalt  }
0x5b: {  	_ =	shalt  }
0x5c: {  	_ =	shalt  }
0x5d: {  	_ =	shalt  }
0x5e: {  	_ =	shalt  }
0x5f: {  	_ =	shalt  }
0x60: {  	_ =	shalt  }
0x61: {  	_ =	shalt  }
0x62: {  	_ =	shalt  }
0x63: {  	_ =	shalt  }
0x64: {  	_ =	shalt  }
0x65: {  	_ =	shalt  }
0x66: {  	_ =	shalt  }
0x67: {  	_ =	shalt  }
0x68: {  	_ =	shalt  }
0x69: {  	_ =	shalt  }
0x6a: {  	_ =	shalt  }
0x6b: {  	_ =	shalt  }
0x6c: {  	_ =	shalt  }
0x6d: {  	_ =	shalt  }
0x6e: {  	_ =	shalt  }
0x6f: {  	_ =	shalt  }
0x70: {  	_ =	shalt  }
0x71: {  	_ =	shalt  }
0x72: {  	_ =	shalt  }
0x73: {  	_ =	shalt  }
0x74: {  	_ =	shalt  }
0x75: {  	_ =	shalt  }
0x76: {  	_ =	shalt  }
0x77: {  	_ =	shalt  }
0x78: {  	_ =	shalt  }
0x79: {  	_ =	shalt  }
0x7a: {  	_ =	shalt  }
0x7b: {  	_ =	shalt  }
0x7c: {  	_ =	shalt  }
0x7d: {  	_ =	shalt  }
0x7e: {  	_ =	shalt  }
0x7f: {  	_ =	shalt  }
0x80: {  	_ =	shalt  }
0x81: {  	_ =	shalt  }
0x82: {  	_ =	shalt  }
0x83: {  	_ =	shalt  }
0x84: {  	_ =	shalt  }
0x85: {  	_ =	shalt  }
0x86: {  	_ =	shalt  }
0x87: {  	_ =	shalt  }
.Lfunc_end0:
.L_simem_size_0:
called_computation_lowered:
.L_overlay_start_0:
0x88: {  	s2 =	sld [smem:$0x3FD9]  }
0x89: {  	s3 =	sld [smem:$0x3FFE];
	_ =	sdelay $0x1  }
0x8a: {  	s1 =	srdreg.scid  }
0x8b: {  	s0 =	sand.u32 $0x1, s1  }
0x8c: {  	s18 =	sshll.u32 s0, $0xA;
	s2 =	sadd.s32 s3, s2  }
0x8d: {  	s2 =	sadd.s32 s2, s18  }
0x8e: {  	[smem:$0x3FC6] =	sst s2  }
0x8f: {  	_ = 	snop  }
0x90: {  	s2 =	sld [smem:$0x3FC9]  }
0x91: {  	s19 =	sld [smem:$0x3FC8]  }
0x92: {  	s4 =	sld [smem:$0x3FD0];
	(tm) =	ssettm $0x1  }
0x93: {  	s5 =	sld [smem:$0x3FFB];
	_ =	sdelay $0x3  }
0x94: {  	_ =	strace s5  }
0x95: {  	s5 =	sld [smem:$0x3FFC];
	_ =	sdelay $0x3  }
0x96: {  	_ =	strace s5  }
0x97: {  	s5 =	sld [smem:$0x3FFD];
	_ =	sdelay $0x3  }
0x98: {  	_ =	strace s5  }
0x99: {  	_ =	strace $0x8FFFFFFF  }
0x9a: {  	s20 =	sld [smem:$0x3FDB];
	_ =	sdelay $0x1  }
0x9b: {  	s6 =	simm.s32 $_scs_section_size  }
0x9c: {  	s7 =	simm.s32 $_size__tile_overlayer_lowered;
	s8 =	simm.s32 $_tile_overlayer_lowered  }
0x9d: {  	s23 =	simm.s32 $0x1BFF;
	s22 =	sshll.u32 s8, $0x1;
	s5 =	sadd.s32 s6, s20  }
0x9e: {  	s9 =	simm.s32 $0x0;
	s21 =	sshll.u32 s7, $0x1;
	s7 =	sadd.s32 s22, s5  }
0x9f: {  	[timem:s9], [sflag:s23] =	dma.local [hbm:s7], s21  }
0xa0: {  	_ =	swait.ge [sflag:s23], s21  }
0xa1: {  	s6 =	ssub.s32 $0x0, s21;
	[sflag:s23] =	ssyncset.done $0x0  }
0xa2: {  	[sflag:s23] =	ssyncadd.s32 s6;
	_ =	sdelay $0x1  }
0xa3: {  	s24 =	simm.s32 $0x1B8B  }
0xa4: {  	_ =	swait.ge [sflag:s24], $0x1  }
0xa5: {  	[sflag:s24] =	ssyncset.done $0x0  }
0xa6: {  	s25 =	simm.s32 $0x1B8E;
	[sflag:s24] =	ssyncadd.s32 $0xFFFFFFFF  }
0xa7: {  	s26 =	simm.s32 $execute0_lowered;
	[smem:$0x3FD2] =	sst s25  }
0xa8: {  	s6 =	sshll.u32 s26, $0x1;
	_ =	strace $0x80000046;
	[dreg:$0x1] =	wrdreg $0xFFFFFFFF  }
0xa9: {  	s28 =	simm.s32 $_size_execute0_lowered;
	s5 =	sadd.s32 s5, s6;
	[dreg:$0x0] =	wrdreg $0x0  }
0xaa: {  	s6 =	sshll.u32 s28, $0x1;
	[dreg:$0x2] =	wrdreg s5  }
0xab: {  	[dreg:$0x3] =	wrdreg s6  }
0xac: {  	[dreg:$0x4] =	wrdreg $0xC0  }
0xad: {  	_ =	task [dreg:s9], $0x5FFFF  }
0xae: {  	[dreg:$0x1] =	wrdreg $0xFFFFFFFF  }
0xaf: {  	[dreg:$0x0] =	wrdreg $0x60  }
0xb0: {  	[dreg:$0x2] =	wrdreg s2  }
0xb1: {  	[dreg:$0x3] =	wrdreg s19  }
0xb2: {  	[dreg:$0x4] =	wrdreg s4  }
0xb3: {  	[dreg:$0x5] =	wrdreg $0x9  }
0xb4: {  	_ =	task.clear_ibuf [dreg:s9], $0x6FFFF;
	_ =	strace $0x90000046  }
0xb5: {  	s29 =	simm.s32 $0x9;
	_ =	strace $0x80000048  }
0xb6: {  	_ =	swait.ge [sflag:s29], $0x1  }
0xb7: {  	[sflag:s29] =	ssyncadd.s32 $0xFFFFFFFF  }
0xb8: {  	_ =	strace $0x90000048  }
0xb9: {  	_ =	sfence  }
0xba: {  	s30 =	sld [smem:$0x0];
	_ =	sdelay $0x2  }
0xbb: {  	s31 =	sshll.u32 s1, $0xD;
	s1 =	sshrl.u32 s1, $0x2  }
0xbc: {  	s3 =	sand.u32 $0x4000, s31;
	s1 =	sadd.s32 s1, s30  }
0xbd: {  	s0 =	sor.u32 s3, s0;
	s1 =	sshll.u32 s1, $0x11  }
0xbe: {  	s0 =	sor.u32 s1, s0  }
0xbf: {  	s0 =	sadd.s32 $0x8F2B, s0  }
0xc0: {  	[sflag:s0] =	ssyncadd.remote.s32 $0x1  }
0xc1: {  	_ =	sfence.sel $0xFFFF  }
0xc2: {  	[dreg:$0x0] =	wrdreg $0xFFFFFFFF;
	(pc) =	sbr.abs _section_cstart, $3  }
0xc3: {  	[dreg:$0x1] =	wrdreg $0xFFFFFFFF  }
0xc4: {  	_ =	task.clear_ibuf [dreg:s9], $0x2FFFF;
	_ =	strace $0x9FFFFFFF  }
0xc5: {  	(tm) =	ssettm $0x7FFFFFFF  }
tec
execute0_lowered:
.L_overlay_start_1:
0x0: {  	(tag) =	ssettag $0x1  }
0x1: {  	s0 =	rddreg [dreg:$0x0]  }
0x2: {  	s2 =	rddreg [dreg:$0x1]  }
0x3: {  	s8 =	rddreg [dreg:$0x2]  }
0x4: {  	s1 =	srdreg.scid;
	s7 =	stileid.u32;
	s4 =	simm.s32 $0x0  }
0x5: {  	s28 =	simm.s32 $0x2;
	s29 =	simm.s32 $0x3;
	s30 =	simm.s32 $0x5  }
0x6: {  	s1 =	sand.u32 $0x1, s1;
	s3 =	sshll.u32 s7, $0x8;
	[smem:$0x7FF] =	sst s4  }
0x7: {  	s17 =	sshll.u32 s7, $0xF;
	s31 =	sshll.u32 s7, $0xC;
	s7 =	simm.s32 $0x0  }
0x8: {  	s5 =	sshll.u32 s1, $0x7;
	s6 =	ssub.s32 $0x2, s1;
	_ =	strace $0x80000047  }
0x9: {  	s18 =	sshll.u32 s1, $0xE;
	s1 =	sshll.u32 s1, $0xB;
	s3 =	sor.u32 s5, s3  }
0xa: {  	s14 =	sshrl.u32 s6, $0x1;
	s20 =	sor.u32 s18, s17;
	s17 =	sor.u32 s1, s31  }
0xb: {  	s18 =	simm.s32 $0xDC00;
	s1 =	simm.s32 $0x9;
	s9 =	sadd.s32 s0, s3  }
0xc: {  	s15 =	ssub.s32 s6, s14;
	s3 =	sshll.u32 s3, $0x4;
	s21 =	sor.u32 $0x182000, s20  }
0xd: {  	s5 =	sor.u32 $0x180000, s20;
	s6 =	sor.u32 $0x102000, s20;
	s23 =	sor.u32 $0x100000, s20  }
0xe: {  	s24 =	sor.u32 $0x82000, s20;
	s25 =	sor.u32 $0x80000, s20;
	s26 =	sor.u32 $0x2000, s20  }
0xf: {  	[dreg:$0x4] =	wrdreg s9;
	s16 =	sadd.s32 $0x6000, s9;
	s3 =	sadd.s32 s3, s8  }
0x10: {  	s0 =	smax.u32 s15, $0x1;
	s9 =	sshrl.u32 s21, $0x3;
	s22 =	sshrl.u32 s5, $0x3  }
0x11: {  	s11 =	sshrl.u32 s6, $0x3;
	s12 =	sshrl.u32 s23, $0x3;
	s13 =	sshrl.u32 s24, $0x3  }
.Ltmp0:
0x12: {  	s14 =	sshrl.u32 s25, $0x3;
	s15 =	sshrl.u32 s26, $0x3;
	(pc) =	sbr.rel .LBB2_1-.Ltmp0, $4  }
0x13: {  	s25 =	simm.s32 $0x1;
	s5 =	simm.s32 $0x11;
	[dreg:$0x5] =	wrdreg s16  }
0x14: {  	s21 =	simm.s32 $0x12;
	[dreg:$0x6] =	wrdreg s0;
	s19 =	sadd.s32 $0x310400, s3  }
0x15: {  	[dreg:$0x8] =	wrdreg s22;
	s16 =	sshrl.u32 s20, $0x3;
	s22 =	simm.s32 $0x40  }
0x16: {  	s0 =	simm.s32 $0x7;
	[dreg:$0x7] =	wrdreg s19;
	s19 =	simm.s32 $0xA  }
.LBB2_4:
0x17: {  	_ =	swait.ge [sflag:s19], $0x2000  }
0x18: {  	[sflag:s19] =	ssyncset.done $0x0  }
0x19: {  	s6 =	simm.s32 $0x13C00;
	s3 =	rddreg [dreg:$0x7];
	[sflag:s19] =	ssyncadd.s32 $0xFFFFE000  }
0x1a: {  	[hbm4b:s3+s4] =	stream.linear.scatter [tilespmem:s6], [sflag:$0x14], $0x2000, $0x38;
	[tilespmem:$0x15C00] =	vst v63  }
0x1b: {  	s6 =	simm.s32 $0xB  }
0x1c: {  	_ =	swait.ge [sflag:s6], $0x2000  }
0x1d: {  	[sflag:s6] =	ssyncset.done $0x0  }
0x1e: {  	s7 =	simm.s32 $0xC;
	[sflag:s6] =	ssyncadd.s32 $0xFFFFE000  }
0x1f: {  	_ =	swait.ge [sflag:s7], $0x2000  }
0x20: {  	[sflag:s7] =	ssyncset.done $0x0  }
0x21: {  	s8 =	simm.s32 $0xD;
	[sflag:s7] =	ssyncadd.s32 $0xFFFFE000  }
0x22: {  	_ =	swait.ge [sflag:s8], $0x2000  }
0x23: {  	[sflag:s8] =	ssyncset.done $0x0  }
0x24: {  	s10 =	simm.s32 $0xE;
	[sflag:s8] =	ssyncadd.s32 $0xFFFFE000  }
0x25: {  	_ =	swait.ge [sflag:s10], $0x2000  }
0x26: {  	[sflag:s10] =	ssyncset.done $0x0  }
0x27: {  	s20 =	simm.s32 $0xF;
	[sflag:s10] =	ssyncadd.s32 $0xFFFFE000  }
0x28: {  	_ =	swait.ge [sflag:s20], $0x2000  }
0x29: {  	[sflag:s20] =	ssyncset.done $0x0  }
0x2a: {  	s23 =	simm.s32 $0x10;
	[sflag:s20] =	ssyncadd.s32 $0xFFFFE000  }
0x2b: {  	_ =	swait.ge [sflag:s23], $0x2000  }
0x2c: {  	[sflag:s23] =	ssyncset.done $0x0  }
0x2d: {  	[sflag:s23] =	ssyncadd.s32 $0xFFFFE000  }
0x2e: {  	_ =	swait.ge [sflag:s5], $0x2000  }
0x2f: {  	[sflag:s5] =	ssyncset.done $0x0  }
0x30: {  	[sflag:s5] =	ssyncadd.s32 $0xFFFFE000  }
0x31: {  	_ =	swait.ge [sflag:s21], $0x2000  }
0x32: {  	[sflag:s21] =	ssyncset.done $0x0  }
0x33: {  	s24 =	simm.s32 $0x13;
	[sflag:s21] =	ssyncadd.s32 $0xFFFFE000  }
0x34: {  	_ =	swait.ge [sflag:s24], $0x2000  }
0x35: {  	[sflag:s24] =	ssyncset.done $0x0  }
0x36: {  	s26 =	simm.s32 $0x14;
	[sflag:s24] =	ssyncadd.s32 $0xFFFFE000  }
0x37: {  	_ =	swait.ge [sflag:s26], $0x2000  }
0x38: {  	s7 =	rddreg [dreg:$0x9]  }
0x39: {  	s31 =	rddreg [dreg:$0x6];
	s7 =	sadd.s32 $0x1, s7  }
0x3a: {  	p0 =	sne.s32 s7, s31  }
.Ltmp1:
0x3b: {  	_ = 	snop;
	(pc) =	sbr.rel @!p0 .LBB2_5-.Ltmp1, $3  }
0x3c: {  	_ =	sdelay $0x1  }
0x3d: {  	[sflag:s26] =	ssyncset.done $0x0  }
0x3e: {  	[sflag:s26] =	ssyncadd.s32 $0xFFFFE000  }
.LBB2_1:
0x3f: {  	[dreg:$0x9] =	wrdreg s7  }
0x40: {  	s3 =	rddreg [dreg:$0x4];
	s6 =	simm.s32 $0x400;
	s31 =	simm.s32 $0x8000  }
0x41: {  	[tilespmem:s4], [sflag:$0x15] =	stream.strided.gather [hbm4b:s3+s6], $0x1800, s31, s6, $0x38;
	[tilespmem:$0x15C00] =	vst v63  }
0x42: {  	s8 =	rddreg [dreg:$0x5];
	s10 =	simm.s32 $0x1800;
	s20 =	simm.s32 $0x15  }
0x43: {  	[tilespmem:s10], [sflag:$0x15] =	stream.linear.gather [hbm4b:s8+s4], $0x100, $0x38;
	[tilespmem:$0x15C00] =	vst v63  }
0x44: {  	_ =	swait.ge [sflag:s20], $0x1900  }
0x45: {  	[sflag:s20] =	ssyncset.done $0x0  }
0x46: {  	s23 =	simm.s32 $0x1C00;
	[sflag:s20] =	ssyncadd.s32 $0xFFFFE700  }
0x47: {  	[tilespmem:s23], [sflag:$0x1] =	stream.indirect.gather [hbm4b:s2+s22], $0x80, s4, s22, $0xb8;
	[tilespmem:$0x15C00] =	vst v63  }
0x48: {  	s24 =	simm.s32 $0x3C00  }
0x49: {  	[tilespmem:s24], [sflag:$0x2] =	stream.indirect.gather [hbm4b:s2+s22], $0x80, s22, s22, $0xb8;
	[tilespmem:$0x15C00] =	vst v63  }
0x4a: {  	s26 =	simm.s32 $0x80;
	s31 =	simm.s32 $0x5C00  }
0x4b: {  	[tilespmem:s31], [sflag:$0x3] =	stream.indirect.gather [hbm4b:s2+s22], $0x80, s26, s22, $0xb8;
	[tilespmem:$0x15C00] =	vst v63  }
0x4c: {  	s7 =	simm.s32 $0x7C00;
	s6 =	simm.s32 $0xC0  }
0x4d: {  	[tilespmem:s7], [sflag:$0x4] =	stream.indirect.gather [hbm4b:s2+s22], $0x80, s6, s22, $0xb8;
	[tilespmem:$0x15C00] =	vst v63  }
0x4e: {  	s8 =	simm.s32 $0x100;
	s10 =	simm.s32 $0x9C00  }
0x4f: {  	[tilespmem:s10], [sflag:$0x5] =	stream.indirect.gather [hbm4b:s2+s22], $0x80, s8, s22, $0xb8;
	[tilespmem:$0x15C00] =	vst v63  }
0x50: {  	s20 =	simm.s32 $0x140;
	s23 =	simm.s32 $0xBC00  }
0x51: {  	[tilespmem:s23], [sflag:$0x6] =	stream.indirect.gather [hbm4b:s2+s22], $0x80, s20, s22, $0xb8;
	[tilespmem:$0x15C00] =	vst v63  }
0x52: {  	s24 =	simm.s32 $0x180;
	s26 =	simm.s32 $0x1C0;
	s31 =	simm.s32 $0xFC00  }
0x53: {  	[tilespmem:s18], [sflag:$0x7] =	stream.indirect.gather [hbm4b:s2+s22], $0x80, s24, s22, $0xb8;
	[tilespmem:$0x15C00] =	vst v63  }
0x54: {  	s7 =	rddreg [dreg:$0x2];
	s8 =	simm.s32 $0xFFFFFFFE;
	s23 =	simm.s32 $0x0  }
0x55: {  	[tilespmem:s31], [sflag:$0x8] =	stream.indirect.gather [hbm4b:s2+s22], $0x80, s26, s22, $0xb8;
	[tilespmem:$0x15C00] =	vst v63  }
.LBB2_2:
0x56: {  	_ =	swait.ge [sflag:s25], $0x2000  }
0x57: {  	s20 =	sadd.s32 s7, s16;
	[sflag:s25] =	ssyncset.done $0x0  }
0x58: {  	s3 =	simm.s32 $0x1C00;
	p0 =	sgt.u32 s8, $0x59;
	[sflag:s25] =	ssyncadd.s32 $0xFFFFE000  }
0x59: {  	[hbm4b:s20+s4] =	stream.linear.scatter [tilespmem:s3], [sflag:$0xB], $0x2000, $0x38;
	[tilespmem:$0x15C00] =	vst v63  }
0x5a: {  	s20 =	simm.s32 @!p0 $0x13  }
0x5b: {  	_ =	swait.ge @!p0 [sflag:s20], $0x2000  }
0x5c: {  	[sflag:s20] =	ssyncset.done @!p0 $0x0  }
0x5d: {  	p1 =	sne.s32 s23, $0x0;
	[sflag:s20] =	ssyncadd.s32 @!p0 $0xFFFFE000;
	s20 =	sshra.s32 @!p0 s23, $0x2  }
0x5e: {  	s26 =	simm.s32 @!p0 $0x40;
	s31 =	simm.s32 @!p0 $0x11C00;
	s24 =	sadd.s32 @!p0 $0x200, s20  }
0x5f: {  	[tilespmem:s31], [sflag:$0x9] =	stream.indirect.gather @!p0 [hbm4b:s2+s26], $0x80, s24, s26, $0xb8;
	[tilespmem:$0x15C00] =	vst v63  }
0x60: {  	s3 =	simm.s32 @!p1 $0x11C00;
	s24 =	simm.s32 @!p1 $0x40;
	s31 =	simm.s32 @!p1 $0x200  }
0x61: {  	[tilespmem:s3], [sflag:$0x9] =	stream.indirect.gather @!p1 [hbm4b:s2+s24], $0x80, s31, s24, $0xb8;
	[tilespmem:$0x15C00] =	vst v63  }
0x62: {  	_ =	swait.ge [sflag:s28], $0x2000  }
0x63: {  	s10 =	sadd.s32 s7, s15;
	[sflag:s28] =	ssyncset.done $0x0  }
0x64: {  	s6 =	simm.s32 $0x3C00;
	s3 =	simm.s32 @!p0 $0x14;
	[sflag:s28] =	ssyncadd.s32 $0xFFFFE000  }
0x65: {  	[hbm4b:s10+s4] =	stream.linear.scatter [tilespmem:s6], [sflag:$0xC], $0x2000, $0x38;
	[tilespmem:$0x15C00] =	vst v63  }
0x66: {  	_ =	swait.ge @!p0 [sflag:s3], $0x2000  }
0x67: {  	[sflag:s3] =	ssyncset.done @!p0 $0x0  }
0x68: {  	[sflag:s3] =	ssyncadd.s32 @!p0 $0xFFFFE000;
	s3 =	sadd.s32 @!p0 $0x240, s20;
	s20 =	simm.s32 @!p0 $0x13C00  }
0x69: {  	[tilespmem:s20], [sflag:$0xA] =	stream.indirect.gather @!p0 [hbm4b:s2+s26], $0x80, s3, s26, $0xb8;
	[tilespmem:$0x15C00] =	vst v63  }
0x6a: {  	s3 =	simm.s32 @!p1 $0x240;
	s20 =	simm.s32 @!p1 $0x13C00  }
0x6b: {  	[tilespmem:s20], [sflag:$0xA] =	stream.indirect.gather @!p1 [hbm4b:s2+s24], $0x80, s3, s24, $0xb8;
	[tilespmem:$0x15C00] =	vst v63  }
0x6c: {  	_ =	swait.ge [sflag:s29], $0x2000  }
0x6d: {  	s31 =	simm.s32 $0x5C00;
	p0 =	seq.s32 s23, $0x5A00;
	[sflag:s29] =	ssyncset.done $0x0  }
0x6e: {  	s26 =	sadd.s32 s7, s14;
	s3 =	simm.s32 @p0 $0x4;
	[sflag:s29] =	ssyncadd.s32 $0xFFFFE000  }
0x6f: {  	[hbm4b:s26+s4] =	stream.linear.scatter [tilespmem:s31], [sflag:$0xD], $0x2000, $0x38;
	[tilespmem:$0x15C00] =	vst v63  }
0x70: {  	_ =	swait.ge @p0 [sflag:s3], $0x2000  }
0x71: {  	s20 =	simm.s32 @p0 $0x0;
	[sflag:s3] =	ssyncset.done @p0 $0x0  }
0x72: {  	s24 =	simm.s32 @p0 $0x7C00;
	[sflag:s3] =	ssyncadd.s32 @p0 $0xFFFFE000;
	s3 =	sadd.s32 @p0 s7, s13  }
0x73: {  	[hbm4b:s3+s20] =	stream.linear.scatter @p0 [tilespmem:s24], [sflag:$0xE], $0x2000, $0x38;
	[tilespmem:$0x15C00] =	vst v63  }
0x74: {  	s3 =	simm.s32 @!p0 $0xB  }
0x75: {  	_ =	swait.ge @!p0 [sflag:s3], $0x2000  }
0x76: {  	s26 =	simm.s32 @!p0 $0x40;
	s24 =	sshra.s32 @!p0 s23, $0x2;
	[sflag:s3] =	ssyncset.done @!p0 $0x0  }
0x77: {  	s31 =	simm.s32 @!p0 $0x1C00;
	[sflag:s3] =	ssyncadd.s32 @!p0 $0xFFFFE000;
	s3 =	sadd.s32 @!p0 $0x280, s24  }
0x78: {  	[tilespmem:s31], [sflag:$0x1] =	stream.indirect.gather @!p0 [hbm4b:s2+s26], $0x80, s3, s26, $0xb8;
	[tilespmem:$0x15C00] =	vst v63  }
0x79: {  	s3 =	simm.s32 @!p0 $0x4  }
0x7a: {  	_ =	swait.ge @!p0 [sflag:s3], $0x2000  }
0x7b: {  	s6 =	simm.s32 @!p0 $0x7C00;
	[sflag:s3] =	ssyncset.done @!p0 $0x0  }
0x7c: {  	s31 =	simm.s32 @!p0 $0x0;
	[sflag:s3] =	ssyncadd.s32 @!p0 $0xFFFFE000;
	s3 =	sadd.s32 @!p0 s7, s13  }
0x7d: {  	[hbm4b:s3+s31] =	stream.linear.scatter @!p0 [tilespmem:s6], [sflag:$0xE], $0x2000, $0x38;
	[tilespmem:$0x15C00] =	vst v63  }
0x7e: {  	s3 =	simm.s32 @!p0 $0xC  }
0x7f: {  	_ =	swait.ge @!p0 [sflag:s3], $0x2000  }
0x80: {  	[sflag:s3] =	ssyncset.done @!p0 $0x0  }
0x81: {  	s10 =	simm.s32 @!p0 $0x3C00;
	[sflag:s3] =	ssyncadd.s32 @!p0 $0xFFFFE000;
	s3 =	sadd.s32 @!p0 $0x2C0, s24  }
0x82: {  	[tilespmem:s10], [sflag:$0x2] =	stream.indirect.gather @!p0 [hbm4b:s2+s26], $0x80, s3, s26, $0xb8;
	[tilespmem:$0x15C00] =	vst v63  }
0x83: {  	_ =	swait.ge [sflag:s30], $0x2000  }
0x84: {  	[sflag:s30] =	ssyncset.done $0x0  }
0x85: {  	s3 =	sadd.s32 s7, s12;
	s10 =	simm.s32 $0x9C00;
	[sflag:s30] =	ssyncadd.s32 $0xFFFFE000  }
0x86: {  	[hbm4b:s3+s4] =	stream.linear.scatter [tilespmem:s10], [sflag:$0xF], $0x2000, $0x38;
	[tilespmem:$0x15C00] =	vst v63  }
0x87: {  	s3 =	simm.s32 @p0 $0x6  }
0x88: {  	_ =	swait.ge @p0 [sflag:s3], $0x2000  }
0x89: {  	[sflag:s3] =	ssyncset.done @p0 $0x0  }
0x8a: {  	s10 =	simm.s32 @p0 $0xBC00;
	[sflag:s3] =	ssyncadd.s32 @p0 $0xFFFFE000;
	s3 =	sadd.s32 @p0 s7, s11  }
0x8b: {  	[hbm4b:s3+s20] =	stream.linear.scatter @p0 [tilespmem:s10], [sflag:$0x10], $0x2000, $0x38;
	[tilespmem:$0x15C00] =	vst v63  }
0x8c: {  	s3 =	simm.s32 @!p0 $0xD  }
0x8d: {  	_ =	swait.ge @!p0 [sflag:s3], $0x2000  }
0x8e: {  	[sflag:s3] =	ssyncset.done @!p0 $0x0  }
0x8f: {  	s10 =	simm.s32 @!p0 $0x5C00;
	[sflag:s3] =	ssyncadd.s32 @!p0 $0xFFFFE000;
	s3 =	sadd.s32 @!p0 $0x300, s24  }
0x90: {  	[tilespmem:s10], [sflag:$0x3] =	stream.indirect.gather @!p0 [hbm4b:s2+s26], $0x80, s3, s26, $0xb8;
	[tilespmem:$0x15C00] =	vst v63  }
0x91: {  	s3 =	simm.s32 @!p0 $0x6  }
0x92: {  	_ =	swait.ge @!p0 [sflag:s3], $0x2000  }
0x93: {  	[sflag:s3] =	ssyncset.done @!p0 $0x0  }
0x94: {  	s10 =	simm.s32 @!p0 $0xBC00;
	[sflag:s3] =	ssyncadd.s32 @!p0 $0xFFFFE000;
	s3 =	sadd.s32 @!p0 s7, s11  }
0x95: {  	[hbm4b:s3+s31] =	stream.linear.scatter @!p0 [tilespmem:s10], [sflag:$0x10], $0x2000, $0x38;
	[tilespmem:$0x15C00] =	vst v63  }
0x96: {  	s3 =	simm.s32 @!p0 $0xE  }
0x97: {  	_ =	swait.ge @!p0 [sflag:s3], $0x2000  }
0x98: {  	[sflag:s3] =	ssyncset.done @!p0 $0x0  }
0x99: {  	[sflag:s3] =	ssyncadd.s32 @!p0 $0xFFFFE000;
	s3 =	sadd.s32 @!p0 $0x340, s24  }
0x9a: {  	[tilespmem:s6], [sflag:$0x4] =	stream.indirect.gather @!p0 [hbm4b:s2+s26], $0x80, s3, s26, $0xb8;
	[tilespmem:$0x15C00] =	vst v63  }
0x9b: {  	_ =	swait.ge [sflag:s0], $0x2000  }
0x9c: {  	[sflag:s0] =	ssyncset.done $0x0;
	s6 =	rddreg [dreg:$0x8]  }
0x9d: {  	[sflag:s0] =	ssyncadd.s32 $0xFFFFE000;
	s3 =	sadd.s32 s7, s6  }
0x9e: {  	[hbm4b:s3+s4] =	stream.linear.scatter [tilespmem:s18], [sflag:$0x11], $0x2000, $0x38;
	[tilespmem:$0x15C00] =	vst v63  }
0x9f: {  	s3 =	simm.s32 @p0 $0x8  }
0xa0: {  	_ =	swait.ge @p0 [sflag:s3], $0x2000  }
0xa1: {  	[sflag:s3] =	ssyncset.done @p0 $0x0  }
0xa2: {  	s6 =	simm.s32 @p0 $0xFC00;
	[sflag:s3] =	ssyncadd.s32 @p0 $0xFFFFE000;
	s3 =	sadd.s32 @p0 s7, s9  }
0xa3: {  	[hbm4b:s3+s20] =	stream.linear.scatter @p0 [tilespmem:s6], [sflag:$0x12], $0x2000, $0x38;
	[tilespmem:$0x15C00] =	vst v63  }
0xa4: {  	s3 =	simm.s32 @!p0 $0xF  }
0xa5: {  	_ =	swait.ge @!p0 [sflag:s3], $0x2000  }
0xa6: {  	[sflag:s3] =	ssyncset.done @!p0 $0x0  }
0xa7: {  	s6 =	simm.s32 @!p0 $0x9C00;
	[sflag:s3] =	ssyncadd.s32 @!p0 $0xFFFFE000;
	s3 =	sadd.s32 @!p0 $0x380, s24  }
0xa8: {  	[tilespmem:s6], [sflag:$0x5] =	stream.indirect.gather @!p0 [hbm4b:s2+s26], $0x80, s3, s26, $0xb8;
	[tilespmem:$0x15C00] =	vst v63  }
0xa9: {  	s3 =	simm.s32 @!p0 $0x8  }
0xaa: {  	_ =	swait.ge @!p0 [sflag:s3], $0x2000  }
0xab: {  	[sflag:s3] =	ssyncset.done @!p0 $0x0  }
0xac: {  	s6 =	simm.s32 @!p0 $0xFC00;
	[sflag:s3] =	ssyncadd.s32 @!p0 $0xFFFFE000;
	s3 =	sadd.s32 @!p0 s7, s9  }
0xad: {  	[hbm4b:s3+s31] =	stream.linear.scatter @!p0 [tilespmem:s6], [sflag:$0x12], $0x2000, $0x38;
	[tilespmem:$0x15C00] =	vst v63  }
0xae: {  	s3 =	simm.s32 @!p0 $0x10  }
0xaf: {  	_ =	swait.ge @!p0 [sflag:s3], $0x2000  }
0xb0: {  	[sflag:s3] =	ssyncset.done @!p0 $0x0  }
0xb1: {  	[sflag:s3] =	ssyncadd.s32 @!p0 $0xFFFFE000;
	s3 =	sadd.s32 @!p0 $0x3C0, s24  }
0xb2: {  	[tilespmem:s10], [sflag:$0x6] =	stream.indirect.gather @!p0 [hbm4b:s2+s26], $0x80, s3, s26, $0xb8;
	[tilespmem:$0x15C00] =	vst v63  }
.Ltmp2:
0xb3: {  	_ = 	snop;
	(pc) =	sbr.rel @p0 .LBB2_4-.Ltmp2, $4  }
0xb4: {  	_ =	swait.ge [sflag:s1], $0x2000  }
0xb5: {  	s20 =	sadd.s32 s7, s17;
	[sflag:s1] =	ssyncset.done $0x0  }
0xb6: {  	s31 =	simm.s32 $0x11C00;
	s26 =	sadd.s32 $0x40000, s20;
	[sflag:s1] =	ssyncadd.s32 $0xFFFFE000  }
0xb7: {  	[hbm4b:s26+s4] =	stream.linear.scatter [tilespmem:s31], [sflag:$0x13], $0x2000, $0x38;
	[tilespmem:$0x15C00] =	vst v63  }
0xb8: {  	_ =	swait.ge [sflag:s5], $0x2000  }
0xb9: {  	s3 =	sshra.s32 s23, $0x2;
	[sflag:s5] =	ssyncset.done $0x0  }
0xba: {  	s6 =	sadd.s32 $0x400, s3;
	[sflag:s5] =	ssyncadd.s32 $0xFFFFE000  }
0xbb: {  	[tilespmem:s18], [sflag:$0x7] =	stream.indirect.gather [hbm4b:s2+s22], $0x80, s6, s22, $0xb8;
	[tilespmem:$0x15C00] =	vst v63  }
0xbc: {  	_ =	swait.ge [sflag:s19], $0x2000  }
0xbd: {  	[sflag:s19] =	ssyncset.done $0x0  }
0xbe: {  	s26 =	sadd.s32 $0x40400, s20;
	s10 =	simm.s32 $0x13C00;
	[sflag:s19] =	ssyncadd.s32 $0xFFFFE000  }
0xbf: {  	[hbm4b:s26+s4] =	stream.linear.scatter [tilespmem:s10], [sflag:$0x14], $0x2000, $0x38;
	[tilespmem:$0x15C00] =	vst v63  }
.Ltmp3:
0xc0: {  	_ = 	snop;
	(pc) =	sbr.rel .LBB2_2-.Ltmp3, $4  }
0xc1: {  	s31 =	simm.s32 $0xFC00;
	_ =	swait.ge [sflag:s21], $0x2000  }
0xc2: {  	s23 =	sadd.s32 $0xA00, s23;
	s7 =	sadd.s32 $0x50000, s7;
	[sflag:s21] =	ssyncset.done $0x0  }
0xc3: {  	s8 =	sadd.s32 $0xA, s8;
	s3 =	sadd.s32 $0x440, s3;
	[sflag:s21] =	ssyncadd.s32 $0xFFFFE000  }
0xc4: {  	[tilespmem:s31], [sflag:$0x8] =	stream.indirect.gather [hbm4b:s2+s22], $0x80, s3, s22, $0xb8;
	[tilespmem:$0x15C00] =	vst v63  }
.LBB2_5:
0xc5: {  	_ =	sfence.sel $0x180000  }
0xc6: {  	[bflag:$0x0] =	sbarrier.arrive $0xFFFF  }
0xc7: {  	_ =	strace $0x90000047  }
0xc8: {  	s0 =	stileid.u32;
	[bflag:$0x2] =	sbarrier.arrive $0xFFFF  }
0xc9: {  	p0 =	sne.s32 s0, $0x0;
	s0 =	rddreg [dreg:$0x3]  }
0xca: {  	s0 =	sadd.s32 @!p0 $0x100000, s0  }
0xcb: {  	[sflag:s0] =	ssyncadd.tile.s32 @!p0 $0x1;
	_ =	shalt  }
.Lfunc_end2:
_tile_overlayer_lowered:
.L_overlay_start_2:
0xcc: {  	(tag) =	ssettag $0x2  }
0xcd: {  	s0 =	rddreg [dreg:$0x0];
	s2 =	stileid.u32  }
0xce: {  	s1 =	rddreg [dreg:$0x1];
	p0 =	sne.s32 s2, $0x0  }
0xcf: {  	s3 =	rddreg [dreg:$0x2];
	[bflag:$0x3] =	sbarrier.arrive $0xFFFF;
	s2 =	simm.s32 @!p0 $0x1C15  }
0xd0: {  	[timem:s3], [sflag:s2] =	dma.local @!p0 [hbm:s0], s1  }
0xd1: {  	s0 =	simm.s32 @!p0 $0x15  }
0xd2: {  	_ =	swait.ge @!p0 [sflag:s0], s1  }
0xd3: {  	s1 =	ssub.s32 @!p0 $0x0, s1;
	[sflag:s0] =	ssyncset.done @!p0 $0x0  }
0xd4: {  	[sflag:s0] =	ssyncadd.s32 @!p0 s1  }
0xd5: {  	[bflag:$0x3] =	sbarrier.arrive $0xFFFF  }
0xd6: {  	_ =	shalt  }

</sc_bundles>
